<compile_context>
chip_gen: v7x
topology: tpu7x:2x2x1
jax: 0.10.2.dev20260603
libtpu: 0.0.44.dev20260713+nightly
codegen_flags: <defaults>
</compile_context>

<pallas_src>
import jax
import jax.numpy as jnp
from jax import lax
from jax.experimental import pallas as pl
from jax.experimental.pallas import tpu as pltpu
from jax.experimental.pallas import tpu_sc as plsc

_N, _E, _D = 10000, 320000, 128
_NC, _NS = 2, 16
_NW = _NC * _NS
_EPW = _E // _NW
_C = 128
_NCHUNK = 80
_CAP = _NCHUNK * _C
_RPT = 632
_NPAD = _NS * _RPT
_CNT_PAD = _NS * 640
_F32 = jnp.float32


def _build_agg(with_count):
    mesh = plsc.VectorSubcoreMesh(core_axis_name="c", subcore_axis_name="s")
    out_type = [jax.ShapeDtypeStruct((_NC, _NPAD, _D), _F32)]
    scratch = (
        [pltpu.VMEM((_C,), jnp.int32) for _ in range(4)] +
        [pltpu.VMEM((_C,), jnp.int32) for _ in range(4)] +
        [pltpu.VMEM((_C, _D), _F32) for _ in range(2)] +
        [pltpu.VMEM_SHARED((_NPAD, _D), _F32)] +
        [pltpu.SemaphoreType.DMA for _ in range(4)] +
        [pltpu.SemaphoreType.DMA for _ in range(2)] +
        [pltpu.SemaphoreType.DMA for _ in range(2)]
    )
    if with_count:
        out_type.append(jax.ShapeDtypeStruct((_NC, _CNT_PAD), _F32))
        scratch += [
            pltpu.VMEM((_C,), _F32),
            pltpu.VMEM((640,), _F32),
            pltpu.VMEM_SHARED((_CNT_PAD,), _F32),
        ]

    def body(y_hbm, src_hbm, dst_hbm, agg_out, *rest):
        if with_count:
            cnt_out = rest[0]
            rest = rest[1:]
        srcs, dsts = rest[0:4], rest[4:8]
        rows = rest[8:10]
        acc_sp = rest[10]
        sis, sgs, sss = rest[11:15], rest[15:17], rest[17:19]
        if with_count:
            ones_v, zc_v, cnt_sp = rest[19:22]
        rows_v = rows[0]

        core = lax.axis_index("c")
        sub = lax.axis_index("s")
        wid = core * _NS + sub

        @pl.loop(0, _C)
        def _(i):
            for j in range(_D // 16):
                rows_v[i, pl.ds(j * 16, 16)] = jnp.zeros((16,), _F32)

        r0 = sub * _RPT
        nfull = _RPT // _C
        rem = _RPT % _C
        for k in range(nfull):
            pltpu.sync_copy(rows_v, acc_sp.at[pl.ds(r0 + k * _C, _C)])
        if rem:
            pltpu.sync_copy(rows_v.at[pl.ds(0, rem)],
                            acc_sp.at[pl.ds(r0 + nfull * _C, rem)])

        if with_count:
            @pl.loop(0, 640 // 16)
            def _(i):
                zc_v[pl.ds(i * 16, 16)] = jnp.zeros((16,), _F32)

            @pl.loop(0, _C // 16)
            def _(i):
                ones_v[pl.ds(i * 16, 16)] = jnp.ones((16,), _F32)

            pltpu.sync_copy(zc_v, cnt_sp.at[pl.ds(sub * 640, 640)])

        plsc.subcore_barrier()

        ebase = wid * _CAP

        for m in range(4):
            bm = ebase + m * _C
            pltpu.async_copy(src_hbm.at[pl.ds(bm, _C)], srcs[m], sis[m])
            pltpu.async_copy(dst_hbm.at[pl.ds(bm, _C)], dsts[m], sis[m])
        pltpu.make_async_copy(src_hbm.at[pl.ds(ebase, _C)],
                              srcs[0], sis[0]).wait()
        pltpu.make_async_copy(dst_hbm.at[pl.ds(ebase, _C)],
                              dsts[0], sis[0]).wait()
        pltpu.async_copy(y_hbm.at[srcs[0]], rows[0], sgs[0])

        @pl.loop(0, _NCHUNK, step=4)
        def _(j):
            for p in range(4):
                jj = j + p
                m = p
                m1 = (p + 1) % 4
                m3 = (p + 3) % 4
                rp = p % 2
                rq = 1 - rp
                b = ebase + jj * _C

                @pl.when(jj >= 1)
                def _():
                    pltpu.make_async_copy(rows[rq], acc_sp.at[dsts[m3]],
                                          sss[rq]).wait()

                    @pl.when(jj + 3 < _NCHUNK)
                    def _():
                        b3 = b + 3 * _C
                        pltpu.async_copy(src_hbm.at[pl.ds(b3, _C)],
                                         srcs[m3], sis[m3])
                        pltpu.async_copy(dst_hbm.at[pl.ds(b3, _C)],
                                         dsts[m3], sis[m3])

                @pl.when(jj + 1 < _NCHUNK)
                def _():
                    bn = b + _C
                    pltpu.make_async_copy(src_hbm.at[pl.ds(bn, _C)],
                                          srcs[m1], sis[m1]).wait()
                    pltpu.make_async_copy(dst_hbm.at[pl.ds(bn, _C)],
                                          dsts[m1], sis[m1]).wait()
                    pltpu.async_copy(y_hbm.at[srcs[m1]], rows[rq], sgs[rq])

                pltpu.make_async_copy(y_hbm.at[srcs[m]],
                                      rows[rp], sgs[rp]).wait()
                pltpu.async_copy(rows[rp], acc_sp.at[dsts[m]],
                                 sss[rp], add=True)
                if with_count:
                    pltpu.sync_copy(ones_v, cnt_sp.at[dsts[m]], add=True)

        pltpu.make_async_copy(rows[(_NCHUNK - 1) % 2],
                              acc_sp.at[dsts[(_NCHUNK - 1) % 4]],
                              sss[(_NCHUNK - 1) % 2]).wait()

        plsc.subcore_barrier()

        for k in range(nfull):
            sl = pl.ds(r0 + k * _C, _C)
            pltpu.sync_copy(acc_sp.at[sl], agg_out.at[core].at[sl])
        if rem:
            sl = pl.ds(r0 + nfull * _C, rem)
            pltpu.sync_copy(acc_sp.at[sl], agg_out.at[core].at[sl])
        if with_count:
            sl = pl.ds(sub * 640, 640)
            pltpu.sync_copy(cnt_sp.at[sl], cnt_out.at[core].at[sl])

    return pl.kernel(body, out_type=out_type, mesh=mesh, scratch_types=scratch)


_agg_with_count = _build_agg(True)
_agg_no_count = _build_agg(False)

_BM = 2000


def _sage_tc(xin, p, cnt, Wl, bl, Wr, relu):
    def body(x_ref, p_ref, c_ref, wl_ref, b_ref, wr_ref, o_ref):
        s = p_ref[0] + p_ref[1]
        c = jnp.maximum(c_ref[0] + c_ref[1], 1.0)
        mean = s / c
        acc = lax.dot_general(mean, wl_ref[...], (((1,), (1,)), ((), ())),
                              preferred_element_type=_F32)
        acc = acc + b_ref[...]
        acc = acc + lax.dot_general(x_ref[...], wr_ref[...],
                                    (((1,), (1,)), ((), ())),
                                    preferred_element_type=_F32)
        if relu:
            acc = jnp.maximum(acc, 0.0)
        o_ref[...] = acc

    return pl.pallas_call(
        body,
        grid=(_N // _BM,),
        in_specs=[
            pl.BlockSpec((_BM, _D), lambda i: (i, 0)),
            pl.BlockSpec((_NC, _BM, _D), lambda i: (0, i, 0)),
            pl.BlockSpec((_NC, _BM, 1), lambda i: (0, i, 0)),
            pl.BlockSpec((_D, _D), lambda i: (0, 0)),
            pl.BlockSpec((1, _D), lambda i: (0, 0)),
            pl.BlockSpec((_D, _D), lambda i: (0, 0)),
        ],
        out_specs=pl.BlockSpec((_BM, _D), lambda i: (i, 0)),
        out_shape=jax.ShapeDtypeStruct((_N, _D), _F32),
    )(xin, p, cnt, Wl, bl, Wr)


def _pack_edges(edge_index):
    src = edge_index[0].astype(jnp.int32).reshape(_NW, _EPW)
    dst = edge_index[1].astype(jnp.int32).reshape(_NW, _EPW)
    pad = _CAP - _EPW
    padsrc = (jnp.arange(_NW * pad, dtype=jnp.int32) * 131) % _N
    padrow = _N + (jnp.arange(_NW * pad, dtype=jnp.int32) % (_NPAD - _N))
    srcp = jnp.concatenate([src, padsrc.reshape(_NW, pad)], axis=1)
    dstp = jnp.concatenate([dst, padrow.reshape(_NW, pad)], axis=1)
    return srcp.reshape(_NW * _CAP), dstp.reshape(_NW * _CAP)


def kernel(x, edge_index, Wl0, bl0, Wr0, Wl1, bl1, Wr1):
    src, dst = _pack_edges(edge_index)
    bl0r = bl0.reshape(1, _D)
    bl1r = bl1.reshape(1, _D)

    agg1, cnt_raw = _agg_with_count(x, src, dst)
    cnt = cnt_raw[:, :_N].reshape(_NC, _N, 1)
    h = _sage_tc(x, agg1[:, :_N], cnt, Wl0, bl0r, Wr0, relu=True)
    (agg2,) = _agg_no_count(h, src, dst)
    out = _sage_tc(h, agg2[:, :_N], cnt, Wl1, bl1r, Wr1, relu=False)
    return out

# --- scband reference (transcript-rebuilt; emitter-appended) ---
"""Pipeline reference for scband-gnnencoder-90744069030631 (READ-ONLY COPY).

The authoritative reference and input builder live on the scoring server;
editing this copy changes nothing except your own understanding.
"""

import jax, jax.numpy as jnp
import numpy as np

N, E, D, H = 10000, 320000, 128, 128

def setup_inputs(seed: int = 0) -> dict:
    key = jax.random.key(seed)
    ks = jax.random.split(key, 8)
    x = jax.random.normal(ks[0], (N, D), dtype=jnp.float32)
    edge_index = jax.random.randint(ks[1], (2, E), 0, N, dtype=jnp.int64)
    s = 1.0 / np.sqrt(D)
    Wl0 = jax.random.uniform(ks[2], (H, D), minval=-s, maxval=s, dtype=jnp.float32)
    bl0 = jnp.zeros((H,), dtype=jnp.float32)
    Wr0 = jax.random.uniform(ks[3], (H, D), minval=-s, maxval=s, dtype=jnp.float32)
    s1 = 1.0 / np.sqrt(H)
    Wl1 = jax.random.uniform(ks[4], (H, H), minval=-s1, maxval=s1, dtype=jnp.float32)
    bl1 = jnp.zeros((H,), dtype=jnp.float32)
    Wr1 = jax.random.uniform(ks[5], (H, H), minval=-s1, maxval=s1, dtype=jnp.float32)
    return {"x": x, "edge_index": edge_index, "Wl0": Wl0, "bl0": bl0, "Wr0": Wr0, "Wl1": Wl1, "bl1": bl1, "Wr1": Wr1}

def _sage_conv(x, edge_index, Wl, bl, Wr):
    # PyG SAGEConv: mean-aggregate neighbor messages (src -> dst), then
    # out = lin_l(mean_aggr) + lin_r(x); bias lives on lin_l.
    src = edge_index[0]
    dst = edge_index[1]
    msgs = x[src]  # gather [E, d]
    summed = jax.ops.segment_sum(msgs, dst, num_segments=x.shape[0])
    cnt = jax.ops.segment_sum(jnp.ones((edge_index.shape[1],), dtype=x.dtype), dst, num_segments=x.shape[0])
    mean = summed / jnp.clip(cnt, 1.0, None)[:, None]
    return mean @ Wl.T + bl + x @ Wr.T

def reference(x, edge_index, Wl0, bl0, Wr0, Wl1, bl1, Wr1):
    h = _sage_conv(x, edge_index, Wl0, bl0, Wr0)
    h = jax.nn.relu(h)  # relu on all layers except the last
    out = _sage_conv(h, edge_index, Wl1, bl1, Wr1)
    return out

if __name__ == "__main__":
    import jax
    _d = setup_inputs()
    print(jax.jit(kernel)(*tuple(_d.values())))

</pallas_src>

<mosaic_0001>
#map = affine_map<(d0, d1) -> (0, 0)>
#map1 = affine_map<(d0, d1) -> (0)>
#map2 = affine_map<(d0, d1) -> (0, 0, 0)>
module attributes {stable_mosaic.version = 14 : i64} {
  func.func @body(%arg0: i32, %arg1: i32, %arg2: memref<10000x128xf32, #tpu.memory_space<hbm>>, %arg3: memref<327680xi32, #tpu.memory_space<hbm>>, %arg4: memref<327680xi32, #tpu.memory_space<hbm>>, %arg5: memref<2x10112x128xf32, #tpu.memory_space<hbm>>, %arg6: memref<128xi32, #tpu.memory_space<vmem>>, %arg7: memref<128xi32, #tpu.memory_space<vmem>>, %arg8: memref<128xi32, #tpu.memory_space<vmem>>, %arg9: memref<128xi32, #tpu.memory_space<vmem>>, %arg10: memref<128xi32, #tpu.memory_space<vmem>>, %arg11: memref<128xi32, #tpu.memory_space<vmem>>, %arg12: memref<128xi32, #tpu.memory_space<vmem>>, %arg13: memref<128xi32, #tpu.memory_space<vmem>>, %arg14: memref<128x128xf32, #tpu.memory_space<vmem>>, %arg15: memref<128x128xf32, #tpu.memory_space<vmem>>, %arg16: memref<10112x128xf32, #tpu.memory_space<vmem_shared>>, %arg17: memref<!tpu.dma_semaphore, #tpu.memory_space<semaphore_mem>>, %arg18: memref<!tpu.dma_semaphore, #tpu.memory_space<semaphore_mem>>, %arg19: memref<!tpu.dma_semaphore, #tpu.memory_space<semaphore_mem>>, %arg20: memref<!tpu.dma_semaphore, #tpu.memory_space<semaphore_mem>>, %arg21: memref<!tpu.dma_semaphore, #tpu.memory_space<semaphore_mem>>, %arg22: memref<!tpu.dma_semaphore, #tpu.memory_space<semaphore_mem>>, %arg23: memref<!tpu.dma_semaphore, #tpu.memory_space<semaphore_mem>>, %arg24: memref<!tpu.dma_semaphore, #tpu.memory_space<semaphore_mem>>) attributes {dimension_semantics = [#tpu.dimension_semantics<core_parallel>, #tpu.dimension_semantics<subcore_parallel>], iteration_bounds = array<i64: 2, 16>, scalar_prefetch = 0 : i64, scratch_operands = 19 : i64, tpu.core_type = #tpu.core_type<sc_vector_subcore>, window_params = [{transform_indices = #map}, {transform_indices = #map1}, {transform_indices = #map1}, {transform_indices = #map2}]} {
    %mul3A = arith.constant 16 : i32
    %mul3A_0 = arith.muli %arg0, %mul3A : i32
    %add3A = arith.addi %mul3A_0, %arg1 : i32
    %scan3A = arith.constant 0 : i32
    %scan3A_1 = arith.constant 128 : i32
    %scan3A_2 = arith.addi %scan3A, %scan3A_1 : i32
    %scan3A_3 = arith.constant 1 : i32
    scf.for %scan3A_67 = %scan3A to %scan3A_2 step %scan3A_3  : i32 {
      %mul3A_68 = arith.constant 1 : i32
      %mul3A_69 = arith.muli %scan3A_67, %mul3A_68 : i32
      %add3A_70 = arith.constant 0 : i32
      %add3A_71 = arith.addi %add3A_70, %mul3A_69 : i32
      %broadcast_in_dim3A = arith.constant 0.000000e+00 : f32
      %broadcast_in_dim3A_72 = vector.broadcast %broadcast_in_dim3A : f32 to vector<16xf32>
      %swap3A = arith.index_cast %add3A_71 : i32 to index
      %swap3A_73 = arith.constant 0 : index
      %swap3A_74 = tpu.vector_load %arg14[%swap3A, %swap3A_73] {strides = array<i32>} : memref<128x128xf32, #tpu.memory_space<vmem>>, vector<1x16xf32>,
      %swap3A_75 = vector.shape_cast %swap3A_74 : vector<1x16xf32> to vector<16xf32>
      %swap3A_76 = vector.shape_cast %broadcast_in_dim3A_72 : vector<16xf32> to vector<1x16xf32>
      tpu.vector_store %arg14[%swap3A, %swap3A_73], %swap3A_76 {strides = array<i32>} : memref<128x128xf32, #tpu.memory_space<vmem>>, vector<1x16xf32>,
      %broadcast_in_dim3A_77 = arith.constant 0.000000e+00 : f32
      %broadcast_in_dim3A_78 = vector.broadcast %broadcast_in_dim3A_77 : f32 to vector<16xf32>
      %swap3A_79 = arith.index_cast %add3A_71 : i32 to index
      %swap3A_80 = arith.constant 16 : index
      %swap3A_81 = tpu.vector_load %arg14[%swap3A_79, %swap3A_80] {strides = array<i32>} : memref<128x128xf32, #tpu.memory_space<vmem>>, vector<1x16xf32>,
      %swap3A_82 = vector.shape_cast %swap3A_81 : vector<1x16xf32> to vector<16xf32>
      %swap3A_83 = vector.shape_cast %broadcast_in_dim3A_78 : vector<16xf32> to vector<1x16xf32>
      tpu.vector_store %arg14[%swap3A_79, %swap3A_80], %swap3A_83 {strides = array<i32>} : memref<128x128xf32, #tpu.memory_space<vmem>>, vector<1x16xf32>,
      %broadcast_in_dim3A_84 = arith.constant 0.000000e+00 : f32
      %broadcast_in_dim3A_85 = vector.broadcast %broadcast_in_dim3A_84 : f32 to vector<16xf32>
      %swap3A_86 = arith.index_cast %add3A_71 : i32 to index
      %swap3A_87 = arith.constant 32 : index
      %swap3A_88 = tpu.vector_load %arg14[%swap3A_86, %swap3A_87] {strides = array<i32>} : memref<128x128xf32, #tpu.memory_space<vmem>>, vector<1x16xf32>,
      %swap3A_89 = vector.shape_cast %swap3A_88 : vector<1x16xf32> to vector<16xf32>
      %swap3A_90 = vector.shape_cast %broadcast_in_dim3A_85 : vector<16xf32> to vector<1x16xf32>
      tpu.vector_store %arg14[%swap3A_86, %swap3A_87], %swap3A_90 {strides = array<i32>} : memref<128x128xf32, #tpu.memory_space<vmem>>, vector<1x16xf32>,
      %broadcast_in_dim3A_91 = arith.constant 0.000000e+00 : f32
      %broadcast_in_dim3A_92 = vector.broadcast %broadcast_in_dim3A_91 : f32 to vector<16xf32>
      %swap3A_93 = arith.index_cast %add3A_71 : i32 to index
      %swap3A_94 = arith.constant 48 : index
      %swap3A_95 = tpu.vector_load %arg14[%swap3A_93, %swap3A_94] {strides = array<i32>} : memref<128x128xf32, #tpu.memory_space<vmem>>, vector<1x16xf32>,
      %swap3A_96 = vector.shape_cast %swap3A_95 : vector<1x16xf32> to vector<16xf32>
      %swap3A_97 = vector.shape_cast %broadcast_in_dim3A_92 : vector<16xf32> to vector<1x16xf32>
      tpu.vector_store %arg14[%swap3A_93, %swap3A_94], %swap3A_97 {strides = array<i32>} : memref<128x128xf32, #tpu.memory_space<vmem>>, vector<1x16xf32>,
      %broadcast_in_dim3A_98 = arith.constant 0.000000e+00 : f32
      %broadcast_in_dim3A_99 = vector.broadcast %broadcast_in_dim3A_98 : f32 to vector<16xf32>
      %swap3A_100 = arith.index_cast %add3A_71 : i32 to index
      %swap3A_101 = arith.constant 64 : index
      %swap3A_102 = tpu.vector_load %arg14[%swap3A_100, %swap3A_101] {strides = array<i32>} : memref<128x128xf32, #tpu.memory_space<vmem>>, vector<1x16xf32>,
      %swap3A_103 = vector.shape_cast %swap3A_102 : vector<1x16xf32> to vector<16xf32>
      %swap3A_104 = vector.shape_cast %broadcast_in_dim3A_99 : vector<16xf32> to vector<1x16xf32>
      tpu.vector_store %arg14[%swap3A_100, %swap3A_101], %swap3A_104 {strides = array<i32>} : memref<128x128xf32, #tpu.memory_space<vmem>>, vector<1x16xf32>,
      %broadcast_in_dim3A_105 = arith.constant 0.000000e+00 : f32
      %broadcast_in_dim3A_106 = vector.broadcast %broadcast_in_dim3A_105 : f32 to vector<16xf32>
      %swap3A_107 = arith.index_cast %add3A_71 : i32 to index
      %swap3A_108 = arith.constant 80 : index
      %swap3A_109 = tpu.vector_load %arg14[%swap3A_107, %swap3A_108] {strides = array<i32>} : memref<128x128xf32, #tpu.memory_space<vmem>>, vector<1x16xf32>,
      %swap3A_110 = vector.shape_cast %swap3A_109 : vector<1x16xf32> to vector<16xf32>
      %swap3A_111 = vector.shape_cast %broadcast_in_dim3A_106 : vector<16xf32> to vector<1x16xf32>
      tpu.vector_store %arg14[%swap3A_107, %swap3A_108], %swap3A_111 {strides = array<i32>} : memref<128x128xf32, #tpu.memory_space<vmem>>, vector<1x16xf32>,
      %broadcast_in_dim3A_112 = arith.constant 0.000000e+00 : f32
      %broadcast_in_dim3A_113 = vector.broadcast %broadcast_in_dim3A_112 : f32 to vector<16xf32>
      %swap3A_114 = arith.index_cast %add3A_71 : i32 to index
      %swap3A_115 = arith.constant 96 : index
      %swap3A_116 = tpu.vector_load %arg14[%swap3A_114, %swap3A_115] {strides = array<i32>} : memref<128x128xf32, #tpu.memory_space<vmem>>, vector<1x16xf32>,
      %swap3A_117 = vector.shape_cast %swap3A_116 : vector<1x16xf32> to vector<16xf32>
      %swap3A_118 = vector.shape_cast %broadcast_in_dim3A_113 : vector<16xf32> to vector<1x16xf32>
      tpu.vector_store %arg14[%swap3A_114, %swap3A_115], %swap3A_118 {strides = array<i32>} : memref<128x128xf32, #tpu.memory_space<vmem>>, vector<1x16xf32>,
      %broadcast_in_dim3A_119 = arith.constant 0.000000e+00 : f32
      %broadcast_in_dim3A_120 = vector.broadcast %broadcast_in_dim3A_119 : f32 to vector<16xf32>
      %swap3A_121 = arith.index_cast %add3A_71 : i32 to index
      %swap3A_122 = arith.constant 112 : index
      %swap3A_123 = tpu.vector_load %arg14[%swap3A_121, %swap3A_122] {strides = array<i32>} : memref<128x128xf32, #tpu.memory_space<vmem>>, vector<1x16xf32>,
      %swap3A_124 = vector.shape_cast %swap3A_123 : vector<1x16xf32> to vector<16xf32>
      %swap3A_125 = vector.shape_cast %broadcast_in_dim3A_120 : vector<16xf32> to vector<1x16xf32>
      tpu.vector_store %arg14[%swap3A_121, %swap3A_122], %swap3A_125 {strides = array<i32>} : memref<128x128xf32, #tpu.memory_space<vmem>>, vector<1x16xf32>,
    }
    %scan3A_4 = arith.constant 128 : i32
    %mul3A_5 = arith.constant 632 : i32
    %mul3A_6 = arith.muli %arg1, %mul3A_5 : i32
    %add3A_7 = arith.constant 0 : i32
    %add3A_8 = arith.addi %mul3A_6, %add3A_7 : i32
    "tpu.region"() ({
      %run_scoped3A = tpu.sem_alloc : memref<!tpu.dma_semaphore, #tpu.memory_space<semaphore_mem>>
      %dma_start3A_67 = arith.constant 0 : i32
      %dma_start3A_68 = tpu.memref_slice %arg16[%add3A_8, %dma_start3A_67] : memref<10112x128xf32, #tpu.memory_space<vmem_shared>> -> memref<128x128xf32, #tpu.memory_space<vmem_shared>>
      %dma_start3A_69 = arith.constant 0 : i32
      %dma_start3A_70 = tpu.memref_slice %arg16[%add3A_8, %dma_start3A_69] : memref<10112x128xf32, #tpu.memory_space<vmem_shared>> -> memref<128x128xf32, #tpu.memory_space<vmem_shared>>
      tpu.enqueue_dma source(%arg14 : memref<128x128xf32, #tpu.memory_space<vmem>>) target(%dma_start3A_70 : memref<128x128xf32, #tpu.memory_space<vmem_shared>>) target_semaphore(%run_scoped3A : memref<!tpu.dma_semaphore, #tpu.memory_space<semaphore_mem>>)
      %dma_wait3A_71 = arith.constant 0 : i32
      %dma_wait3A_72 = tpu.memref_slice %arg16[%add3A_8, %dma_wait3A_71] : memref<10112x128xf32, #tpu.memory_space<vmem_shared>> -> memref<128x128xf32, #tpu.memory_space<vmem_shared>>
      %dma_wait3A_73 = arith.constant 0 : i32
      %dma_wait3A_74 = tpu.memref_slice %arg16[%add3A_8, %dma_wait3A_73] : memref<10112x128xf32, #tpu.memory_space<vmem_shared>> -> memref<128x128xf32, #tpu.memory_space<vmem_shared>>
      tpu.wait_dma2 semaphore(%run_scoped3A : memref<!tpu.dma_semaphore, #tpu.memory_space<semaphore_mem>>) src(%arg14 : memref<128x128xf32, #tpu.memory_space<vmem>>) dst(%dma_wait3A_74 : memref<128x128xf32, #tpu.memory_space<vmem_shared>>)
      tpu.yield
    }) : () -> ()
    %add3A_9 = arith.constant 128 : i32
    %add3A_10 = arith.addi %mul3A_6, %add3A_9 : i32
    "tpu.region"() ({
      %run_scoped3A = tpu.sem_alloc : memref<!tpu.dma_semaphore, #tpu.memory_space<semaphore_mem>>
      %dma_start3A_67 = arith.constant 0 : i32
      %dma_start3A_68 = tpu.memref_slice %arg16[%add3A_10, %dma_start3A_67] : memref<10112x128xf32, #tpu.memory_space<vmem_shared>> -> memref<128x128xf32, #tpu.memory_space<vmem_shared>>
      %dma_start3A_69 = arith.constant 0 : i32
      %dma_start3A_70 = tpu.memref_slice %arg16[%add3A_10, %dma_start3A_69] : memref<10112x128xf32, #tpu.memory_space<vmem_shared>> -> memref<128x128xf32, #tpu.memory_space<vmem_shared>>
      tpu.enqueue_dma source(%arg14 : memref<128x128xf32, #tpu.memory_space<vmem>>) target(%dma_start3A_70 : memref<128x128xf32, #tpu.memory_space<vmem_shared>>) target_semaphore(%run_scoped3A : memref<!tpu.dma_semaphore, #tpu.memory_space<semaphore_mem>>)
      %dma_wait3A_71 = arith.constant 0 : i32
      %dma_wait3A_72 = tpu.memref_slice %arg16[%add3A_10, %dma_wait3A_71] : memref<10112x128xf32, #tpu.memory_space<vmem_shared>> -> memref<128x128xf32, #tpu.memory_space<vmem_shared>>
      %dma_wait3A_73 = arith.constant 0 : i32
      %dma_wait3A_74 = tpu.memref_slice %arg16[%add3A_10, %dma_wait3A_73] : memref<10112x128xf32, #tpu.memory_space<vmem_shared>> -> memref<128x128xf32, #tpu.memory_space<vmem_shared>>
      tpu.wait_dma2 semaphore(%run_scoped3A : memref<!tpu.dma_semaphore, #tpu.memory_space<semaphore_mem>>) src(%arg14 : memref<128x128xf32, #tpu.memory_space<vmem>>) dst(%dma_wait3A_74 : memref<128x128xf32, #tpu.memory_space<vmem_shared>>)
      tpu.yield
    }) : () -> ()
    %add3A_11 = arith.constant 256 : i32
    %add3A_12 = arith.addi %mul3A_6, %add3A_11 : i32
    "tpu.region"() ({
      %run_scoped3A = tpu.sem_alloc : memref<!tpu.dma_semaphore, #tpu.memory_space<semaphore_mem>>
      %dma_start3A_67 = arith.constant 0 : i32
      %dma_start3A_68 = tpu.memref_slice %arg16[%add3A_12, %dma_start3A_67] : memref<10112x128xf32, #tpu.memory_space<vmem_shared>> -> memref<128x128xf32, #tpu.memory_space<vmem_shared>>
      %dma_start3A_69 = arith.constant 0 : i32
      %dma_start3A_70 = tpu.memref_slice %arg16[%add3A_12, %dma_start3A_69] : memref<10112x128xf32, #tpu.memory_space<vmem_shared>> -> memref<128x128xf32, #tpu.memory_space<vmem_shared>>
      tpu.enqueue_dma source(%arg14 : memref<128x128xf32, #tpu.memory_space<vmem>>) target(%dma_start3A_70 : memref<128x128xf32, #tpu.memory_space<vmem_shared>>) target_semaphore(%run_scoped3A : memref<!tpu.dma_semaphore, #tpu.memory_space<semaphore_mem>>)
      %dma_wait3A_71 = arith.constant 0 : i32
      %dma_wait3A_72 = tpu.memref_slice %arg16[%add3A_12, %dma_wait3A_71] : memref<10112x128xf32, #tpu.memory_space<vmem_shared>> -> memref<128x128xf32, #tpu.memory_space<vmem_shared>>
      %dma_wait3A_73 = arith.constant 0 : i32
      %dma_wait3A_74 = tpu.memref_slice %arg16[%add3A_12, %dma_wait3A_73] : memref<10112x128xf32, #tpu.memory_space<vmem_shared>> -> memref<128x128xf32, #tpu.memory_space<vmem_shared>>
      tpu.wait_dma2 semaphore(%run_scoped3A : memref<!tpu.dma_semaphore, #tpu.memory_space<semaphore_mem>>) src(%arg14 : memref<128x128xf32, #tpu.memory_space<vmem>>) dst(%dma_wait3A_74 : memref<128x128xf32, #tpu.memory_space<vmem_shared>>)
      tpu.yield
    }) : () -> ()
    %add3A_13 = arith.constant 384 : i32
    %add3A_14 = arith.addi %mul3A_6, %add3A_13 : i32
    "tpu.region"() ({
      %run_scoped3A = tpu.sem_alloc : memref<!tpu.dma_semaphore, #tpu.memory_space<semaphore_mem>>
      %dma_start3A_67 = arith.constant 0 : i32
      %dma_start3A_68 = tpu.memref_slice %arg16[%add3A_14, %dma_start3A_67] : memref<10112x128xf32, #tpu.memory_space<vmem_shared>> -> memref<128x128xf32, #tpu.memory_space<vmem_shared>>
      %dma_start3A_69 = arith.constant 0 : i32
      %dma_start3A_70 = tpu.memref_slice %arg16[%add3A_14, %dma_start3A_69] : memref<10112x128xf32, #tpu.memory_space<vmem_shared>> -> memref<128x128xf32, #tpu.memory_space<vmem_shared>>
      tpu.enqueue_dma source(%arg14 : memref<128x128xf32, #tpu.memory_space<vmem>>) target(%dma_start3A_70 : memref<128x128xf32, #tpu.memory_space<vmem_shared>>) target_semaphore(%run_scoped3A : memref<!tpu.dma_semaphore, #tpu.memory_space<semaphore_mem>>)
      %dma_wait3A_71 = arith.constant 0 : i32
      %dma_wait3A_72 = tpu.memref_slice %arg16[%add3A_14, %dma_wait3A_71] : memref<10112x128xf32, #tpu.memory_space<vmem_shared>> -> memref<128x128xf32, #tpu.memory_space<vmem_shared>>
      %dma_wait3A_73 = arith.constant 0 : i32
      %dma_wait3A_74 = tpu.memref_slice %arg16[%add3A_14, %dma_wait3A_73] : memref<10112x128xf32, #tpu.memory_space<vmem_shared>> -> memref<128x128xf32, #tpu.memory_space<vmem_shared>>
      tpu.wait_dma2 semaphore(%run_scoped3A : memref<!tpu.dma_semaphore, #tpu.memory_space<semaphore_mem>>) src(%arg14 : memref<128x128xf32, #tpu.memory_space<vmem>>) dst(%dma_wait3A_74 : memref<128x128xf32, #tpu.memory_space<vmem_shared>>)
      tpu.yield
    }) : () -> ()
    %add3A_15 = arith.constant 512 : i32
    %add3A_16 = arith.addi %mul3A_6, %add3A_15 : i32
    "tpu.region"() ({
      %run_scoped3A = tpu.sem_alloc : memref<!tpu.dma_semaphore, #tpu.memory_space<semaphore_mem>>
      %dma_start3A_67 = arith.constant 0 : i32
      %dma_start3A_68 = arith.constant 0 : i32
      %dma_start3A_69 = tpu.memref_slice %arg14[%dma_start3A_67, %dma_start3A_68] : memref<128x128xf32, #tpu.memory_space<vmem>> -> memref<120x128xf32, #tpu.memory_space<vmem>>
      %dma_start3A_70 = arith.constant 0 : i32
      %dma_start3A_71 = tpu.memref_slice %arg16[%add3A_16, %dma_start3A_70] : memref<10112x128xf32, #tpu.memory_space<vmem_shared>> -> memref<120x128xf32, #tpu.memory_space<vmem_shared>>
      %dma_start3A_72 = arith.constant 0 : i32
      %dma_start3A_73 = tpu.memref_slice %arg16[%add3A_16, %dma_start3A_72] : memref<10112x128xf32, #tpu.memory_space<vmem_shared>> -> memref<120x128xf32, #tpu.memory_space<vmem_shared>>
      %dma_start3A_74 = arith.constant 0 : i32
      %dma_start3A_75 = arith.constant 0 : i32
      %dma_start3A_76 = tpu.memref_slice %arg14[%dma_start3A_74, %dma_start3A_75] : memref<128x128xf32, #tpu.memory_space<vmem>> -> memref<120x128xf32, #tpu.memory_space<vmem>>
      tpu.enqueue_dma source(%dma_start3A_76 : memref<120x128xf32, #tpu.memory_space<vmem>>) target(%dma_start3A_73 : memref<120x128xf32, #tpu.memory_space<vmem_shared>>) target_semaphore(%run_scoped3A : memref<!tpu.dma_semaphore, #tpu.memory_space<semaphore_mem>>)
      %dma_wait3A_77 = arith.constant 0 : i32
      %dma_wait3A_78 = arith.constant 0 : i32
      %dma_wait3A_79 = tpu.memref_slice %arg14[%dma_wait3A_77, %dma_wait3A_78] : memref<128x128xf32, #tpu.memory_space<vmem>> -> memref<120x128xf32, #tpu.memory_space<vmem>>
      %dma_wait3A_80 = arith.constant 0 : i32
      %dma_wait3A_81 = tpu.memref_slice %arg16[%add3A_16, %dma_wait3A_80] : memref<10112x128xf32, #tpu.memory_space<vmem_shared>> -> memref<120x128xf32, #tpu.memory_space<vmem_shared>>
      %dma_wait3A_82 = arith.constant 0 : i32
      %dma_wait3A_83 = tpu.memref_slice %arg16[%add3A_16, %dma_wait3A_82] : memref<10112x128xf32, #tpu.memory_space<vmem_shared>> -> memref<120x128xf32, #tpu.memory_space<vmem_shared>>
      %dma_wait3A_84 = arith.constant 0 : i32
      %dma_wait3A_85 = arith.constant 0 : i32
      %dma_wait3A_86 = tpu.memref_slice %arg14[%dma_wait3A_84, %dma_wait3A_85] : memref<128x128xf32, #tpu.memory_space<vmem>> -> memref<120x128xf32, #tpu.memory_space<vmem>>
      tpu.wait_dma2 semaphore(%run_scoped3A : memref<!tpu.dma_semaphore, #tpu.memory_space<semaphore_mem>>) src(%dma_wait3A_86 : memref<120x128xf32, #tpu.memory_space<vmem>>) dst(%dma_wait3A_83 : memref<120x128xf32, #tpu.memory_space<vmem_shared>>)
      tpu.yield
    }) : () -> ()
    %barrier3A = arith.constant 0 : index
    tpu.barrier barrier_id(%barrier3A)
    %mul3A_17 = arith.constant 10240 : i32
    %mul3A_18 = arith.muli %add3A, %mul3A_17 : i32
    %add3A_19 = arith.constant 0 : i32
    %add3A_20 = arith.addi %mul3A_18, %add3A_19 : i32
    %dma_start3A = tpu.memref_slice %arg3[%add3A_20] : memref<327680xi32, #tpu.memory_space<hbm>> -> memref<128xi32, #tpu.memory_space<hbm>>
    %dma_start3A_21 = tpu.memref_slice %arg3[%add3A_20] : memref<327680xi32, #tpu.memory_space<hbm>> -> memref<128xi32, #tpu.memory_space<hbm>>
    tpu.enqueue_dma source(%dma_start3A_21 : memref<128xi32, #tpu.memory_space<hbm>>) target(%arg6 : memref<128xi32, #tpu.memory_space<vmem>>) target_semaphore(%arg17 : memref<!tpu.dma_semaphore, #tpu.memory_space<semaphore_mem>>)
    %dma_start3A_22 = tpu.memref_slice %arg4[%add3A_20] : memref<327680xi32, #tpu.memory_space<hbm>> -> memref<128xi32, #tpu.memory_space<hbm>>
    %dma_start3A_23 = tpu.memref_slice %arg4[%add3A_20] : memref<327680xi32, #tpu.memory_space<hbm>> -> memref<128xi32, #tpu.memory_space<hbm>>
    tpu.enqueue_dma source(%dma_start3A_23 : memref<128xi32, #tpu.memory_space<hbm>>) target(%arg10 : memref<128xi32, #tpu.memory_space<vmem>>) target_semaphore(%arg17 : memref<!tpu.dma_semaphore, #tpu.memory_space<semaphore_mem>>)
    %add3A_24 = arith.constant 128 : i32
    %add3A_25 = arith.addi %mul3A_18, %add3A_24 : i32
    %dma_start3A_26 = tpu.memref_slice %arg3[%add3A_25] : memref<327680xi32, #tpu.memory_space<hbm>> -> memref<128xi32, #tpu.memory_space<hbm>>
    %dma_start3A_27 = tpu.memref_slice %arg3[%add3A_25] : memref<327680xi32, #tpu.memory_space<hbm>> -> memref<128xi32, #tpu.memory_space<hbm>>
    tpu.enqueue_dma source(%dma_start3A_27 : memref<128xi32, #tpu.memory_space<hbm>>) target(%arg7 : memref<128xi32, #tpu.memory_space<vmem>>) target_semaphore(%arg18 : memref<!tpu.dma_semaphore, #tpu.memory_space<semaphore_mem>>)
    %dma_start3A_28 = tpu.memref_slice %arg4[%add3A_25] : memref<327680xi32, #tpu.memory_space<hbm>> -> memref<128xi32, #tpu.memory_space<hbm>>
    %dma_start3A_29 = tpu.memref_slice %arg4[%add3A_25] : memref<327680xi32, #tpu.memory_space<hbm>> -> memref<128xi32, #tpu.memory_space<hbm>>
    tpu.enqueue_dma source(%dma_start3A_29 : memref<128xi32, #tpu.memory_space<hbm>>) target(%arg11 : memref<128xi32, #tpu.memory_space<vmem>>) target_semaphore(%arg18 : memref<!tpu.dma_semaphore, #tpu.memory_space<semaphore_mem>>)
    %add3A_30 = arith.constant 256 : i32
    %add3A_31 = arith.addi %mul3A_18, %add3A_30 : i32
    %dma_start3A_32 = tpu.memref_slice %arg3[%add3A_31] : memref<327680xi32, #tpu.memory_space<hbm>> -> memref<128xi32, #tpu.memory_space<hbm>>
    %dma_start3A_33 = tpu.memref_slice %arg3[%add3A_31] : memref<327680xi32, #tpu.memory_space<hbm>> -> memref<128xi32, #tpu.memory_space<hbm>>
    tpu.enqueue_dma source(%dma_start3A_33 : memref<128xi32, #tpu.memory_space<hbm>>) target(%arg8 : memref<128xi32, #tpu.memory_space<vmem>>) target_semaphore(%arg19 : memref<!tpu.dma_semaphore, #tpu.memory_space<semaphore_mem>>)
    %dma_start3A_34 = tpu.memref_slice %arg4[%add3A_31] : memref<327680xi32, #tpu.memory_space<hbm>> -> memref<128xi32, #tpu.memory_space<hbm>>
    %dma_start3A_35 = tpu.memref_slice %arg4[%add3A_31] : memref<327680xi32, #tpu.memory_space<hbm>> -> memref<128xi32, #tpu.memory_space<hbm>>
    tpu.enqueue_dma source(%dma_start3A_35 : memref<128xi32, #tpu.memory_space<hbm>>) target(%arg12 : memref<128xi32, #tpu.memory_space<vmem>>) target_semaphore(%arg19 : memref<!tpu.dma_semaphore, #tpu.memory_space<semaphore_mem>>)
    %add3A_36 = arith.constant 384 : i32
    %add3A_37 = arith.addi %mul3A_18, %add3A_36 : i32
    %dma_start3A_38 = tpu.memref_slice %arg3[%add3A_37] : memref<327680xi32, #tpu.memory_space<hbm>> -> memref<128xi32, #tpu.memory_space<hbm>>
    %dma_start3A_39 = tpu.memref_slice %arg3[%add3A_37] : memref<327680xi32, #tpu.memory_space<hbm>> -> memref<128xi32, #tpu.memory_space<hbm>>
    tpu.enqueue_dma source(%dma_start3A_39 : memref<128xi32, #tpu.memory_space<hbm>>) target(%arg9 : memref<128xi32, #tpu.memory_space<vmem>>) target_semaphore(%arg20 : memref<!tpu.dma_semaphore, #tpu.memory_space<semaphore_mem>>)
    %dma_start3A_40 = tpu.memref_slice %arg4[%add3A_37] : memref<327680xi32, #tpu.memory_space<hbm>> -> memref<128xi32, #tpu.memory_space<hbm>>
    %dma_start3A_41 = tpu.memref_slice %arg4[%add3A_37] : memref<327680xi32, #tpu.memory_space<hbm>> -> memref<128xi32, #tpu.memory_space<hbm>>
    tpu.enqueue_dma source(%dma_start3A_41 : memref<128xi32, #tpu.memory_space<hbm>>) target(%arg13 : memref<128xi32, #tpu.memory_space<vmem>>) target_semaphore(%arg20 : memref<!tpu.dma_semaphore, #tpu.memory_space<semaphore_mem>>)
    %dma_wait3A = tpu.memref_slice %arg3[%mul3A_18] : memref<327680xi32, #tpu.memory_space<hbm>> -> memref<128xi32, #tpu.memory_space<hbm>>
    %dma_wait3A_42 = tpu.memref_slice %arg3[%mul3A_18] : memref<327680xi32, #tpu.memory_space<hbm>> -> memref<128xi32, #tpu.memory_space<hbm>>
    tpu.wait_dma2 semaphore(%arg17 : memref<!tpu.dma_semaphore, #tpu.memory_space<semaphore_mem>>) src(%dma_wait3A_42 : memref<128xi32, #tpu.memory_space<hbm>>) dst(%arg6 : memref<128xi32, #tpu.memory_space<vmem>>)
    %dma_wait3A_43 = tpu.memref_slice %arg4[%mul3A_18] : memref<327680xi32, #tpu.memory_space<hbm>> -> memref<128xi32, #tpu.memory_space<hbm>>
    %dma_wait3A_44 = tpu.memref_slice %arg4[%mul3A_18] : memref<327680xi32, #tpu.memory_space<hbm>> -> memref<128xi32, #tpu.memory_space<hbm>>
    tpu.wait_dma2 semaphore(%arg17 : memref<!tpu.dma_semaphore, #tpu.memory_space<semaphore_mem>>) src(%dma_wait3A_44 : memref<128xi32, #tpu.memory_space<hbm>>) dst(%arg10 : memref<128xi32, #tpu.memory_space<vmem>>)
    %dma_start3A_45 = arith.constant 0 : i32
    %dma_start3A_46 = arith.constant 0 : i32
    %dma_start3A_47 = tpu.memref_slice %arg2[%dma_start3A_45, %dma_start3A_46] : memref<10000x128xf32, #tpu.memory_space<hbm>> -> memref<10000x128xf32, #tpu.memory_space<hbm>>
    tpu.enqueue_indirect_dma source(%dma_start3A_47 : memref<10000x128xf32, #tpu.memory_space<hbm>>) target(%arg14 : memref<128x128xf32, #tpu.memory_space<vmem>>) offsets(%arg6 : memref<128xi32, #tpu.memory_space<vmem>>) semaphore(%arg21 : memref<!tpu.dma_semaphore, #tpu.memory_space<semaphore_mem>>)
    %scan3A_48 = arith.constant 0 : i32
    %scan3A_49 = arith.constant 20 : i32
    %scan3A_50 = arith.addi %scan3A_48, %scan3A_49 : i32
    %scan3A_51 = arith.constant 1 : i32
    scf.for %scan3A_67 = %scan3A_48 to %scan3A_50 step %scan3A_51  : i32 {
      %mul3A_68 = arith.constant 4 : i32
      %mul3A_69 = arith.muli %scan3A_67, %mul3A_68 : i32
      %add3A_70 = arith.constant 0 : i32
      %add3A_71 = arith.addi %add3A_70, %mul3A_69 : i32
      %add3A_72 = arith.constant 0 : i32
      %add3A_73 = arith.addi %add3A_71, %add3A_72 : i32
      %mul3A_74 = arith.constant 128 : i32
      %mul3A_75 = arith.muli %add3A_73, %mul3A_74 : i32
      %add3A_76 = arith.addi %mul3A_18, %mul3A_75 : i32
      %ge3A = arith.constant 1 : i32
      %ge3A_77 = arith.cmpi sge, %add3A_73, %ge3A : i32
      %convert_element_type3A = arith.extui %ge3A_77 : i1 to i32
      %cond3A = arith.constant 0 : i32
      %cond3A_78 = arith.cmpi ne, %convert_element_type3A, %cond3A : i32
      scf.if %cond3A_78 {
        %dma_wait3A_160 = arith.constant 0 : i32
        %dma_wait3A_161 = arith.constant 0 : i32
        %dma_wait3A_162 = tpu.memref_slice %arg16[%dma_wait3A_160, %dma_wait3A_161] : memref<10112x128xf32, #tpu.memory_space<vmem_shared>> -> memref<10112x128xf32, #tpu.memory_space<vmem_shared>>
        tpu.wait_indirect_dma semaphore(%arg24 : memref<!tpu.dma_semaphore, #tpu.memory_space<semaphore_mem>>) src(%arg15 : memref<128x128xf32, #tpu.memory_space<vmem>>) dst(%dma_wait3A_162 : memref<10112x128xf32, #tpu.memory_space<vmem_shared>>)
        %add3A_163 = arith.constant 3 : i32
        %add3A_164 = arith.addi %add3A_73, %add3A_163 : i32
        %lt3A_165 = arith.constant 80 : i32
        %lt3A_166 = arith.cmpi slt, %add3A_164, %lt3A_165 : i32
        %convert_element_type3A_167 = arith.extui %lt3A_166 : i1 to i32
        %cond3A_168 = arith.constant 0 : i32
        %cond3A_169 = arith.cmpi ne, %convert_element_type3A_167, %cond3A_168 : i32
        scf.if %cond3A_169 {
          %add3A_170 = arith.constant 384 : i32
          %add3A_171 = arith.addi %add3A_76, %add3A_170 : i32
          %dma_start3A_172 = tpu.memref_slice %arg3[%add3A_171] : memref<327680xi32, #tpu.memory_space<hbm>> -> memref<128xi32, #tpu.memory_space<hbm>>
          %dma_start3A_173 = tpu.memref_slice %arg3[%add3A_171] : memref<327680xi32, #tpu.memory_space<hbm>> -> memref<128xi32, #tpu.memory_space<hbm>>
          tpu.enqueue_dma source(%dma_start3A_173 : memref<128xi32, #tpu.memory_space<hbm>>) target(%arg9 : memref<128xi32, #tpu.memory_space<vmem>>) target_semaphore(%arg20 : memref<!tpu.dma_semaphore, #tpu.memory_space<semaphore_mem>>)
          %dma_start3A_174 = tpu.memref_slice %arg4[%add3A_171] : memref<327680xi32, #tpu.memory_space<hbm>> -> memref<128xi32, #tpu.memory_space<hbm>>
          %dma_start3A_175 = tpu.memref_slice %arg4[%add3A_171] : memref<327680xi32, #tpu.memory_space<hbm>> -> memref<128xi32, #tpu.memory_space<hbm>>
          tpu.enqueue_dma source(%dma_start3A_175 : memref<128xi32, #tpu.memory_space<hbm>>) target(%arg13 : memref<128xi32, #tpu.memory_space<vmem>>) target_semaphore(%arg20 : memref<!tpu.dma_semaphore, #tpu.memory_space<semaphore_mem>>)
        } else {
        }
      } else {
      }
      %add3A_79 = arith.constant 1 : i32
      %add3A_80 = arith.addi %add3A_73, %add3A_79 : i32
      %lt3A = arith.constant 80 : i32
      %lt3A_81 = arith.cmpi slt, %add3A_80, %lt3A : i32
      %convert_element_type3A_82 = arith.extui %lt3A_81 : i1 to i32
      %cond3A_83 = arith.constant 0 : i32
      %cond3A_84 = arith.cmpi ne, %convert_element_type3A_82, %cond3A_83 : i32
      scf.if %cond3A_84 {
        %add3A_160 = arith.constant 128 : i32
        %add3A_161 = arith.addi %add3A_76, %add3A_160 : i32
        %dma_wait3A_162 = tpu.memref_slice %arg3[%add3A_161] : memref<327680xi32, #tpu.memory_space<hbm>> -> memref<128xi32, #tpu.memory_space<hbm>>
        %dma_wait3A_163 = tpu.memref_slice %arg3[%add3A_161] : memref<327680xi32, #tpu.memory_space<hbm>> -> memref<128xi32, #tpu.memory_space<hbm>>
        tpu.wait_dma2 semaphore(%arg18 : memref<!tpu.dma_semaphore, #tpu.memory_space<semaphore_mem>>) src(%dma_wait3A_163 : memref<128xi32, #tpu.memory_space<hbm>>) dst(%arg7 : memref<128xi32, #tpu.memory_space<vmem>>)
        %dma_wait3A_164 = tpu.memref_slice %arg4[%add3A_161] : memref<327680xi32, #tpu.memory_space<hbm>> -> memref<128xi32, #tpu.memory_space<hbm>>
        %dma_wait3A_165 = tpu.memref_slice %arg4[%add3A_161] : memref<327680xi32, #tpu.memory_space<hbm>> -> memref<128xi32, #tpu.memory_space<hbm>>
        tpu.wait_dma2 semaphore(%arg18 : memref<!tpu.dma_semaphore, #tpu.memory_space<semaphore_mem>>) src(%dma_wait3A_165 : memref<128xi32, #tpu.memory_space<hbm>>) dst(%arg11 : memref<128xi32, #tpu.memory_space<vmem>>)
        %dma_start3A_166 = arith.constant 0 : i32
        %dma_start3A_167 = arith.constant 0 : i32
        %dma_start3A_168 = tpu.memref_slice %arg2[%dma_start3A_166, %dma_start3A_167] : memref<10000x128xf32, #tpu.memory_space<hbm>> -> memref<10000x128xf32, #tpu.memory_space<hbm>>
        tpu.enqueue_indirect_dma source(%dma_start3A_168 : memref<10000x128xf32, #tpu.memory_space<hbm>>) target(%arg15 : memref<128x128xf32, #tpu.memory_space<vmem>>) offsets(%arg7 : memref<128xi32, #tpu.memory_space<vmem>>) semaphore(%arg22 : memref<!tpu.dma_semaphore, #tpu.memory_space<semaphore_mem>>)
      } else {
      }
      %dma_wait3A_85 = arith.constant 0 : i32
      %dma_wait3A_86 = arith.constant 0 : i32
      %dma_wait3A_87 = tpu.memref_slice %arg2[%dma_wait3A_85, %dma_wait3A_86] : memref<10000x128xf32, #tpu.memory_space<hbm>> -> memref<10000x128xf32, #tpu.memory_space<hbm>>
      tpu.wait_indirect_dma semaphore(%arg21 : memref<!tpu.dma_semaphore, #tpu.memory_space<semaphore_mem>>) src(%dma_wait3A_87 : memref<10000x128xf32, #tpu.memory_space<hbm>>) dst(%arg14 : memref<128x128xf32, #tpu.memory_space<vmem>>)
      %dma_start3A_88 = arith.constant 0 : i32
      %dma_start3A_89 = arith.constant 0 : i32
      %dma_start3A_90 = tpu.memref_slice %arg16[%dma_start3A_88, %dma_start3A_89] : memref<10112x128xf32, #tpu.memory_space<vmem_shared>> -> memref<10112x128xf32, #tpu.memory_space<vmem_shared>>
      tpu.enqueue_indirect_dma source(%arg14 : memref<128x128xf32, #tpu.memory_space<vmem>>) target(%dma_start3A_90 : memref<10112x128xf32, #tpu.memory_space<vmem_shared>>) offsets(%arg10 : memref<128xi32, #tpu.memory_space<vmem>>) semaphore(%arg23 : memref<!tpu.dma_semaphore, #tpu.memory_space<semaphore_mem>>) {add = true}
      %add3A_91 = arith.constant 1 : i32
      %add3A_92 = arith.addi %add3A_71, %add3A_91 : i32
      %mul3A_93 = arith.constant 128 : i32
      %mul3A_94 = arith.muli %add3A_92, %mul3A_93 : i32
      %add3A_95 = arith.addi %mul3A_18, %mul3A_94 : i32
      %ge3A_96 = arith.constant 1 : i32
      %ge3A_97 = arith.cmpi sge, %add3A_92, %ge3A_96 : i32
      %convert_element_type3A_98 = arith.extui %ge3A_97 : i1 to i32
      %cond3A_99 = arith.constant 0 : i32
      %cond3A_100 = arith.cmpi ne, %convert_element_type3A_98, %cond3A_99 : i32
      scf.if %cond3A_100 {
        %dma_wait3A_160 = arith.constant 0 : i32
        %dma_wait3A_161 = arith.constant 0 : i32
        %dma_wait3A_162 = tpu.memref_slice %arg16[%dma_wait3A_160, %dma_wait3A_161] : memref<10112x128xf32, #tpu.memory_space<vmem_shared>> -> memref<10112x128xf32, #tpu.memory_space<vmem_shared>>
        tpu.wait_indirect_dma semaphore(%arg23 : memref<!tpu.dma_semaphore, #tpu.memory_space<semaphore_mem>>) src(%arg14 : memref<128x128xf32, #tpu.memory_space<vmem>>) dst(%dma_wait3A_162 : memref<10112x128xf32, #tpu.memory_space<vmem_shared>>)
        %add3A_163 = arith.constant 3 : i32
        %add3A_164 = arith.addi %add3A_92, %add3A_163 : i32
        %lt3A_165 = arith.constant 80 : i32
        %lt3A_166 = arith.cmpi slt, %add3A_164, %lt3A_165 : i32
        %convert_element_type3A_167 = arith.extui %lt3A_166 : i1 to i32
        %cond3A_168 = arith.constant 0 : i32
        %cond3A_169 = arith.cmpi ne, %convert_element_type3A_167, %cond3A_168 : i32
        scf.if %cond3A_169 {
          %add3A_170 = arith.constant 384 : i32
          %add3A_171 = arith.addi %add3A_95, %add3A_170 : i32
          %dma_start3A_172 = tpu.memref_slice %arg3[%add3A_171] : memref<327680xi32, #tpu.memory_space<hbm>> -> memref<128xi32, #tpu.memory_space<hbm>>
          %dma_start3A_173 = tpu.memref_slice %arg3[%add3A_171] : memref<327680xi32, #tpu.memory_space<hbm>> -> memref<128xi32, #tpu.memory_space<hbm>>
          tpu.enqueue_dma source(%dma_start3A_173 : memref<128xi32, #tpu.memory_space<hbm>>) target(%arg6 : memref<128xi32, #tpu.memory_space<vmem>>) target_semaphore(%arg17 : memref<!tpu.dma_semaphore, #tpu.memory_space<semaphore_mem>>)
          %dma_start3A_174 = tpu.memref_slice %arg4[%add3A_171] : memref<327680xi32, #tpu.memory_space<hbm>> -> memref<128xi32, #tpu.memory_space<hbm>>
          %dma_start3A_175 = tpu.memref_slice %arg4[%add3A_171] : memref<327680xi32, #tpu.memory_space<hbm>> -> memref<128xi32, #tpu.memory_space<hbm>>
          tpu.enqueue_dma source(%dma_start3A_175 : memref<128xi32, #tpu.memory_space<hbm>>) target(%arg10 : memref<128xi32, #tpu.memory_space<vmem>>) target_semaphore(%arg17 : memref<!tpu.dma_semaphore, #tpu.memory_space<semaphore_mem>>)
        } else {
        }
      } else {
      }
      %add3A_101 = arith.constant 1 : i32
      %add3A_102 = arith.addi %add3A_92, %add3A_101 : i32
      %lt3A_103 = arith.constant 80 : i32
      %lt3A_104 = arith.cmpi slt, %add3A_102, %lt3A_103 : i32
      %convert_element_type3A_105 = arith.extui %lt3A_104 : i1 to i32
      %cond3A_106 = arith.constant 0 : i32
      %cond3A_107 = arith.cmpi ne, %convert_element_type3A_105, %cond3A_106 : i32
      scf.if %cond3A_107 {
        %add3A_160 = arith.constant 128 : i32
        %add3A_161 = arith.addi %add3A_95, %add3A_160 : i32
        %dma_wait3A_162 = tpu.memref_slice %arg3[%add3A_161] : memref<327680xi32, #tpu.memory_space<hbm>> -> memref<128xi32, #tpu.memory_space<hbm>>
        %dma_wait3A_163 = tpu.memref_slice %arg3[%add3A_161] : memref<327680xi32, #tpu.memory_space<hbm>> -> memref<128xi32, #tpu.memory_space<hbm>>
        tpu.wait_dma2 semaphore(%arg19 : memref<!tpu.dma_semaphore, #tpu.memory_space<semaphore_mem>>) src(%dma_wait3A_163 : memref<128xi32, #tpu.memory_space<hbm>>) dst(%arg8 : memref<128xi32, #tpu.memory_space<vmem>>)
        %dma_wait3A_164 = tpu.memref_slice %arg4[%add3A_161] : memref<327680xi32, #tpu.memory_space<hbm>> -> memref<128xi32, #tpu.memory_space<hbm>>
        %dma_wait3A_165 = tpu.memref_slice %arg4[%add3A_161] : memref<327680xi32, #tpu.memory_space<hbm>> -> memref<128xi32, #tpu.memory_space<hbm>>
        tpu.wait_dma2 semaphore(%arg19 : memref<!tpu.dma_semaphore, #tpu.memory_space<semaphore_mem>>) src(%dma_wait3A_165 : memref<128xi32, #tpu.memory_space<hbm>>) dst(%arg12 : memref<128xi32, #tpu.memory_space<vmem>>)
        %dma_start3A_166 = arith.constant 0 : i32
        %dma_start3A_167 = arith.constant 0 : i32
        %dma_start3A_168 = tpu.memref_slice %arg2[%dma_start3A_166, %dma_start3A_167] : memref<10000x128xf32, #tpu.memory_space<hbm>> -> memref<10000x128xf32, #tpu.memory_space<hbm>>
        tpu.enqueue_indirect_dma source(%dma_start3A_168 : memref<10000x128xf32, #tpu.memory_space<hbm>>) target(%arg14 : memref<128x128xf32, #tpu.memory_space<vmem>>) offsets(%arg8 : memref<128xi32, #tpu.memory_space<vmem>>) semaphore(%arg21 : memref<!tpu.dma_semaphore, #tpu.memory_space<semaphore_mem>>)
      } else {
      }
      %dma_wait3A_108 = arith.constant 0 : i32
      %dma_wait3A_109 = arith.constant 0 : i32
      %dma_wait3A_110 = tpu.memref_slice %arg2[%dma_wait3A_108, %dma_wait3A_109] : memref<10000x128xf32, #tpu.memory_space<hbm>> -> memref<10000x128xf32, #tpu.memory_space<hbm>>
      tpu.wait_indirect_dma semaphore(%arg22 : memref<!tpu.dma_semaphore, #tpu.memory_space<semaphore_mem>>) src(%dma_wait3A_110 : memref<10000x128xf32, #tpu.memory_space<hbm>>) dst(%arg15 : memref<128x128xf32, #tpu.memory_space<vmem>>)
      %dma_start3A_111 = arith.constant 0 : i32
      %dma_start3A_112 = arith.constant 0 : i32
      %dma_start3A_113 = tpu.memref_slice %arg16[%dma_start3A_111, %dma_start3A_112] : memref<10112x128xf32, #tpu.memory_space<vmem_shared>> -> memref<10112x128xf32, #tpu.memory_space<vmem_shared>>
      tpu.enqueue_indirect_dma source(%arg15 : memref<128x128xf32, #tpu.memory_space<vmem>>) target(%dma_start3A_113 : memref<10112x128xf32, #tpu.memory_space<vmem_shared>>) offsets(%arg11 : memref<128xi32, #tpu.memory_space<vmem>>) semaphore(%arg24 : memref<!tpu.dma_semaphore, #tpu.memory_space<semaphore_mem>>) {add = true}
      %add3A_114 = arith.constant 2 : i32
      %add3A_115 = arith.addi %add3A_71, %add3A_114 : i32
      %mul3A_116 = arith.constant 128 : i32
      %mul3A_117 = arith.muli %add3A_115, %mul3A_116 : i32
      %add3A_118 = arith.addi %mul3A_18, %mul3A_117 : i32
      %ge3A_119 = arith.constant 1 : i32
      %ge3A_120 = arith.cmpi sge, %add3A_115, %ge3A_119 : i32
      %convert_element_type3A_121 = arith.extui %ge3A_120 : i1 to i32
      %cond3A_122 = arith.constant 0 : i32
      %cond3A_123 = arith.cmpi ne, %convert_element_type3A_121, %cond3A_122 : i32
      scf.if %cond3A_123 {
        %dma_wait3A_160 = arith.constant 0 : i32
        %dma_wait3A_161 = arith.constant 0 : i32
        %dma_wait3A_162 = tpu.memref_slice %arg16[%dma_wait3A_160, %dma_wait3A_161] : memref<10112x128xf32, #tpu.memory_space<vmem_shared>> -> memref<10112x128xf32, #tpu.memory_space<vmem_shared>>
        tpu.wait_indirect_dma semaphore(%arg24 : memref<!tpu.dma_semaphore, #tpu.memory_space<semaphore_mem>>) src(%arg15 : memref<128x128xf32, #tpu.memory_space<vmem>>) dst(%dma_wait3A_162 : memref<10112x128xf32, #tpu.memory_space<vmem_shared>>)
        %add3A_163 = arith.constant 3 : i32
        %add3A_164 = arith.addi %add3A_115, %add3A_163 : i32
        %lt3A_165 = arith.constant 80 : i32
        %lt3A_166 = arith.cmpi slt, %add3A_164, %lt3A_165 : i32
        %convert_element_type3A_167 = arith.extui %lt3A_166 : i1 to i32
        %cond3A_168 = arith.constant 0 : i32
        %cond3A_169 = arith.cmpi ne, %convert_element_type3A_167, %cond3A_168 : i32
        scf.if %cond3A_169 {
          %add3A_170 = arith.constant 384 : i32
          %add3A_171 = arith.addi %add3A_118, %add3A_170 : i32
          %dma_start3A_172 = tpu.memref_slice %arg3[%add3A_171] : memref<327680xi32, #tpu.memory_space<hbm>> -> memref<128xi32, #tpu.memory_space<hbm>>
          %dma_start3A_173 = tpu.memref_slice %arg3[%add3A_171] : memref<327680xi32, #tpu.memory_space<hbm>> -> memref<128xi32, #tpu.memory_space<hbm>>
          tpu.enqueue_dma source(%dma_start3A_173 : memref<128xi32, #tpu.memory_space<hbm>>) target(%arg7 : memref<128xi32, #tpu.memory_space<vmem>>) target_semaphore(%arg18 : memref<!tpu.dma_semaphore, #tpu.memory_space<semaphore_mem>>)
          %dma_start3A_174 = tpu.memref_slice %arg4[%add3A_171] : memref<327680xi32, #tpu.memory_space<hbm>> -> memref<128xi32, #tpu.memory_space<hbm>>
          %dma_start3A_175 = tpu.memref_slice %arg4[%add3A_171] : memref<327680xi32, #tpu.memory_space<hbm>> -> memref<128xi32, #tpu.memory_space<hbm>>
          tpu.enqueue_dma source(%dma_start3A_175 : memref<128xi32, #tpu.memory_space<hbm>>) target(%arg11 : memref<128xi32, #tpu.memory_space<vmem>>) target_semaphore(%arg18 : memref<!tpu.dma_semaphore, #tpu.memory_space<semaphore_mem>>)
        } else {
        }
      } else {
      }
      %add3A_124 = arith.constant 1 : i32
      %add3A_125 = arith.addi %add3A_115, %add3A_124 : i32
      %lt3A_126 = arith.constant 80 : i32
      %lt3A_127 = arith.cmpi slt, %add3A_125, %lt3A_126 : i32
      %convert_element_type3A_128 = arith.extui %lt3A_127 : i1 to i32
      %cond3A_129 = arith.constant 0 : i32
      %cond3A_130 = arith.cmpi ne, %convert_element_type3A_128, %cond3A_129 : i32
      scf.if %cond3A_130 {
        %add3A_160 = arith.constant 128 : i32
        %add3A_161 = arith.addi %add3A_118, %add3A_160 : i32
        %dma_wait3A_162 = tpu.memref_slice %arg3[%add3A_161] : memref<327680xi32, #tpu.memory_space<hbm>> -> memref<128xi32, #tpu.memory_space<hbm>>
        %dma_wait3A_163 = tpu.memref_slice %arg3[%add3A_161] : memref<327680xi32, #tpu.memory_space<hbm>> -> memref<128xi32, #tpu.memory_space<hbm>>
        tpu.wait_dma2 semaphore(%arg20 : memref<!tpu.dma_semaphore, #tpu.memory_space<semaphore_mem>>) src(%dma_wait3A_163 : memref<128xi32, #tpu.memory_space<hbm>>) dst(%arg9 : memref<128xi32, #tpu.memory_space<vmem>>)
        %dma_wait3A_164 = tpu.memref_slice %arg4[%add3A_161] : memref<327680xi32, #tpu.memory_space<hbm>> -> memref<128xi32, #tpu.memory_space<hbm>>
        %dma_wait3A_165 = tpu.memref_slice %arg4[%add3A_161] : memref<327680xi32, #tpu.memory_space<hbm>> -> memref<128xi32, #tpu.memory_space<hbm>>
        tpu.wait_dma2 semaphore(%arg20 : memref<!tpu.dma_semaphore, #tpu.memory_space<semaphore_mem>>) src(%dma_wait3A_165 : memref<128xi32, #tpu.memory_space<hbm>>) dst(%arg13 : memref<128xi32, #tpu.memory_space<vmem>>)
        %dma_start3A_166 = arith.constant 0 : i32
        %dma_start3A_167 = arith.constant 0 : i32
        %dma_start3A_168 = tpu.memref_slice %arg2[%dma_start3A_166, %dma_start3A_167] : memref<10000x128xf32, #tpu.memory_space<hbm>> -> memref<10000x128xf32, #tpu.memory_space<hbm>>
        tpu.enqueue_indirect_dma source(%dma_start3A_168 : memref<10000x128xf32, #tpu.memory_space<hbm>>) target(%arg15 : memref<128x128xf32, #tpu.memory_space<vmem>>) offsets(%arg9 : memref<128xi32, #tpu.memory_space<vmem>>) semaphore(%arg22 : memref<!tpu.dma_semaphore, #tpu.memory_space<semaphore_mem>>)
      } else {
      }
      %dma_wait3A_131 = arith.constant 0 : i32
      %dma_wait3A_132 = arith.constant 0 : i32
      %dma_wait3A_133 = tpu.memref_slice %arg2[%dma_wait3A_131, %dma_wait3A_132] : memref<10000x128xf32, #tpu.memory_space<hbm>> -> memref<10000x128xf32, #tpu.memory_space<hbm>>
      tpu.wait_indirect_dma semaphore(%arg21 : memref<!tpu.dma_semaphore, #tpu.memory_space<semaphore_mem>>) src(%dma_wait3A_133 : memref<10000x128xf32, #tpu.memory_space<hbm>>) dst(%arg14 : memref<128x128xf32, #tpu.memory_space<vmem>>)
      %dma_start3A_134 = arith.constant 0 : i32
      %dma_start3A_135 = arith.constant 0 : i32
      %dma_start3A_136 = tpu.memref_slice %arg16[%dma_start3A_134, %dma_start3A_135] : memref<10112x128xf32, #tpu.memory_space<vmem_shared>> -> memref<10112x128xf32, #tpu.memory_space<vmem_shared>>
      tpu.enqueue_indirect_dma source(%arg14 : memref<128x128xf32, #tpu.memory_space<vmem>>) target(%dma_start3A_136 : memref<10112x128xf32, #tpu.memory_space<vmem_shared>>) offsets(%arg12 : memref<128xi32, #tpu.memory_space<vmem>>) semaphore(%arg23 : memref<!tpu.dma_semaphore, #tpu.memory_space<semaphore_mem>>) {add = true}
      %add3A_137 = arith.constant 3 : i32
      %add3A_138 = arith.addi %add3A_71, %add3A_137 : i32
      %mul3A_139 = arith.constant 128 : i32
      %mul3A_140 = arith.muli %add3A_138, %mul3A_139 : i32
      %add3A_141 = arith.addi %mul3A_18, %mul3A_140 : i32
      %ge3A_142 = arith.constant 1 : i32
      %ge3A_143 = arith.cmpi sge, %add3A_138, %ge3A_142 : i32
      %convert_element_type3A_144 = arith.extui %ge3A_143 : i1 to i32
      %cond3A_145 = arith.constant 0 : i32
      %cond3A_146 = arith.cmpi ne, %convert_element_type3A_144, %cond3A_145 : i32
      scf.if %cond3A_146 {
        %dma_wait3A_160 = arith.constant 0 : i32
        %dma_wait3A_161 = arith.constant 0 : i32
        %dma_wait3A_162 = tpu.memref_slice %arg16[%dma_wait3A_160, %dma_wait3A_161] : memref<10112x128xf32, #tpu.memory_space<vmem_shared>> -> memref<10112x128xf32, #tpu.memory_space<vmem_shared>>
        tpu.wait_indirect_dma semaphore(%arg23 : memref<!tpu.dma_semaphore, #tpu.memory_space<semaphore_mem>>) src(%arg14 : memref<128x128xf32, #tpu.memory_space<vmem>>) dst(%dma_wait3A_162 : memref<10112x128xf32, #tpu.memory_space<vmem_shared>>)
        %add3A_163 = arith.constant 3 : i32
        %add3A_164 = arith.addi %add3A_138, %add3A_163 : i32
        %lt3A_165 = arith.constant 80 : i32
        %lt3A_166 = arith.cmpi slt, %add3A_164, %lt3A_165 : i32
        %convert_element_type3A_167 = arith.extui %lt3A_166 : i1 to i32
        %cond3A_168 = arith.constant 0 : i32
        %cond3A_169 = arith.cmpi ne, %convert_element_type3A_167, %cond3A_168 : i32
        scf.if %cond3A_169 {
          %add3A_170 = arith.constant 384 : i32
          %add3A_171 = arith.addi %add3A_141, %add3A_170 : i32
          %dma_start3A_172 = tpu.memref_slice %arg3[%add3A_171] : memref<327680xi32, #tpu.memory_space<hbm>> -> memref<128xi32, #tpu.memory_space<hbm>>
          %dma_start3A_173 = tpu.memref_slice %arg3[%add3A_171] : memref<327680xi32, #tpu.memory_space<hbm>> -> memref<128xi32, #tpu.memory_space<hbm>>
          tpu.enqueue_dma source(%dma_start3A_173 : memref<128xi32, #tpu.memory_space<hbm>>) target(%arg8 : memref<128xi32, #tpu.memory_space<vmem>>) target_semaphore(%arg19 : memref<!tpu.dma_semaphore, #tpu.memory_space<semaphore_mem>>)
          %dma_start3A_174 = tpu.memref_slice %arg4[%add3A_171] : memref<327680xi32, #tpu.memory_space<hbm>> -> memref<128xi32, #tpu.memory_space<hbm>>
          %dma_start3A_175 = tpu.memref_slice %arg4[%add3A_171] : memref<327680xi32, #tpu.memory_space<hbm>> -> memref<128xi32, #tpu.memory_space<hbm>>
          tpu.enqueue_dma source(%dma_start3A_175 : memref<128xi32, #tpu.memory_space<hbm>>) target(%arg12 : memref<128xi32, #tpu.memory_space<vmem>>) target_semaphore(%arg19 : memref<!tpu.dma_semaphore, #tpu.memory_space<semaphore_mem>>)
        } else {
        }
      } else {
      }
      %add3A_147 = arith.constant 1 : i32
      %add3A_148 = arith.addi %add3A_138, %add3A_147 : i32
      %lt3A_149 = arith.constant 80 : i32
      %lt3A_150 = arith.cmpi slt, %add3A_148, %lt3A_149 : i32
      %convert_element_type3A_151 = arith.extui %lt3A_150 : i1 to i32
      %cond3A_152 = arith.constant 0 : i32
      %cond3A_153 = arith.cmpi ne, %convert_element_type3A_151, %cond3A_152 : i32
      scf.if %cond3A_153 {
        %add3A_160 = arith.constant 128 : i32
        %add3A_161 = arith.addi %add3A_141, %add3A_160 : i32
        %dma_wait3A_162 = tpu.memref_slice %arg3[%add3A_161] : memref<327680xi32, #tpu.memory_space<hbm>> -> memref<128xi32, #tpu.memory_space<hbm>>
        %dma_wait3A_163 = tpu.memref_slice %arg3[%add3A_161] : memref<327680xi32, #tpu.memory_space<hbm>> -> memref<128xi32, #tpu.memory_space<hbm>>
        tpu.wait_dma2 semaphore(%arg17 : memref<!tpu.dma_semaphore, #tpu.memory_space<semaphore_mem>>) src(%dma_wait3A_163 : memref<128xi32, #tpu.memory_space<hbm>>) dst(%arg6 : memref<128xi32, #tpu.memory_space<vmem>>)
        %dma_wait3A_164 = tpu.memref_slice %arg4[%add3A_161] : memref<327680xi32, #tpu.memory_space<hbm>> -> memref<128xi32, #tpu.memory_space<hbm>>
        %dma_wait3A_165 = tpu.memref_slice %arg4[%add3A_161] : memref<327680xi32, #tpu.memory_space<hbm>> -> memref<128xi32, #tpu.memory_space<hbm>>
        tpu.wait_dma2 semaphore(%arg17 : memref<!tpu.dma_semaphore, #tpu.memory_space<semaphore_mem>>) src(%dma_wait3A_165 : memref<128xi32, #tpu.memory_space<hbm>>) dst(%arg10 : memref<128xi32, #tpu.memory_space<vmem>>)
        %dma_start3A_166 = arith.constant 0 : i32
        %dma_start3A_167 = arith.constant 0 : i32
        %dma_start3A_168 = tpu.memref_slice %arg2[%dma_start3A_166, %dma_start3A_167] : memref<10000x128xf32, #tpu.memory_space<hbm>> -> memref<10000x128xf32, #tpu.memory_space<hbm>>
        tpu.enqueue_indirect_dma source(%dma_start3A_168 : memref<10000x128xf32, #tpu.memory_space<hbm>>) target(%arg14 : memref<128x128xf32, #tpu.memory_space<vmem>>) offsets(%arg6 : memref<128xi32, #tpu.memory_space<vmem>>) semaphore(%arg21 : memref<!tpu.dma_semaphore, #tpu.memory_space<semaphore_mem>>)
      } else {
      }
      %dma_wait3A_154 = arith.constant 0 : i32
      %dma_wait3A_155 = arith.constant 0 : i32
      %dma_wait3A_156 = tpu.memref_slice %arg2[%dma_wait3A_154, %dma_wait3A_155] : memref<10000x128xf32, #tpu.memory_space<hbm>> -> memref<10000x128xf32, #tpu.memory_space<hbm>>
      tpu.wait_indirect_dma semaphore(%arg22 : memref<!tpu.dma_semaphore, #tpu.memory_space<semaphore_mem>>) src(%dma_wait3A_156 : memref<10000x128xf32, #tpu.memory_space<hbm>>) dst(%arg15 : memref<128x128xf32, #tpu.memory_space<vmem>>)
      %dma_start3A_157 = arith.constant 0 : i32
      %dma_start3A_158 = arith.constant 0 : i32
      %dma_start3A_159 = tpu.memref_slice %arg16[%dma_start3A_157, %dma_start3A_158] : memref<10112x128xf32, #tpu.memory_space<vmem_shared>> -> memref<10112x128xf32, #tpu.memory_space<vmem_shared>>
      tpu.enqueue_indirect_dma source(%arg15 : memref<128x128xf32, #tpu.memory_space<vmem>>) target(%dma_start3A_159 : memref<10112x128xf32, #tpu.memory_space<vmem_shared>>) offsets(%arg13 : memref<128xi32, #tpu.memory_space<vmem>>) semaphore(%arg24 : memref<!tpu.dma_semaphore, #tpu.memory_space<semaphore_mem>>) {add = true}
    }
    %scan3A_52 = arith.constant 20 : i32
    %dma_wait3A_53 = arith.constant 0 : i32
    %dma_wait3A_54 = arith.constant 0 : i32
    %dma_wait3A_55 = tpu.memref_slice %arg16[%dma_wait3A_53, %dma_wait3A_54] : memref<10112x128xf32, #tpu.memory_space<vmem_shared>> -> memref<10112x128xf32, #tpu.memory_space<vmem_shared>>
    tpu.wait_indirect_dma semaphore(%arg24 : memref<!tpu.dma_semaphore, #tpu.memory_space<semaphore_mem>>) src(%arg15 : memref<128x128xf32, #tpu.memory_space<vmem>>) dst(%dma_wait3A_55 : memref<10112x128xf32, #tpu.memory_space<vmem_shared>>)
    %barrier3A_56 = arith.constant 0 : index
    tpu.barrier barrier_id(%barrier3A_56)
    %add3A_57 = arith.constant 0 : i32
    %add3A_58 = arith.addi %mul3A_6, %add3A_57 : i32
    "tpu.region"() ({
      %run_scoped3A = tpu.sem_alloc : memref<!tpu.dma_semaphore, #tpu.memory_space<semaphore_mem>>
      %dma_start3A_67 = arith.constant 0 : i32
      %dma_start3A_68 = arith.constant 0 : i32
      %dma_start3A_69 = tpu.memref_slice %arg5[%arg0, %dma_start3A_67, %dma_start3A_68] : memref<2x10112x128xf32, #tpu.memory_space<hbm>> -> memref<1x10112x128xf32, #tpu.memory_space<hbm>>
      %dma_start3A_70 = tpu.memref_squeeze %dma_start3A_69 : memref<1x10112x128xf32, #tpu.memory_space<hbm>> -> memref<10112x128xf32, #tpu.memory_space<hbm>>
      %dma_start3A_71 = arith.constant 0 : i32
      %dma_start3A_72 = tpu.memref_slice %dma_start3A_70[%add3A_58, %dma_start3A_71] : memref<10112x128xf32, #tpu.memory_space<hbm>> -> memref<128x128xf32, #tpu.memory_space<hbm>>
      %dma_start3A_73 = arith.constant 0 : i32
      %dma_start3A_74 = tpu.memref_slice %arg16[%add3A_58, %dma_start3A_73] : memref<10112x128xf32, #tpu.memory_space<vmem_shared>> -> memref<128x128xf32, #tpu.memory_space<vmem_shared>>
      tpu.enqueue_dma source(%dma_start3A_74 : memref<128x128xf32, #tpu.memory_space<vmem_shared>>) target(%dma_start3A_72 : memref<128x128xf32, #tpu.memory_space<hbm>>) target_semaphore(%run_scoped3A : memref<!tpu.dma_semaphore, #tpu.memory_space<semaphore_mem>>)
      %dma_wait3A_75 = arith.constant 0 : i32
      %dma_wait3A_76 = arith.constant 0 : i32
      %dma_wait3A_77 = tpu.memref_slice %arg5[%arg0, %dma_wait3A_75, %dma_wait3A_76] : memref<2x10112x128xf32, #tpu.memory_space<hbm>> -> memref<1x10112x128xf32, #tpu.memory_space<hbm>>
      %dma_wait3A_78 = tpu.memref_squeeze %dma_wait3A_77 : memref<1x10112x128xf32, #tpu.memory_space<hbm>> -> memref<10112x128xf32, #tpu.memory_space<hbm>>
      %dma_wait3A_79 = arith.constant 0 : i32
      %dma_wait3A_80 = tpu.memref_slice %dma_wait3A_78[%add3A_58, %dma_wait3A_79] : memref<10112x128xf32, #tpu.memory_space<hbm>> -> memref<128x128xf32, #tpu.memory_space<hbm>>
      %dma_wait3A_81 = arith.constant 0 : i32
      %dma_wait3A_82 = tpu.memref_slice %arg16[%add3A_58, %dma_wait3A_81] : memref<10112x128xf32, #tpu.memory_space<vmem_shared>> -> memref<128x128xf32, #tpu.memory_space<vmem_shared>>
      tpu.wait_dma2 semaphore(%run_scoped3A : memref<!tpu.dma_semaphore, #tpu.memory_space<semaphore_mem>>) src(%dma_wait3A_82 : memref<128x128xf32, #tpu.memory_space<vmem_shared>>) dst(%dma_wait3A_80 : memref<128x128xf32, #tpu.memory_space<hbm>>)
      tpu.yield
    }) : () -> ()
    %add3A_59 = arith.constant 128 : i32
    %add3A_60 = arith.addi %mul3A_6, %add3A_59 : i32
    "tpu.region"() ({
      %run_scoped3A = tpu.sem_alloc : memref<!tpu.dma_semaphore, #tpu.memory_space<semaphore_mem>>
      %dma_start3A_67 = arith.constant 0 : i32
      %dma_start3A_68 = arith.constant 0 : i32
      %dma_start3A_69 = tpu.memref_slice %arg5[%arg0, %dma_start3A_67, %dma_start3A_68] : memref<2x10112x128xf32, #tpu.memory_space<hbm>> -> memref<1x10112x128xf32, #tpu.memory_space<hbm>>
      %dma_start3A_70 = tpu.memref_squeeze %dma_start3A_69 : memref<1x10112x128xf32, #tpu.memory_space<hbm>> -> memref<10112x128xf32, #tpu.memory_space<hbm>>
      %dma_start3A_71 = arith.constant 0 : i32
      %dma_start3A_72 = tpu.memref_slice %dma_start3A_70[%add3A_60, %dma_start3A_71] : memref<10112x128xf32, #tpu.memory_space<hbm>> -> memref<128x128xf32, #tpu.memory_space<hbm>>
      %dma_start3A_73 = arith.constant 0 : i32
      %dma_start3A_74 = tpu.memref_slice %arg16[%add3A_60, %dma_start3A_73] : memref<10112x128xf32, #tpu.memory_space<vmem_shared>> -> memref<128x128xf32, #tpu.memory_space<vmem_shared>>
      tpu.enqueue_dma source(%dma_start3A_74 : memref<128x128xf32, #tpu.memory_space<vmem_shared>>) target(%dma_start3A_72 : memref<128x128xf32, #tpu.memory_space<hbm>>) target_semaphore(%run_scoped3A : memref<!tpu.dma_semaphore, #tpu.memory_space<semaphore_mem>>)
      %dma_wait3A_75 = arith.constant 0 : i32
      %dma_wait3A_76 = arith.constant 0 : i32
      %dma_wait3A_77 = tpu.memref_slice %arg5[%arg0, %dma_wait3A_75, %dma_wait3A_76] : memref<2x10112x128xf32, #tpu.memory_space<hbm>> -> memref<1x10112x128xf32, #tpu.memory_space<hbm>>
      %dma_wait3A_78 = tpu.memref_squeeze %dma_wait3A_77 : memref<1x10112x128xf32, #tpu.memory_space<hbm>> -> memref<10112x128xf32, #tpu.memory_space<hbm>>
      %dma_wait3A_79 = arith.constant 0 : i32
      %dma_wait3A_80 = tpu.memref_slice %dma_wait3A_78[%add3A_60, %dma_wait3A_79] : memref<10112x128xf32, #tpu.memory_space<hbm>> -> memref<128x128xf32, #tpu.memory_space<hbm>>
      %dma_wait3A_81 = arith.constant 0 : i32
      %dma_wait3A_82 = tpu.memref_slice %arg16[%add3A_60, %dma_wait3A_81] : memref<10112x128xf32, #tpu.memory_space<vmem_shared>> -> memref<128x128xf32, #tpu.memory_space<vmem_shared>>
      tpu.wait_dma2 semaphore(%run_scoped3A : memref<!tpu.dma_semaphore, #tpu.memory_space<semaphore_mem>>) src(%dma_wait3A_82 : memref<128x128xf32, #tpu.memory_space<vmem_shared>>) dst(%dma_wait3A_80 : memref<128x128xf32, #tpu.memory_space<hbm>>)
      tpu.yield
    }) : () -> ()
    %add3A_61 = arith.constant 256 : i32
    %add3A_62 = arith.addi %mul3A_6, %add3A_61 : i32
    "tpu.region"() ({
      %run_scoped3A = tpu.sem_alloc : memref<!tpu.dma_semaphore, #tpu.memory_space<semaphore_mem>>
      %dma_start3A_67 = arith.constant 0 : i32
      %dma_start3A_68 = arith.constant 0 : i32
      %dma_start3A_69 = tpu.memref_slice %arg5[%arg0, %dma_start3A_67, %dma_start3A_68] : memref<2x10112x128xf32, #tpu.memory_space<hbm>> -> memref<1x10112x128xf32, #tpu.memory_space<hbm>>
      %dma_start3A_70 = tpu.memref_squeeze %dma_start3A_69 : memref<1x10112x128xf32, #tpu.memory_space<hbm>> -> memref<10112x128xf32, #tpu.memory_space<hbm>>
      %dma_start3A_71 = arith.constant 0 : i32
      %dma_start3A_72 = tpu.memref_slice %dma_start3A_70[%add3A_62, %dma_start3A_71] : memref<10112x128xf32, #tpu.memory_space<hbm>> -> memref<128x128xf32, #tpu.memory_space<hbm>>
      %dma_start3A_73 = arith.constant 0 : i32
      %dma_start3A_74 = tpu.memref_slice %arg16[%add3A_62, %dma_start3A_73] : memref<10112x128xf32, #tpu.memory_space<vmem_shared>> -> memref<128x128xf32, #tpu.memory_space<vmem_shared>>
      tpu.enqueue_dma source(%dma_start3A_74 : memref<128x128xf32, #tpu.memory_space<vmem_shared>>) target(%dma_start3A_72 : memref<128x128xf32, #tpu.memory_space<hbm>>) target_semaphore(%run_scoped3A : memref<!tpu.dma_semaphore, #tpu.memory_space<semaphore_mem>>)
      %dma_wait3A_75 = arith.constant 0 : i32
      %dma_wait3A_76 = arith.constant 0 : i32
      %dma_wait3A_77 = tpu.memref_slice %arg5[%arg0, %dma_wait3A_75, %dma_wait3A_76] : memref<2x10112x128xf32, #tpu.memory_space<hbm>> -> memref<1x10112x128xf32, #tpu.memory_space<hbm>>
      %dma_wait3A_78 = tpu.memref_squeeze %dma_wait3A_77 : memref<1x10112x128xf32, #tpu.memory_space<hbm>> -> memref<10112x128xf32, #tpu.memory_space<hbm>>
      %dma_wait3A_79 = arith.constant 0 : i32
      %dma_wait3A_80 = tpu.memref_slice %dma_wait3A_78[%add3A_62, %dma_wait3A_79] : memref<10112x128xf32, #tpu.memory_space<hbm>> -> memref<128x128xf32, #tpu.memory_space<hbm>>
      %dma_wait3A_81 = arith.constant 0 : i32
      %dma_wait3A_82 = tpu.memref_slice %arg16[%add3A_62, %dma_wait3A_81] : memref<10112x128xf32, #tpu.memory_space<vmem_shared>> -> memref<128x128xf32, #tpu.memory_space<vmem_shared>>
      tpu.wait_dma2 semaphore(%run_scoped3A : memref<!tpu.dma_semaphore, #tpu.memory_space<semaphore_mem>>) src(%dma_wait3A_82 : memref<128x128xf32, #tpu.memory_space<vmem_shared>>) dst(%dma_wait3A_80 : memref<128x128xf32, #tpu.memory_space<hbm>>)
      tpu.yield
    }) : () -> ()
    %add3A_63 = arith.constant 384 : i32
    %add3A_64 = arith.addi %mul3A_6, %add3A_63 : i32
    "tpu.region"() ({
      %run_scoped3A = tpu.sem_alloc : memref<!tpu.dma_semaphore, #tpu.memory_space<semaphore_mem>>
      %dma_start3A_67 = arith.constant 0 : i32
      %dma_start3A_68 = arith.constant 0 : i32
      %dma_start3A_69 = tpu.memref_slice %arg5[%arg0, %dma_start3A_67, %dma_start3A_68] : memref<2x10112x128xf32, #tpu.memory_space<hbm>> -> memref<1x10112x128xf32, #tpu.memory_space<hbm>>
      %dma_start3A_70 = tpu.memref_squeeze %dma_start3A_69 : memref<1x10112x128xf32, #tpu.memory_space<hbm>> -> memref<10112x128xf32, #tpu.memory_space<hbm>>
      %dma_start3A_71 = arith.constant 0 : i32
      %dma_start3A_72 = tpu.memref_slice %dma_start3A_70[%add3A_64, %dma_start3A_71] : memref<10112x128xf32, #tpu.memory_space<hbm>> -> memref<128x128xf32, #tpu.memory_space<hbm>>
      %dma_start3A_73 = arith.constant 0 : i32
      %dma_start3A_74 = tpu.memref_slice %arg16[%add3A_64, %dma_start3A_73] : memref<10112x128xf32, #tpu.memory_space<vmem_shared>> -> memref<128x128xf32, #tpu.memory_space<vmem_shared>>
      tpu.enqueue_dma source(%dma_start3A_74 : memref<128x128xf32, #tpu.memory_space<vmem_shared>>) target(%dma_start3A_72 : memref<128x128xf32, #tpu.memory_space<hbm>>) target_semaphore(%run_scoped3A : memref<!tpu.dma_semaphore, #tpu.memory_space<semaphore_mem>>)
      %dma_wait3A_75 = arith.constant 0 : i32
      %dma_wait3A_76 = arith.constant 0 : i32
      %dma_wait3A_77 = tpu.memref_slice %arg5[%arg0, %dma_wait3A_75, %dma_wait3A_76] : memref<2x10112x128xf32, #tpu.memory_space<hbm>> -> memref<1x10112x128xf32, #tpu.memory_space<hbm>>
      %dma_wait3A_78 = tpu.memref_squeeze %dma_wait3A_77 : memref<1x10112x128xf32, #tpu.memory_space<hbm>> -> memref<10112x128xf32, #tpu.memory_space<hbm>>
      %dma_wait3A_79 = arith.constant 0 : i32
      %dma_wait3A_80 = tpu.memref_slice %dma_wait3A_78[%add3A_64, %dma_wait3A_79] : memref<10112x128xf32, #tpu.memory_space<hbm>> -> memref<128x128xf32, #tpu.memory_space<hbm>>
      %dma_wait3A_81 = arith.constant 0 : i32
      %dma_wait3A_82 = tpu.memref_slice %arg16[%add3A_64, %dma_wait3A_81] : memref<10112x128xf32, #tpu.memory_space<vmem_shared>> -> memref<128x128xf32, #tpu.memory_space<vmem_shared>>
      tpu.wait_dma2 semaphore(%run_scoped3A : memref<!tpu.dma_semaphore, #tpu.memory_space<semaphore_mem>>) src(%dma_wait3A_82 : memref<128x128xf32, #tpu.memory_space<vmem_shared>>) dst(%dma_wait3A_80 : memref<128x128xf32, #tpu.memory_space<hbm>>)
      tpu.yield
    }) : () -> ()
    %add3A_65 = arith.constant 512 : i32
    %add3A_66 = arith.addi %mul3A_6, %add3A_65 : i32
    "tpu.region"() ({
      %run_scoped3A = tpu.sem_alloc : memref<!tpu.dma_semaphore, #tpu.memory_space<semaphore_mem>>
      %dma_start3A_67 = arith.constant 0 : i32
      %dma_start3A_68 = arith.constant 0 : i32
      %dma_start3A_69 = tpu.memref_slice %arg5[%arg0, %dma_start3A_67, %dma_start3A_68] : memref<2x10112x128xf32, #tpu.memory_space<hbm>> -> memref<1x10112x128xf32, #tpu.memory_space<hbm>>
      %dma_start3A_70 = tpu.memref_squeeze %dma_start3A_69 : memref<1x10112x128xf32, #tpu.memory_space<hbm>> -> memref<10112x128xf32, #tpu.memory_space<hbm>>
      %dma_start3A_71 = arith.constant 0 : i32
      %dma_start3A_72 = tpu.memref_slice %dma_start3A_70[%add3A_66, %dma_start3A_71] : memref<10112x128xf32, #tpu.memory_space<hbm>> -> memref<120x128xf32, #tpu.memory_space<hbm>>
      %dma_start3A_73 = arith.constant 0 : i32
      %dma_start3A_74 = tpu.memref_slice %arg16[%add3A_66, %dma_start3A_73] : memref<10112x128xf32, #tpu.memory_space<vmem_shared>> -> memref<120x128xf32, #tpu.memory_space<vmem_shared>>
      tpu.enqueue_dma source(%dma_start3A_74 : memref<120x128xf32, #tpu.memory_space<vmem_shared>>) target(%dma_start3A_72 : memref<120x128xf32, #tpu.memory_space<hbm>>) target_semaphore(%run_scoped3A : memref<!tpu.dma_semaphore, #tpu.memory_space<semaphore_mem>>)
      %dma_wait3A_75 = arith.constant 0 : i32
      %dma_wait3A_76 = arith.constant 0 : i32
      %dma_wait3A_77 = tpu.memref_slice %arg5[%arg0, %dma_wait3A_75, %dma_wait3A_76] : memref<2x10112x128xf32, #tpu.memory_space<hbm>> -> memref<1x10112x128xf32, #tpu.memory_space<hbm>>
      %dma_wait3A_78 = tpu.memref_squeeze %dma_wait3A_77 : memref<1x10112x128xf32, #tpu.memory_space<hbm>> -> memref<10112x128xf32, #tpu.memory_space<hbm>>
      %dma_wait3A_79 = arith.constant 0 : i32
      %dma_wait3A_80 = tpu.memref_slice %dma_wait3A_78[%add3A_66, %dma_wait3A_79] : memref<10112x128xf32, #tpu.memory_space<hbm>> -> memref<120x128xf32, #tpu.memory_space<hbm>>
      %dma_wait3A_81 = arith.constant 0 : i32
      %dma_wait3A_82 = tpu.memref_slice %arg16[%add3A_66, %dma_wait3A_81] : memref<10112x128xf32, #tpu.memory_space<vmem_shared>> -> memref<120x128xf32, #tpu.memory_space<vmem_shared>>
      tpu.wait_dma2 semaphore(%run_scoped3A : memref<!tpu.dma_semaphore, #tpu.memory_space<semaphore_mem>>) src(%dma_wait3A_82 : memref<120x128xf32, #tpu.memory_space<vmem_shared>>) dst(%dma_wait3A_80 : memref<120x128xf32, #tpu.memory_space<hbm>>)
      tpu.yield
    }) : () -> ()
    return
  }
}

#map = affine_map<(d0, d1) -> (0, 0)>
#map1 = affine_map<(d0, d1) -> (0)>
#map2 = affine_map<(d0, d1) -> (0, 0, 0)>
module attributes {stable_mosaic.version = 14 : i64} {
  func.func @body(%arg0: i32, %arg1: i32, %arg2: memref<10000x128xf32, #tpu.memory_space<hbm>>, %arg3: memref<327680xi32, #tpu.memory_space<hbm>>, %arg4: memref<327680xi32, #tpu.memory_space<hbm>>, %arg5: memref<2x10112x128xf32, #tpu.memory_space<hbm>>, %arg6: memref<2x10240xf32, #tpu.memory_space<hbm>>, %arg7: memref<128xi32, #tpu.memory_space<vmem>>, %arg8: memref<128xi32, #tpu.memory_space<vmem>>, %arg9: memref<128xi32, #tpu.memory_space<vmem>>, %arg10: memref<128xi32, #tpu.memory_space<vmem>>, %arg11: memref<128xi32, #tpu.memory_space<vmem>>, %arg12: memref<128xi32, #tpu.memory_space<vmem>>, %arg13: memref<128xi32, #tpu.memory_space<vmem>>, %arg14: memref<128xi32, #tpu.memory_space<vmem>>, %arg15: memref<128x128xf32, #tpu.memory_space<vmem>>, %arg16: memref<128x128xf32, #tpu.memory_space<vmem>>, %arg17: memref<10112x128xf32, #tpu.memory_space<vmem_shared>>, %arg18: memref<!tpu.dma_semaphore, #tpu.memory_space<semaphore_mem>>, %arg19: memref<!tpu.dma_semaphore, #tpu.memory_space<semaphore_mem>>, %arg20: memref<!tpu.dma_semaphore, #tpu.memory_space<semaphore_mem>>, %arg21: memref<!tpu.dma_semaphore, #tpu.memory_space<semaphore_mem>>, %arg22: memref<!tpu.dma_semaphore, #tpu.memory_space<semaphore_mem>>, %arg23: memref<!tpu.dma_semaphore, #tpu.memory_space<semaphore_mem>>, %arg24: memref<!tpu.dma_semaphore, #tpu.memory_space<semaphore_mem>>, %arg25: memref<!tpu.dma_semaphore, #tpu.memory_space<semaphore_mem>>, %arg26: memref<128xf32, #tpu.memory_space<vmem>>, %arg27: memref<640xf32, #tpu.memory_space<vmem>>, %arg28: memref<10240xf32, #tpu.memory_space<vmem_shared>>) attributes {dimension_semantics = [#tpu.dimension_semantics<core_parallel>, #tpu.dimension_semantics<subcore_parallel>], iteration_bounds = array<i64: 2, 16>, scalar_prefetch = 0 : i64, scratch_operands = 22 : i64, tpu.core_type = #tpu.core_type<sc_vector_subcore>, window_params = [{transform_indices = #map}, {transform_indices = #map1}, {transform_indices = #map1}, {transform_indices = #map2}, {transform_indices = #map}]} {
    %mul3A = arith.constant 16 : i32
    %mul3A_0 = arith.muli %arg0, %mul3A : i32
    %add3A = arith.addi %mul3A_0, %arg1 : i32
    %scan3A = arith.constant 0 : i32
    %scan3A_1 = arith.constant 128 : i32
    %scan3A_2 = arith.addi %scan3A, %scan3A_1 : i32
    %scan3A_3 = arith.constant 1 : i32
    scf.for %scan3A_81 = %scan3A to %scan3A_2 step %scan3A_3  : i32 {
      %mul3A_82 = arith.constant 1 : i32
      %mul3A_83 = arith.muli %scan3A_81, %mul3A_82 : i32
      %add3A_84 = arith.constant 0 : i32
      %add3A_85 = arith.addi %add3A_84, %mul3A_83 : i32
      %broadcast_in_dim3A = arith.constant 0.000000e+00 : f32
      %broadcast_in_dim3A_86 = vector.broadcast %broadcast_in_dim3A : f32 to vector<16xf32>
      %swap3A = arith.index_cast %add3A_85 : i32 to index
      %swap3A_87 = arith.constant 0 : index
      %swap3A_88 = tpu.vector_load %arg15[%swap3A, %swap3A_87] {strides = array<i32>} : memref<128x128xf32, #tpu.memory_space<vmem>>, vector<1x16xf32>,
      %swap3A_89 = vector.shape_cast %swap3A_88 : vector<1x16xf32> to vector<16xf32>
      %swap3A_90 = vector.shape_cast %broadcast_in_dim3A_86 : vector<16xf32> to vector<1x16xf32>
      tpu.vector_store %arg15[%swap3A, %swap3A_87], %swap3A_90 {strides = array<i32>} : memref<128x128xf32, #tpu.memory_space<vmem>>, vector<1x16xf32>,
      %broadcast_in_dim3A_91 = arith.constant 0.000000e+00 : f32
      %broadcast_in_dim3A_92 = vector.broadcast %broadcast_in_dim3A_91 : f32 to vector<16xf32>
      %swap3A_93 = arith.index_cast %add3A_85 : i32 to index
      %swap3A_94 = arith.constant 16 : index
      %swap3A_95 = tpu.vector_load %arg15[%swap3A_93, %swap3A_94] {strides = array<i32>} : memref<128x128xf32, #tpu.memory_space<vmem>>, vector<1x16xf32>,
      %swap3A_96 = vector.shape_cast %swap3A_95 : vector<1x16xf32> to vector<16xf32>
      %swap3A_97 = vector.shape_cast %broadcast_in_dim3A_92 : vector<16xf32> to vector<1x16xf32>
      tpu.vector_store %arg15[%swap3A_93, %swap3A_94], %swap3A_97 {strides = array<i32>} : memref<128x128xf32, #tpu.memory_space<vmem>>, vector<1x16xf32>,
      %broadcast_in_dim3A_98 = arith.constant 0.000000e+00 : f32
      %broadcast_in_dim3A_99 = vector.broadcast %broadcast_in_dim3A_98 : f32 to vector<16xf32>
      %swap3A_100 = arith.index_cast %add3A_85 : i32 to index
      %swap3A_101 = arith.constant 32 : index
      %swap3A_102 = tpu.vector_load %arg15[%swap3A_100, %swap3A_101] {strides = array<i32>} : memref<128x128xf32, #tpu.memory_space<vmem>>, vector<1x16xf32>,
      %swap3A_103 = vector.shape_cast %swap3A_102 : vector<1x16xf32> to vector<16xf32>
      %swap3A_104 = vector.shape_cast %broadcast_in_dim3A_99 : vector<16xf32> to vector<1x16xf32>
      tpu.vector_store %arg15[%swap3A_100, %swap3A_101], %swap3A_104 {strides = array<i32>} : memref<128x128xf32, #tpu.memory_space<vmem>>, vector<1x16xf32>,
      %broadcast_in_dim3A_105 = arith.constant 0.000000e+00 : f32
      %broadcast_in_dim3A_106 = vector.broadcast %broadcast_in_dim3A_105 : f32 to vector<16xf32>
      %swap3A_107 = arith.index_cast %add3A_85 : i32 to index
      %swap3A_108 = arith.constant 48 : index
      %swap3A_109 = tpu.vector_load %arg15[%swap3A_107, %swap3A_108] {strides = array<i32>} : memref<128x128xf32, #tpu.memory_space<vmem>>, vector<1x16xf32>,
      %swap3A_110 = vector.shape_cast %swap3A_109 : vector<1x16xf32> to vector<16xf32>
      %swap3A_111 = vector.shape_cast %broadcast_in_dim3A_106 : vector<16xf32> to vector<1x16xf32>
      tpu.vector_store %arg15[%swap3A_107, %swap3A_108], %swap3A_111 {strides = array<i32>} : memref<128x128xf32, #tpu.memory_space<vmem>>, vector<1x16xf32>,
      %broadcast_in_dim3A_112 = arith.constant 0.000000e+00 : f32
      %broadcast_in_dim3A_113 = vector.broadcast %broadcast_in_dim3A_112 : f32 to vector<16xf32>
      %swap3A_114 = arith.index_cast %add3A_85 : i32 to index
      %swap3A_115 = arith.constant 64 : index
      %swap3A_116 = tpu.vector_load %arg15[%swap3A_114, %swap3A_115] {strides = array<i32>} : memref<128x128xf32, #tpu.memory_space<vmem>>, vector<1x16xf32>,
      %swap3A_117 = vector.shape_cast %swap3A_116 : vector<1x16xf32> to vector<16xf32>
      %swap3A_118 = vector.shape_cast %broadcast_in_dim3A_113 : vector<16xf32> to vector<1x16xf32>
      tpu.vector_store %arg15[%swap3A_114, %swap3A_115], %swap3A_118 {strides = array<i32>} : memref<128x128xf32, #tpu.memory_space<vmem>>, vector<1x16xf32>,
      %broadcast_in_dim3A_119 = arith.constant 0.000000e+00 : f32
      %broadcast_in_dim3A_120 = vector.broadcast %broadcast_in_dim3A_119 : f32 to vector<16xf32>
      %swap3A_121 = arith.index_cast %add3A_85 : i32 to index
      %swap3A_122 = arith.constant 80 : index
      %swap3A_123 = tpu.vector_load %arg15[%swap3A_121, %swap3A_122] {strides = array<i32>} : memref<128x128xf32, #tpu.memory_space<vmem>>, vector<1x16xf32>,
      %swap3A_124 = vector.shape_cast %swap3A_123 : vector<1x16xf32> to vector<16xf32>
      %swap3A_125 = vector.shape_cast %broadcast_in_dim3A_120 : vector<16xf32> to vector<1x16xf32>
      tpu.vector_store %arg15[%swap3A_121, %swap3A_122], %swap3A_125 {strides = array<i32>} : memref<128x128xf32, #tpu.memory_space<vmem>>, vector<1x16xf32>,
      %broadcast_in_dim3A_126 = arith.constant 0.000000e+00 : f32
      %broadcast_in_dim3A_127 = vector.broadcast %broadcast_in_dim3A_126 : f32 to vector<16xf32>
      %swap3A_128 = arith.index_cast %add3A_85 : i32 to index
      %swap3A_129 = arith.constant 96 : index
      %swap3A_130 = tpu.vector_load %arg15[%swap3A_128, %swap3A_129] {strides = array<i32>} : memref<128x128xf32, #tpu.memory_space<vmem>>, vector<1x16xf32>,
      %swap3A_131 = vector.shape_cast %swap3A_130 : vector<1x16xf32> to vector<16xf32>
      %swap3A_132 = vector.shape_cast %broadcast_in_dim3A_127 : vector<16xf32> to vector<1x16xf32>
      tpu.vector_store %arg15[%swap3A_128, %swap3A_129], %swap3A_132 {strides = array<i32>} : memref<128x128xf32, #tpu.memory_space<vmem>>, vector<1x16xf32>,
      %broadcast_in_dim3A_133 = arith.constant 0.000000e+00 : f32
      %broadcast_in_dim3A_134 = vector.broadcast %broadcast_in_dim3A_133 : f32 to vector<16xf32>
      %swap3A_135 = arith.index_cast %add3A_85 : i32 to index
      %swap3A_136 = arith.constant 112 : index
      %swap3A_137 = tpu.vector_load %arg15[%swap3A_135, %swap3A_136] {strides = array<i32>} : memref<128x128xf32, #tpu.memory_space<vmem>>, vector<1x16xf32>,
      %swap3A_138 = vector.shape_cast %swap3A_137 : vector<1x16xf32> to vector<16xf32>
      %swap3A_139 = vector.shape_cast %broadcast_in_dim3A_134 : vector<16xf32> to vector<1x16xf32>
      tpu.vector_store %arg15[%swap3A_135, %swap3A_136], %swap3A_139 {strides = array<i32>} : memref<128x128xf32, #tpu.memory_space<vmem>>, vector<1x16xf32>,
    }
    %scan3A_4 = arith.constant 128 : i32
    %mul3A_5 = arith.constant 632 : i32
    %mul3A_6 = arith.muli %arg1, %mul3A_5 : i32
    %add3A_7 = arith.constant 0 : i32
    %add3A_8 = arith.addi %mul3A_6, %add3A_7 : i32
    "tpu.region"() ({
      %run_scoped3A = tpu.sem_alloc : memref<!tpu.dma_semaphore, #tpu.memory_space<semaphore_mem>>
      %dma_start3A_81 = arith.constant 0 : i32
      %dma_start3A_82 = tpu.memref_slice %arg17[%add3A_8, %dma_start3A_81] : memref<10112x128xf32, #tpu.memory_space<vmem_shared>> -> memref<128x128xf32, #tpu.memory_space<vmem_shared>>
      %dma_start3A_83 = arith.constant 0 : i32
      %dma_start3A_84 = tpu.memref_slice %arg17[%add3A_8, %dma_start3A_83] : memref<10112x128xf32, #tpu.memory_space<vmem_shared>> -> memref<128x128xf32, #tpu.memory_space<vmem_shared>>
      tpu.enqueue_dma source(%arg15 : memref<128x128xf32, #tpu.memory_space<vmem>>) target(%dma_start3A_84 : memref<128x128xf32, #tpu.memory_space<vmem_shared>>) target_semaphore(%run_scoped3A : memref<!tpu.dma_semaphore, #tpu.memory_space<semaphore_mem>>)
      %dma_wait3A_85 = arith.constant 0 : i32
      %dma_wait3A_86 = tpu.memref_slice %arg17[%add3A_8, %dma_wait3A_85] : memref<10112x128xf32, #tpu.memory_space<vmem_shared>> -> memref<128x128xf32, #tpu.memory_space<vmem_shared>>
      %dma_wait3A_87 = arith.constant 0 : i32
      %dma_wait3A_88 = tpu.memref_slice %arg17[%add3A_8, %dma_wait3A_87] : memref<10112x128xf32, #tpu.memory_space<vmem_shared>> -> memref<128x128xf32, #tpu.memory_space<vmem_shared>>
      tpu.wait_dma2 semaphore(%run_scoped3A : memref<!tpu.dma_semaphore, #tpu.memory_space<semaphore_mem>>) src(%arg15 : memref<128x128xf32, #tpu.memory_space<vmem>>) dst(%dma_wait3A_88 : memref<128x128xf32, #tpu.memory_space<vmem_shared>>)
      tpu.yield
    }) : () -> ()
    %add3A_9 = arith.constant 128 : i32
    %add3A_10 = arith.addi %mul3A_6, %add3A_9 : i32
    "tpu.region"() ({
      %run_scoped3A = tpu.sem_alloc : memref<!tpu.dma_semaphore, #tpu.memory_space<semaphore_mem>>
      %dma_start3A_81 = arith.constant 0 : i32
      %dma_start3A_82 = tpu.memref_slice %arg17[%add3A_10, %dma_start3A_81] : memref<10112x128xf32, #tpu.memory_space<vmem_shared>> -> memref<128x128xf32, #tpu.memory_space<vmem_shared>>
      %dma_start3A_83 = arith.constant 0 : i32
      %dma_start3A_84 = tpu.memref_slice %arg17[%add3A_10, %dma_start3A_83] : memref<10112x128xf32, #tpu.memory_space<vmem_shared>> -> memref<128x128xf32, #tpu.memory_space<vmem_shared>>
      tpu.enqueue_dma source(%arg15 : memref<128x128xf32, #tpu.memory_space<vmem>>) target(%dma_start3A_84 : memref<128x128xf32, #tpu.memory_space<vmem_shared>>) target_semaphore(%run_scoped3A : memref<!tpu.dma_semaphore, #tpu.memory_space<semaphore_mem>>)
      %dma_wait3A_85 = arith.constant 0 : i32
      %dma_wait3A_86 = tpu.memref_slice %arg17[%add3A_10, %dma_wait3A_85] : memref<10112x128xf32, #tpu.memory_space<vmem_shared>> -> memref<128x128xf32, #tpu.memory_space<vmem_shared>>
      %dma_wait3A_87 = arith.constant 0 : i32
      %dma_wait3A_88 = tpu.memref_slice %arg17[%add3A_10, %dma_wait3A_87] : memref<10112x128xf32, #tpu.memory_space<vmem_shared>> -> memref<128x128xf32, #tpu.memory_space<vmem_shared>>
      tpu.wait_dma2 semaphore(%run_scoped3A : memref<!tpu.dma_semaphore, #tpu.memory_space<semaphore_mem>>) src(%arg15 : memref<128x128xf32, #tpu.memory_space<vmem>>) dst(%dma_wait3A_88 : memref<128x128xf32, #tpu.memory_space<vmem_shared>>)
      tpu.yield
    }) : () -> ()
    %add3A_11 = arith.constant 256 : i32
    %add3A_12 = arith.addi %mul3A_6, %add3A_11 : i32
    "tpu.region"() ({
      %run_scoped3A = tpu.sem_alloc : memref<!tpu.dma_semaphore, #tpu.memory_space<semaphore_mem>>
      %dma_start3A_81 = arith.constant 0 : i32
      %dma_start3A_82 = tpu.memref_slice %arg17[%add3A_12, %dma_start3A_81] : memref<10112x128xf32, #tpu.memory_space<vmem_shared>> -> memref<128x128xf32, #tpu.memory_space<vmem_shared>>
      %dma_start3A_83 = arith.constant 0 : i32
      %dma_start3A_84 = tpu.memref_slice %arg17[%add3A_12, %dma_start3A_83] : memref<10112x128xf32, #tpu.memory_space<vmem_shared>> -> memref<128x128xf32, #tpu.memory_space<vmem_shared>>
      tpu.enqueue_dma source(%arg15 : memref<128x128xf32, #tpu.memory_space<vmem>>) target(%dma_start3A_84 : memref<128x128xf32, #tpu.memory_space<vmem_shared>>) target_semaphore(%run_scoped3A : memref<!tpu.dma_semaphore, #tpu.memory_space<semaphore_mem>>)
      %dma_wait3A_85 = arith.constant 0 : i32
      %dma_wait3A_86 = tpu.memref_slice %arg17[%add3A_12, %dma_wait3A_85] : memref<10112x128xf32, #tpu.memory_space<vmem_shared>> -> memref<128x128xf32, #tpu.memory_space<vmem_shared>>
      %dma_wait3A_87 = arith.constant 0 : i32
      %dma_wait3A_88 = tpu.memref_slice %arg17[%add3A_12, %dma_wait3A_87] : memref<10112x128xf32, #tpu.memory_space<vmem_shared>> -> memref<128x128xf32, #tpu.memory_space<vmem_shared>>
      tpu.wait_dma2 semaphore(%run_scoped3A : memref<!tpu.dma_semaphore, #tpu.memory_space<semaphore_mem>>) src(%arg15 : memref<128x128xf32, #tpu.memory_space<vmem>>) dst(%dma_wait3A_88 : memref<128x128xf32, #tpu.memory_space<vmem_shared>>)
      tpu.yield
    }) : () -> ()
    %add3A_13 = arith.constant 384 : i32
    %add3A_14 = arith.addi %mul3A_6, %add3A_13 : i32
    "tpu.region"() ({
      %run_scoped3A = tpu.sem_alloc : memref<!tpu.dma_semaphore, #tpu.memory_space<semaphore_mem>>
      %dma_start3A_81 = arith.constant 0 : i32
      %dma_start3A_82 = tpu.memref_slice %arg17[%add3A_14, %dma_start3A_81] : memref<10112x128xf32, #tpu.memory_space<vmem_shared>> -> memref<128x128xf32, #tpu.memory_space<vmem_shared>>
      %dma_start3A_83 = arith.constant 0 : i32
      %dma_start3A_84 = tpu.memref_slice %arg17[%add3A_14, %dma_start3A_83] : memref<10112x128xf32, #tpu.memory_space<vmem_shared>> -> memref<128x128xf32, #tpu.memory_space<vmem_shared>>
      tpu.enqueue_dma source(%arg15 : memref<128x128xf32, #tpu.memory_space<vmem>>) target(%dma_start3A_84 : memref<128x128xf32, #tpu.memory_space<vmem_shared>>) target_semaphore(%run_scoped3A : memref<!tpu.dma_semaphore, #tpu.memory_space<semaphore_mem>>)
      %dma_wait3A_85 = arith.constant 0 : i32
      %dma_wait3A_86 = tpu.memref_slice %arg17[%add3A_14, %dma_wait3A_85] : memref<10112x128xf32, #tpu.memory_space<vmem_shared>> -> memref<128x128xf32, #tpu.memory_space<vmem_shared>>
      %dma_wait3A_87 = arith.constant 0 : i32
      %dma_wait3A_88 = tpu.memref_slice %arg17[%add3A_14, %dma_wait3A_87] : memref<10112x128xf32, #tpu.memory_space<vmem_shared>> -> memref<128x128xf32, #tpu.memory_space<vmem_shared>>
      tpu.wait_dma2 semaphore(%run_scoped3A : memref<!tpu.dma_semaphore, #tpu.memory_space<semaphore_mem>>) src(%arg15 : memref<128x128xf32, #tpu.memory_space<vmem>>) dst(%dma_wait3A_88 : memref<128x128xf32, #tpu.memory_space<vmem_shared>>)
      tpu.yield
    }) : () -> ()
    %add3A_15 = arith.constant 512 : i32
    %add3A_16 = arith.addi %mul3A_6, %add3A_15 : i32
    "tpu.region"() ({
      %run_scoped3A = tpu.sem_alloc : memref<!tpu.dma_semaphore, #tpu.memory_space<semaphore_mem>>
      %dma_start3A_81 = arith.constant 0 : i32
      %dma_start3A_82 = arith.constant 0 : i32
      %dma_start3A_83 = tpu.memref_slice %arg15[%dma_start3A_81, %dma_start3A_82] : memref<128x128xf32, #tpu.memory_space<vmem>> -> memref<120x128xf32, #tpu.memory_space<vmem>>
      %dma_start3A_84 = arith.constant 0 : i32
      %dma_start3A_85 = tpu.memref_slice %arg17[%add3A_16, %dma_start3A_84] : memref<10112x128xf32, #tpu.memory_space<vmem_shared>> -> memref<120x128xf32, #tpu.memory_space<vmem_shared>>
      %dma_start3A_86 = arith.constant 0 : i32
      %dma_start3A_87 = tpu.memref_slice %arg17[%add3A_16, %dma_start3A_86] : memref<10112x128xf32, #tpu.memory_space<vmem_shared>> -> memref<120x128xf32, #tpu.memory_space<vmem_shared>>
      %dma_start3A_88 = arith.constant 0 : i32
      %dma_start3A_89 = arith.constant 0 : i32
      %dma_start3A_90 = tpu.memref_slice %arg15[%dma_start3A_88, %dma_start3A_89] : memref<128x128xf32, #tpu.memory_space<vmem>> -> memref<120x128xf32, #tpu.memory_space<vmem>>
      tpu.enqueue_dma source(%dma_start3A_90 : memref<120x128xf32, #tpu.memory_space<vmem>>) target(%dma_start3A_87 : memref<120x128xf32, #tpu.memory_space<vmem_shared>>) target_semaphore(%run_scoped3A : memref<!tpu.dma_semaphore, #tpu.memory_space<semaphore_mem>>)
      %dma_wait3A_91 = arith.constant 0 : i32
      %dma_wait3A_92 = arith.constant 0 : i32
      %dma_wait3A_93 = tpu.memref_slice %arg15[%dma_wait3A_91, %dma_wait3A_92] : memref<128x128xf32, #tpu.memory_space<vmem>> -> memref<120x128xf32, #tpu.memory_space<vmem>>
      %dma_wait3A_94 = arith.constant 0 : i32
      %dma_wait3A_95 = tpu.memref_slice %arg17[%add3A_16, %dma_wait3A_94] : memref<10112x128xf32, #tpu.memory_space<vmem_shared>> -> memref<120x128xf32, #tpu.memory_space<vmem_shared>>
      %dma_wait3A_96 = arith.constant 0 : i32
      %dma_wait3A_97 = tpu.memref_slice %arg17[%add3A_16, %dma_wait3A_96] : memref<10112x128xf32, #tpu.memory_space<vmem_shared>> -> memref<120x128xf32, #tpu.memory_space<vmem_shared>>
      %dma_wait3A_98 = arith.constant 0 : i32
      %dma_wait3A_99 = arith.constant 0 : i32
      %dma_wait3A_100 = tpu.memref_slice %arg15[%dma_wait3A_98, %dma_wait3A_99] : memref<128x128xf32, #tpu.memory_space<vmem>> -> memref<120x128xf32, #tpu.memory_space<vmem>>
      tpu.wait_dma2 semaphore(%run_scoped3A : memref<!tpu.dma_semaphore, #tpu.memory_space<semaphore_mem>>) src(%dma_wait3A_100 : memref<120x128xf32, #tpu.memory_space<vmem>>) dst(%dma_wait3A_97 : memref<120x128xf32, #tpu.memory_space<vmem_shared>>)
      tpu.yield
    }) : () -> ()
    %scan3A_17 = arith.constant 0 : i32
    %scan3A_18 = arith.constant 40 : i32
    %scan3A_19 = arith.addi %scan3A_17, %scan3A_18 : i32
    %scan3A_20 = arith.constant 1 : i32
    scf.for %scan3A_81 = %scan3A_17 to %scan3A_19 step %scan3A_20  : i32 {
      %mul3A_82 = arith.constant 1 : i32
      %mul3A_83 = arith.muli %scan3A_81, %mul3A_82 : i32
      %add3A_84 = arith.constant 0 : i32
      %add3A_85 = arith.addi %add3A_84, %mul3A_83 : i32
      %broadcast_in_dim3A = arith.constant 0.000000e+00 : f32
      %broadcast_in_dim3A_86 = vector.broadcast %broadcast_in_dim3A : f32 to vector<16xf32>
      %mul3A_87 = arith.constant 16 : i32
      %mul3A_88 = arith.muli %add3A_85, %mul3A_87 : i32
      %swap3A = arith.index_cast %mul3A_88 : i32 to index
      %swap3A_89 = tpu.vector_load %arg27[%swap3A] {strides = array<i32>} : memref<640xf32, #tpu.memory_space<vmem>>, vector<16xf32>,
      %swap3A_90 = vector.shape_cast %swap3A_89 : vector<16xf32> to vector<16xf32>
      %swap3A_91 = vector.shape_cast %broadcast_in_dim3A_86 : vector<16xf32> to vector<16xf32>
      tpu.vector_store %arg27[%swap3A], %swap3A_91 {strides = array<i32>} : memref<640xf32, #tpu.memory_space<vmem>>, vector<16xf32>,
    }
    %scan3A_21 = arith.constant 40 : i32
    %scan3A_22 = arith.constant 0 : i32
    %scan3A_23 = arith.constant 8 : i32
    %scan3A_24 = arith.addi %scan3A_22, %scan3A_23 : i32
    %scan3A_25 = arith.constant 1 : i32
    scf.for %scan3A_81 = %scan3A_22 to %scan3A_24 step %scan3A_25  : i32 {
      %mul3A_82 = arith.constant 1 : i32
      %mul3A_83 = arith.muli %scan3A_81, %mul3A_82 : i32
      %add3A_84 = arith.constant 0 : i32
      %add3A_85 = arith.addi %add3A_84, %mul3A_83 : i32
      %broadcast_in_dim3A = arith.constant 1.000000e+00 : f32
      %broadcast_in_dim3A_86 = vector.broadcast %broadcast_in_dim3A : f32 to vector<16xf32>
      %mul3A_87 = arith.constant 16 : i32
      %mul3A_88 = arith.muli %add3A_85, %mul3A_87 : i32
      %swap3A = arith.index_cast %mul3A_88 : i32 to index
      %swap3A_89 = tpu.vector_load %arg26[%swap3A] {strides = array<i32>} : memref<128xf32, #tpu.memory_space<vmem>>, vector<16xf32>,
      %swap3A_90 = vector.shape_cast %swap3A_89 : vector<16xf32> to vector<16xf32>
      %swap3A_91 = vector.shape_cast %broadcast_in_dim3A_86 : vector<16xf32> to vector<16xf32>
      tpu.vector_store %arg26[%swap3A], %swap3A_91 {strides = array<i32>} : memref<128xf32, #tpu.memory_space<vmem>>, vector<16xf32>,
    }
    %scan3A_26 = arith.constant 8 : i32
    %mul3A_27 = arith.constant 640 : i32
    %mul3A_28 = arith.muli %arg1, %mul3A_27 : i32
    "tpu.region"() ({
      %run_scoped3A = tpu.sem_alloc : memref<!tpu.dma_semaphore, #tpu.memory_space<semaphore_mem>>
      %dma_start3A_81 = tpu.memref_slice %arg28[%mul3A_28] : memref<10240xf32, #tpu.memory_space<vmem_shared>> -> memref<640xf32, #tpu.memory_space<vmem_shared>>
      %dma_start3A_82 = tpu.memref_slice %arg28[%mul3A_28] : memref<10240xf32, #tpu.memory_space<vmem_shared>> -> memref<640xf32, #tpu.memory_space<vmem_shared>>
      tpu.enqueue_dma source(%arg27 : memref<640xf32, #tpu.memory_space<vmem>>) target(%dma_start3A_82 : memref<640xf32, #tpu.memory_space<vmem_shared>>) target_semaphore(%run_scoped3A : memref<!tpu.dma_semaphore, #tpu.memory_space<semaphore_mem>>)
      %dma_wait3A_83 = tpu.memref_slice %arg28[%mul3A_28] : memref<10240xf32, #tpu.memory_space<vmem_shared>> -> memref<640xf32, #tpu.memory_space<vmem_shared>>
      %dma_wait3A_84 = tpu.memref_slice %arg28[%mul3A_28] : memref<10240xf32, #tpu.memory_space<vmem_shared>> -> memref<640xf32, #tpu.memory_space<vmem_shared>>
      tpu.wait_dma2 semaphore(%run_scoped3A : memref<!tpu.dma_semaphore, #tpu.memory_space<semaphore_mem>>) src(%arg27 : memref<640xf32, #tpu.memory_space<vmem>>) dst(%dma_wait3A_84 : memref<640xf32, #tpu.memory_space<vmem_shared>>)
      tpu.yield
    }) : () -> ()
    %barrier3A = arith.constant 0 : index
    tpu.barrier barrier_id(%barrier3A)
    %mul3A_29 = arith.constant 10240 : i32
    %mul3A_30 = arith.muli %add3A, %mul3A_29 : i32
    %add3A_31 = arith.constant 0 : i32
    %add3A_32 = arith.addi %mul3A_30, %add3A_31 : i32
    %dma_start3A = tpu.memref_slice %arg3[%add3A_32] : memref<327680xi32, #tpu.memory_space<hbm>> -> memref<128xi32, #tpu.memory_space<hbm>>
    %dma_start3A_33 = tpu.memref_slice %arg3[%add3A_32] : memref<327680xi32, #tpu.memory_space<hbm>> -> memref<128xi32, #tpu.memory_space<hbm>>
    tpu.enqueue_dma source(%dma_start3A_33 : memref<128xi32, #tpu.memory_space<hbm>>) target(%arg7 : memref<128xi32, #tpu.memory_space<vmem>>) target_semaphore(%arg18 : memref<!tpu.dma_semaphore, #tpu.memory_space<semaphore_mem>>)
    %dma_start3A_34 = tpu.memref_slice %arg4[%add3A_32] : memref<327680xi32, #tpu.memory_space<hbm>> -> memref<128xi32, #tpu.memory_space<hbm>>
    %dma_start3A_35 = tpu.memref_slice %arg4[%add3A_32] : memref<327680xi32, #tpu.memory_space<hbm>> -> memref<128xi32, #tpu.memory_space<hbm>>
    tpu.enqueue_dma source(%dma_start3A_35 : memref<128xi32, #tpu.memory_space<hbm>>) target(%arg11 : memref<128xi32, #tpu.memory_space<vmem>>) target_semaphore(%arg18 : memref<!tpu.dma_semaphore, #tpu.memory_space<semaphore_mem>>)
    %add3A_36 = arith.constant 128 : i32
    %add3A_37 = arith.addi %mul3A_30, %add3A_36 : i32
    %dma_start3A_38 = tpu.memref_slice %arg3[%add3A_37] : memref<327680xi32, #tpu.memory_space<hbm>> -> memref<128xi32, #tpu.memory_space<hbm>>
    %dma_start3A_39 = tpu.memref_slice %arg3[%add3A_37] : memref<327680xi32, #tpu.memory_space<hbm>> -> memref<128xi32, #tpu.memory_space<hbm>>
    tpu.enqueue_dma source(%dma_start3A_39 : memref<128xi32, #tpu.memory_space<hbm>>) target(%arg8 : memref<128xi32, #tpu.memory_space<vmem>>) target_semaphore(%arg19 : memref<!tpu.dma_semaphore, #tpu.memory_space<semaphore_mem>>)
    %dma_start3A_40 = tpu.memref_slice %arg4[%add3A_37] : memref<327680xi32, #tpu.memory_space<hbm>> -> memref<128xi32, #tpu.memory_space<hbm>>
    %dma_start3A_41 = tpu.memref_slice %arg4[%add3A_37] : memref<327680xi32, #tpu.memory_space<hbm>> -> memref<128xi32, #tpu.memory_space<hbm>>
    tpu.enqueue_dma source(%dma_start3A_41 : memref<128xi32, #tpu.memory_space<hbm>>) target(%arg12 : memref<128xi32, #tpu.memory_space<vmem>>) target_semaphore(%arg19 : memref<!tpu.dma_semaphore, #tpu.memory_space<semaphore_mem>>)
    %add3A_42 = arith.constant 256 : i32
    %add3A_43 = arith.addi %mul3A_30, %add3A_42 : i32
    %dma_start3A_44 = tpu.memref_slice %arg3[%add3A_43] : memref<327680xi32, #tpu.memory_space<hbm>> -> memref<128xi32, #tpu.memory_space<hbm>>
    %dma_start3A_45 = tpu.memref_slice %arg3[%add3A_43] : memref<327680xi32, #tpu.memory_space<hbm>> -> memref<128xi32, #tpu.memory_space<hbm>>
    tpu.enqueue_dma source(%dma_start3A_45 : memref<128xi32, #tpu.memory_space<hbm>>) target(%arg9 : memref<128xi32, #tpu.memory_space<vmem>>) target_semaphore(%arg20 : memref<!tpu.dma_semaphore, #tpu.memory_space<semaphore_mem>>)
    %dma_start3A_46 = tpu.memref_slice %arg4[%add3A_43] : memref<327680xi32, #tpu.memory_space<hbm>> -> memref<128xi32, #tpu.memory_space<hbm>>
    %dma_start3A_47 = tpu.memref_slice %arg4[%add3A_43] : memref<327680xi32, #tpu.memory_space<hbm>> -> memref<128xi32, #tpu.memory_space<hbm>>
    tpu.enqueue_dma source(%dma_start3A_47 : memref<128xi32, #tpu.memory_space<hbm>>) target(%arg13 : memref<128xi32, #tpu.memory_space<vmem>>) target_semaphore(%arg20 : memref<!tpu.dma_semaphore, #tpu.memory_space<semaphore_mem>>)
    %add3A_48 = arith.constant 384 : i32
    %add3A_49 = arith.addi %mul3A_30, %add3A_48 : i32
    %dma_start3A_50 = tpu.memref_slice %arg3[%add3A_49] : memref<327680xi32, #tpu.memory_space<hbm>> -> memref<128xi32, #tpu.memory_space<hbm>>
    %dma_start3A_51 = tpu.memref_slice %arg3[%add3A_49] : memref<327680xi32, #tpu.memory_space<hbm>> -> memref<128xi32, #tpu.memory_space<hbm>>
    tpu.enqueue_dma source(%dma_start3A_51 : memref<128xi32, #tpu.memory_space<hbm>>) target(%arg10 : memref<128xi32, #tpu.memory_space<vmem>>) target_semaphore(%arg21 : memref<!tpu.dma_semaphore, #tpu.memory_space<semaphore_mem>>)
    %dma_start3A_52 = tpu.memref_slice %arg4[%add3A_49] : memref<327680xi32, #tpu.memory_space<hbm>> -> memref<128xi32, #tpu.memory_space<hbm>>
    %dma_start3A_53 = tpu.memref_slice %arg4[%add3A_49] : memref<327680xi32, #tpu.memory_space<hbm>> -> memref<128xi32, #tpu.memory_space<hbm>>
    tpu.enqueue_dma source(%dma_start3A_53 : memref<128xi32, #tpu.memory_space<hbm>>) target(%arg14 : memref<128xi32, #tpu.memory_space<vmem>>) target_semaphore(%arg21 : memref<!tpu.dma_semaphore, #tpu.memory_space<semaphore_mem>>)
    %dma_wait3A = tpu.memref_slice %arg3[%mul3A_30] : memref<327680xi32, #tpu.memory_space<hbm>> -> memref<128xi32, #tpu.memory_space<hbm>>
    %dma_wait3A_54 = tpu.memref_slice %arg3[%mul3A_30] : memref<327680xi32, #tpu.memory_space<hbm>> -> memref<128xi32, #tpu.memory_space<hbm>>
    tpu.wait_dma2 semaphore(%arg18 : memref<!tpu.dma_semaphore, #tpu.memory_space<semaphore_mem>>) src(%dma_wait3A_54 : memref<128xi32, #tpu.memory_space<hbm>>) dst(%arg7 : memref<128xi32, #tpu.memory_space<vmem>>)
    %dma_wait3A_55 = tpu.memref_slice %arg4[%mul3A_30] : memref<327680xi32, #tpu.memory_space<hbm>> -> memref<128xi32, #tpu.memory_space<hbm>>
    %dma_wait3A_56 = tpu.memref_slice %arg4[%mul3A_30] : memref<327680xi32, #tpu.memory_space<hbm>> -> memref<128xi32, #tpu.memory_space<hbm>>
    tpu.wait_dma2 semaphore(%arg18 : memref<!tpu.dma_semaphore, #tpu.memory_space<semaphore_mem>>) src(%dma_wait3A_56 : memref<128xi32, #tpu.memory_space<hbm>>) dst(%arg11 : memref<128xi32, #tpu.memory_space<vmem>>)
    %dma_start3A_57 = arith.constant 0 : i32
    %dma_start3A_58 = arith.constant 0 : i32
    %dma_start3A_59 = tpu.memref_slice %arg2[%dma_start3A_57, %dma_start3A_58] : memref<10000x128xf32, #tpu.memory_space<hbm>> -> memref<10000x128xf32, #tpu.memory_space<hbm>>
    tpu.enqueue_indirect_dma source(%dma_start3A_59 : memref<10000x128xf32, #tpu.memory_space<hbm>>) target(%arg15 : memref<128x128xf32, #tpu.memory_space<vmem>>) offsets(%arg7 : memref<128xi32, #tpu.memory_space<vmem>>) semaphore(%arg22 : memref<!tpu.dma_semaphore, #tpu.memory_space<semaphore_mem>>)
    %scan3A_60 = arith.constant 0 : i32
    %scan3A_61 = arith.constant 20 : i32
    %scan3A_62 = arith.addi %scan3A_60, %scan3A_61 : i32
    %scan3A_63 = arith.constant 1 : i32
    scf.for %scan3A_81 = %scan3A_60 to %scan3A_62 step %scan3A_63  : i32 {
      %mul3A_82 = arith.constant 4 : i32
      %mul3A_83 = arith.muli %scan3A_81, %mul3A_82 : i32
      %add3A_84 = arith.constant 0 : i32
      %add3A_85 = arith.addi %add3A_84, %mul3A_83 : i32
      %add3A_86 = arith.constant 0 : i32
      %add3A_87 = arith.addi %add3A_85, %add3A_86 : i32
      %mul3A_88 = arith.constant 128 : i32
      %mul3A_89 = arith.muli %add3A_87, %mul3A_88 : i32
      %add3A_90 = arith.addi %mul3A_30, %mul3A_89 : i32
      %ge3A = arith.constant 1 : i32
      %ge3A_91 = arith.cmpi sge, %add3A_87, %ge3A : i32
      %convert_element_type3A = arith.extui %ge3A_91 : i1 to i32
      %cond3A = arith.constant 0 : i32
      %cond3A_92 = arith.cmpi ne, %convert_element_type3A, %cond3A : i32
      scf.if %cond3A_92 {
        %dma_wait3A_174 = arith.constant 0 : i32
        %dma_wait3A_175 = arith.constant 0 : i32
        %dma_wait3A_176 = tpu.memref_slice %arg17[%dma_wait3A_174, %dma_wait3A_175] : memref<10112x128xf32, #tpu.memory_space<vmem_shared>> -> memref<10112x128xf32, #tpu.memory_space<vmem_shared>>
        tpu.wait_indirect_dma semaphore(%arg25 : memref<!tpu.dma_semaphore, #tpu.memory_space<semaphore_mem>>) src(%arg16 : memref<128x128xf32, #tpu.memory_space<vmem>>) dst(%dma_wait3A_176 : memref<10112x128xf32, #tpu.memory_space<vmem_shared>>)
        %add3A_177 = arith.constant 3 : i32
        %add3A_178 = arith.addi %add3A_87, %add3A_177 : i32
        %lt3A_179 = arith.constant 80 : i32
        %lt3A_180 = arith.cmpi slt, %add3A_178, %lt3A_179 : i32
        %convert_element_type3A_181 = arith.extui %lt3A_180 : i1 to i32
        %cond3A_182 = arith.constant 0 : i32
        %cond3A_183 = arith.cmpi ne, %convert_element_type3A_181, %cond3A_182 : i32
        scf.if %cond3A_183 {
          %add3A_184 = arith.constant 384 : i32
          %add3A_185 = arith.addi %add3A_90, %add3A_184 : i32
          %dma_start3A_186 = tpu.memref_slice %arg3[%add3A_185] : memref<327680xi32, #tpu.memory_space<hbm>> -> memref<128xi32, #tpu.memory_space<hbm>>
          %dma_start3A_187 = tpu.memref_slice %arg3[%add3A_185] : memref<327680xi32, #tpu.memory_space<hbm>> -> memref<128xi32, #tpu.memory_space<hbm>>
          tpu.enqueue_dma source(%dma_start3A_187 : memref<128xi32, #tpu.memory_space<hbm>>) target(%arg10 : memref<128xi32, #tpu.memory_space<vmem>>) target_semaphore(%arg21 : memref<!tpu.dma_semaphore, #tpu.memory_space<semaphore_mem>>)
          %dma_start3A_188 = tpu.memref_slice %arg4[%add3A_185] : memref<327680xi32, #tpu.memory_space<hbm>> -> memref<128xi32, #tpu.memory_space<hbm>>
          %dma_start3A_189 = tpu.memref_slice %arg4[%add3A_185] : memref<327680xi32, #tpu.memory_space<hbm>> -> memref<128xi32, #tpu.memory_space<hbm>>
          tpu.enqueue_dma source(%dma_start3A_189 : memref<128xi32, #tpu.memory_space<hbm>>) target(%arg14 : memref<128xi32, #tpu.memory_space<vmem>>) target_semaphore(%arg21 : memref<!tpu.dma_semaphore, #tpu.memory_space<semaphore_mem>>)
        } else {
        }
      } else {
      }
      %add3A_93 = arith.constant 1 : i32
      %add3A_94 = arith.addi %add3A_87, %add3A_93 : i32
      %lt3A = arith.constant 80 : i32
      %lt3A_95 = arith.cmpi slt, %add3A_94, %lt3A : i32
      %convert_element_type3A_96 = arith.extui %lt3A_95 : i1 to i32
      %cond3A_97 = arith.constant 0 : i32
      %cond3A_98 = arith.cmpi ne, %convert_element_type3A_96, %cond3A_97 : i32
      scf.if %cond3A_98 {
        %add3A_174 = arith.constant 128 : i32
        %add3A_175 = arith.addi %add3A_90, %add3A_174 : i32
        %dma_wait3A_176 = tpu.memref_slice %arg3[%add3A_175] : memref<327680xi32, #tpu.memory_space<hbm>> -> memref<128xi32, #tpu.memory_space<hbm>>
        %dma_wait3A_177 = tpu.memref_slice %arg3[%add3A_175] : memref<327680xi32, #tpu.memory_space<hbm>> -> memref<128xi32, #tpu.memory_space<hbm>>
        tpu.wait_dma2 semaphore(%arg19 : memref<!tpu.dma_semaphore, #tpu.memory_space<semaphore_mem>>) src(%dma_wait3A_177 : memref<128xi32, #tpu.memory_space<hbm>>) dst(%arg8 : memref<128xi32, #tpu.memory_space<vmem>>)
        %dma_wait3A_178 = tpu.memref_slice %arg4[%add3A_175] : memref<327680xi32, #tpu.memory_space<hbm>> -> memref<128xi32, #tpu.memory_space<hbm>>
        %dma_wait3A_179 = tpu.memref_slice %arg4[%add3A_175] : memref<327680xi32, #tpu.memory_space<hbm>> -> memref<128xi32, #tpu.memory_space<hbm>>
        tpu.wait_dma2 semaphore(%arg19 : memref<!tpu.dma_semaphore, #tpu.memory_space<semaphore_mem>>) src(%dma_wait3A_179 : memref<128xi32, #tpu.memory_space<hbm>>) dst(%arg12 : memref<128xi32, #tpu.memory_space<vmem>>)
        %dma_start3A_180 = arith.constant 0 : i32
        %dma_start3A_181 = arith.constant 0 : i32
        %dma_start3A_182 = tpu.memref_slice %arg2[%dma_start3A_180, %dma_start3A_181] : memref<10000x128xf32, #tpu.memory_space<hbm>> -> memref<10000x128xf32, #tpu.memory_space<hbm>>
        tpu.enqueue_indirect_dma source(%dma_start3A_182 : memref<10000x128xf32, #tpu.memory_space<hbm>>) target(%arg16 : memref<128x128xf32, #tpu.memory_space<vmem>>) offsets(%arg8 : memref<128xi32, #tpu.memory_space<vmem>>) semaphore(%arg23 : memref<!tpu.dma_semaphore, #tpu.memory_space<semaphore_mem>>)
      } else {
      }
      %dma_wait3A_99 = arith.constant 0 : i32
      %dma_wait3A_100 = arith.constant 0 : i32
      %dma_wait3A_101 = tpu.memref_slice %arg2[%dma_wait3A_99, %dma_wait3A_100] : memref<10000x128xf32, #tpu.memory_space<hbm>> -> memref<10000x128xf32, #tpu.memory_space<hbm>>
      tpu.wait_indirect_dma semaphore(%arg22 : memref<!tpu.dma_semaphore, #tpu.memory_space<semaphore_mem>>) src(%dma_wait3A_101 : memref<10000x128xf32, #tpu.memory_space<hbm>>) dst(%arg15 : memref<128x128xf32, #tpu.memory_space<vmem>>)
      %dma_start3A_102 = arith.constant 0 : i32
      %dma_start3A_103 = arith.constant 0 : i32
      %dma_start3A_104 = tpu.memref_slice %arg17[%dma_start3A_102, %dma_start3A_103] : memref<10112x128xf32, #tpu.memory_space<vmem_shared>> -> memref<10112x128xf32, #tpu.memory_space<vmem_shared>>
      tpu.enqueue_indirect_dma source(%arg15 : memref<128x128xf32, #tpu.memory_space<vmem>>) target(%dma_start3A_104 : memref<10112x128xf32, #tpu.memory_space<vmem_shared>>) offsets(%arg11 : memref<128xi32, #tpu.memory_space<vmem>>) semaphore(%arg24 : memref<!tpu.dma_semaphore, #tpu.memory_space<semaphore_mem>>) {add = true}
      "tpu.region"() ({
        %run_scoped3A = tpu.sem_alloc : memref<!tpu.dma_semaphore, #tpu.memory_space<semaphore_mem>>
        %dma_start3A_174 = arith.constant 0 : i32
        %dma_start3A_175 = tpu.memref_slice %arg28[%dma_start3A_174] : memref<10240xf32, #tpu.memory_space<vmem_shared>> -> memref<10240xf32, #tpu.memory_space<vmem_shared>>
        tpu.enqueue_indirect_dma source(%arg26 : memref<128xf32, #tpu.memory_space<vmem>>) target(%dma_start3A_175 : memref<10240xf32, #tpu.memory_space<vmem_shared>>) offsets(%arg11 : memref<128xi32, #tpu.memory_space<vmem>>) semaphore(%run_scoped3A : memref<!tpu.dma_semaphore, #tpu.memory_space<semaphore_mem>>) {add = true}
        %dma_wait3A_176 = arith.constant 0 : i32
        %dma_wait3A_177 = tpu.memref_slice %arg28[%dma_wait3A_176] : memref<10240xf32, #tpu.memory_space<vmem_shared>> -> memref<10240xf32, #tpu.memory_space<vmem_shared>>
        tpu.wait_indirect_dma semaphore(%run_scoped3A : memref<!tpu.dma_semaphore, #tpu.memory_space<semaphore_mem>>) src(%arg26 : memref<128xf32, #tpu.memory_space<vmem>>) dst(%dma_wait3A_177 : memref<10240xf32, #tpu.memory_space<vmem_shared>>)
        tpu.yield
      }) : () -> ()
      %add3A_105 = arith.constant 1 : i32
      %add3A_106 = arith.addi %add3A_85, %add3A_105 : i32
      %mul3A_107 = arith.constant 128 : i32
      %mul3A_108 = arith.muli %add3A_106, %mul3A_107 : i32
      %add3A_109 = arith.addi %mul3A_30, %mul3A_108 : i32
      %ge3A_110 = arith.constant 1 : i32
      %ge3A_111 = arith.cmpi sge, %add3A_106, %ge3A_110 : i32
      %convert_element_type3A_112 = arith.extui %ge3A_111 : i1 to i32
      %cond3A_113 = arith.constant 0 : i32
      %cond3A_114 = arith.cmpi ne, %convert_element_type3A_112, %cond3A_113 : i32
      scf.if %cond3A_114 {
        %dma_wait3A_174 = arith.constant 0 : i32
        %dma_wait3A_175 = arith.constant 0 : i32
        %dma_wait3A_176 = tpu.memref_slice %arg17[%dma_wait3A_174, %dma_wait3A_175] : memref<10112x128xf32, #tpu.memory_space<vmem_shared>> -> memref<10112x128xf32, #tpu.memory_space<vmem_shared>>
        tpu.wait_indirect_dma semaphore(%arg24 : memref<!tpu.dma_semaphore, #tpu.memory_space<semaphore_mem>>) src(%arg15 : memref<128x128xf32, #tpu.memory_space<vmem>>) dst(%dma_wait3A_176 : memref<10112x128xf32, #tpu.memory_space<vmem_shared>>)
        %add3A_177 = arith.constant 3 : i32
        %add3A_178 = arith.addi %add3A_106, %add3A_177 : i32
        %lt3A_179 = arith.constant 80 : i32
        %lt3A_180 = arith.cmpi slt, %add3A_178, %lt3A_179 : i32
        %convert_element_type3A_181 = arith.extui %lt3A_180 : i1 to i32
        %cond3A_182 = arith.constant 0 : i32
        %cond3A_183 = arith.cmpi ne, %convert_element_type3A_181, %cond3A_182 : i32
        scf.if %cond3A_183 {
          %add3A_184 = arith.constant 384 : i32
          %add3A_185 = arith.addi %add3A_109, %add3A_184 : i32
          %dma_start3A_186 = tpu.memref_slice %arg3[%add3A_185] : memref<327680xi32, #tpu.memory_space<hbm>> -> memref<128xi32, #tpu.memory_space<hbm>>
          %dma_start3A_187 = tpu.memref_slice %arg3[%add3A_185] : memref<327680xi32, #tpu.memory_space<hbm>> -> memref<128xi32, #tpu.memory_space<hbm>>
          tpu.enqueue_dma source(%dma_start3A_187 : memref<128xi32, #tpu.memory_space<hbm>>) target(%arg7 : memref<128xi32, #tpu.memory_space<vmem>>) target_semaphore(%arg18 : memref<!tpu.dma_semaphore, #tpu.memory_space<semaphore_mem>>)
          %dma_start3A_188 = tpu.memref_slice %arg4[%add3A_185] : memref<327680xi32, #tpu.memory_space<hbm>> -> memref<128xi32, #tpu.memory_space<hbm>>
          %dma_start3A_189 = tpu.memref_slice %arg4[%add3A_185] : memref<327680xi32, #tpu.memory_space<hbm>> -> memref<128xi32, #tpu.memory_space<hbm>>
          tpu.enqueue_dma source(%dma_start3A_189 : memref<128xi32, #tpu.memory_space<hbm>>) target(%arg11 : memref<128xi32, #tpu.memory_space<vmem>>) target_semaphore(%arg18 : memref<!tpu.dma_semaphore, #tpu.memory_space<semaphore_mem>>)
        } else {
        }
      } else {
      }
      %add3A_115 = arith.constant 1 : i32
      %add3A_116 = arith.addi %add3A_106, %add3A_115 : i32
      %lt3A_117 = arith.constant 80 : i32
      %lt3A_118 = arith.cmpi slt, %add3A_116, %lt3A_117 : i32
      %convert_element_type3A_119 = arith.extui %lt3A_118 : i1 to i32
      %cond3A_120 = arith.constant 0 : i32
      %cond3A_121 = arith.cmpi ne, %convert_element_type3A_119, %cond3A_120 : i32
      scf.if %cond3A_121 {
        %add3A_174 = arith.constant 128 : i32
        %add3A_175 = arith.addi %add3A_109, %add3A_174 : i32
        %dma_wait3A_176 = tpu.memref_slice %arg3[%add3A_175] : memref<327680xi32, #tpu.memory_space<hbm>> -> memref<128xi32, #tpu.memory_space<hbm>>
        %dma_wait3A_177 = tpu.memref_slice %arg3[%add3A_175] : memref<327680xi32, #tpu.memory_space<hbm>> -> memref<128xi32, #tpu.memory_space<hbm>>
        tpu.wait_dma2 semaphore(%arg20 : memref<!tpu.dma_semaphore, #tpu.memory_space<semaphore_mem>>) src(%dma_wait3A_177 : memref<128xi32, #tpu.memory_space<hbm>>) dst(%arg9 : memref<128xi32, #tpu.memory_space<vmem>>)
        %dma_wait3A_178 = tpu.memref_slice %arg4[%add3A_175] : memref<327680xi32, #tpu.memory_space<hbm>> -> memref<128xi32, #tpu.memory_space<hbm>>
        %dma_wait3A_179 = tpu.memref_slice %arg4[%add3A_175] : memref<327680xi32, #tpu.memory_space<hbm>> -> memref<128xi32, #tpu.memory_space<hbm>>
        tpu.wait_dma2 semaphore(%arg20 : memref<!tpu.dma_semaphore, #tpu.memory_space<semaphore_mem>>) src(%dma_wait3A_179 : memref<128xi32, #tpu.memory_space<hbm>>) dst(%arg13 : memref<128xi32, #tpu.memory_space<vmem>>)
        %dma_start3A_180 = arith.constant 0 : i32
        %dma_start3A_181 = arith.constant 0 : i32
        %dma_start3A_182 = tpu.memref_slice %arg2[%dma_start3A_180, %dma_start3A_181] : memref<10000x128xf32, #tpu.memory_space<hbm>> -> memref<10000x128xf32, #tpu.memory_space<hbm>>
        tpu.enqueue_indirect_dma source(%dma_start3A_182 : memref<10000x128xf32, #tpu.memory_space<hbm>>) target(%arg15 : memref<128x128xf32, #tpu.memory_space<vmem>>) offsets(%arg9 : memref<128xi32, #tpu.memory_space<vmem>>) semaphore(%arg22 : memref<!tpu.dma_semaphore, #tpu.memory_space<semaphore_mem>>)
      } else {
      }
      %dma_wait3A_122 = arith.constant 0 : i32
      %dma_wait3A_123 = arith.constant 0 : i32
      %dma_wait3A_124 = tpu.memref_slice %arg2[%dma_wait3A_122, %dma_wait3A_123] : memref<10000x128xf32, #tpu.memory_space<hbm>> -> memref<10000x128xf32, #tpu.memory_space<hbm>>
      tpu.wait_indirect_dma semaphore(%arg23 : memref<!tpu.dma_semaphore, #tpu.memory_space<semaphore_mem>>) src(%dma_wait3A_124 : memref<10000x128xf32, #tpu.memory_space<hbm>>) dst(%arg16 : memref<128x128xf32, #tpu.memory_space<vmem>>)
      %dma_start3A_125 = arith.constant 0 : i32
      %dma_start3A_126 = arith.constant 0 : i32
      %dma_start3A_127 = tpu.memref_slice %arg17[%dma_start3A_125, %dma_start3A_126] : memref<10112x128xf32, #tpu.memory_space<vmem_shared>> -> memref<10112x128xf32, #tpu.memory_space<vmem_shared>>
      tpu.enqueue_indirect_dma source(%arg16 : memref<128x128xf32, #tpu.memory_space<vmem>>) target(%dma_start3A_127 : memref<10112x128xf32, #tpu.memory_space<vmem_shared>>) offsets(%arg12 : memref<128xi32, #tpu.memory_space<vmem>>) semaphore(%arg25 : memref<!tpu.dma_semaphore, #tpu.memory_space<semaphore_mem>>) {add = true}
      "tpu.region"() ({
        %run_scoped3A = tpu.sem_alloc : memref<!tpu.dma_semaphore, #tpu.memory_space<semaphore_mem>>
        %dma_start3A_174 = arith.constant 0 : i32
        %dma_start3A_175 = tpu.memref_slice %arg28[%dma_start3A_174] : memref<10240xf32, #tpu.memory_space<vmem_shared>> -> memref<10240xf32, #tpu.memory_space<vmem_shared>>
        tpu.enqueue_indirect_dma source(%arg26 : memref<128xf32, #tpu.memory_space<vmem>>) target(%dma_start3A_175 : memref<10240xf32, #tpu.memory_space<vmem_shared>>) offsets(%arg12 : memref<128xi32, #tpu.memory_space<vmem>>) semaphore(%run_scoped3A : memref<!tpu.dma_semaphore, #tpu.memory_space<semaphore_mem>>) {add = true}
        %dma_wait3A_176 = arith.constant 0 : i32
        %dma_wait3A_177 = tpu.memref_slice %arg28[%dma_wait3A_176] : memref<10240xf32, #tpu.memory_space<vmem_shared>> -> memref<10240xf32, #tpu.memory_space<vmem_shared>>
        tpu.wait_indirect_dma semaphore(%run_scoped3A : memref<!tpu.dma_semaphore, #tpu.memory_space<semaphore_mem>>) src(%arg26 : memref<128xf32, #tpu.memory_space<vmem>>) dst(%dma_wait3A_177 : memref<10240xf32, #tpu.memory_space<vmem_shared>>)
        tpu.yield
      }) : () -> ()
      %add3A_128 = arith.constant 2 : i32
      %add3A_129 = arith.addi %add3A_85, %add3A_128 : i32
      %mul3A_130 = arith.constant 128 : i32
      %mul3A_131 = arith.muli %add3A_129, %mul3A_130 : i32
      %add3A_132 = arith.addi %mul3A_30, %mul3A_131 : i32
      %ge3A_133 = arith.constant 1 : i32
      %ge3A_134 = arith.cmpi sge, %add3A_129, %ge3A_133 : i32
      %convert_element_type3A_135 = arith.extui %ge3A_134 : i1 to i32
      %cond3A_136 = arith.constant 0 : i32
      %cond3A_137 = arith.cmpi ne, %convert_element_type3A_135, %cond3A_136 : i32
      scf.if %cond3A_137 {
        %dma_wait3A_174 = arith.constant 0 : i32
        %dma_wait3A_175 = arith.constant 0 : i32
        %dma_wait3A_176 = tpu.memref_slice %arg17[%dma_wait3A_174, %dma_wait3A_175] : memref<10112x128xf32, #tpu.memory_space<vmem_shared>> -> memref<10112x128xf32, #tpu.memory_space<vmem_shared>>
        tpu.wait_indirect_dma semaphore(%arg25 : memref<!tpu.dma_semaphore, #tpu.memory_space<semaphore_mem>>) src(%arg16 : memref<128x128xf32, #tpu.memory_space<vmem>>) dst(%dma_wait3A_176 : memref<10112x128xf32, #tpu.memory_space<vmem_shared>>)
        %add3A_177 = arith.constant 3 : i32
        %add3A_178 = arith.addi %add3A_129, %add3A_177 : i32
        %lt3A_179 = arith.constant 80 : i32
        %lt3A_180 = arith.cmpi slt, %add3A_178, %lt3A_179 : i32
        %convert_element_type3A_181 = arith.extui %lt3A_180 : i1 to i32
        %cond3A_182 = arith.constant 0 : i32
        %cond3A_183 = arith.cmpi ne, %convert_element_type3A_181, %cond3A_182 : i32
        scf.if %cond3A_183 {
          %add3A_184 = arith.constant 384 : i32
          %add3A_185 = arith.addi %add3A_132, %add3A_184 : i32
          %dma_start3A_186 = tpu.memref_slice %arg3[%add3A_185] : memref<327680xi32, #tpu.memory_space<hbm>> -> memref<128xi32, #tpu.memory_space<hbm>>
          %dma_start3A_187 = tpu.memref_slice %arg3[%add3A_185] : memref<327680xi32, #tpu.memory_space<hbm>> -> memref<128xi32, #tpu.memory_space<hbm>>
          tpu.enqueue_dma source(%dma_start3A_187 : memref<128xi32, #tpu.memory_space<hbm>>) target(%arg8 : memref<128xi32, #tpu.memory_space<vmem>>) target_semaphore(%arg19 : memref<!tpu.dma_semaphore, #tpu.memory_space<semaphore_mem>>)
          %dma_start3A_188 = tpu.memref_slice %arg4[%add3A_185] : memref<327680xi32, #tpu.memory_space<hbm>> -> memref<128xi32, #tpu.memory_space<hbm>>
          %dma_start3A_189 = tpu.memref_slice %arg4[%add3A_185] : memref<327680xi32, #tpu.memory_space<hbm>> -> memref<128xi32, #tpu.memory_space<hbm>>
          tpu.enqueue_dma source(%dma_start3A_189 : memref<128xi32, #tpu.memory_space<hbm>>) target(%arg12 : memref<128xi32, #tpu.memory_space<vmem>>) target_semaphore(%arg19 : memref<!tpu.dma_semaphore, #tpu.memory_space<semaphore_mem>>)
        } else {
        }
      } else {
      }
      %add3A_138 = arith.constant 1 : i32
      %add3A_139 = arith.addi %add3A_129, %add3A_138 : i32
      %lt3A_140 = arith.constant 80 : i32
      %lt3A_141 = arith.cmpi slt, %add3A_139, %lt3A_140 : i32
      %convert_element_type3A_142 = arith.extui %lt3A_141 : i1 to i32
      %cond3A_143 = arith.constant 0 : i32
      %cond3A_144 = arith.cmpi ne, %convert_element_type3A_142, %cond3A_143 : i32
      scf.if %cond3A_144 {
        %add3A_174 = arith.constant 128 : i32
        %add3A_175 = arith.addi %add3A_132, %add3A_174 : i32
        %dma_wait3A_176 = tpu.memref_slice %arg3[%add3A_175] : memref<327680xi32, #tpu.memory_space<hbm>> -> memref<128xi32, #tpu.memory_space<hbm>>
        %dma_wait3A_177 = tpu.memref_slice %arg3[%add3A_175] : memref<327680xi32, #tpu.memory_space<hbm>> -> memref<128xi32, #tpu.memory_space<hbm>>
        tpu.wait_dma2 semaphore(%arg21 : memref<!tpu.dma_semaphore, #tpu.memory_space<semaphore_mem>>) src(%dma_wait3A_177 : memref<128xi32, #tpu.memory_space<hbm>>) dst(%arg10 : memref<128xi32, #tpu.memory_space<vmem>>)
        %dma_wait3A_178 = tpu.memref_slice %arg4[%add3A_175] : memref<327680xi32, #tpu.memory_space<hbm>> -> memref<128xi32, #tpu.memory_space<hbm>>
        %dma_wait3A_179 = tpu.memref_slice %arg4[%add3A_175] : memref<327680xi32, #tpu.memory_space<hbm>> -> memref<128xi32, #tpu.memory_space<hbm>>
        tpu.wait_dma2 semaphore(%arg21 : memref<!tpu.dma_semaphore, #tpu.memory_space<semaphore_mem>>) src(%dma_wait3A_179 : memref<128xi32, #tpu.memory_space<hbm>>) dst(%arg14 : memref<128xi32, #tpu.memory_space<vmem>>)
        %dma_start3A_180 = arith.constant 0 : i32
        %dma_start3A_181 = arith.constant 0 : i32
        %dma_start3A_182 = tpu.memref_slice %arg2[%dma_start3A_180, %dma_start3A_181] : memref<10000x128xf32, #tpu.memory_space<hbm>> -> memref<10000x128xf32, #tpu.memory_space<hbm>>
        tpu.enqueue_indirect_dma source(%dma_start3A_182 : memref<10000x128xf32, #tpu.memory_space<hbm>>) target(%arg16 : memref<128x128xf32, #tpu.memory_space<vmem>>) offsets(%arg10 : memref<128xi32, #tpu.memory_space<vmem>>) semaphore(%arg23 : memref<!tpu.dma_semaphore, #tpu.memory_space<semaphore_mem>>)
      } else {
      }
      %dma_wait3A_145 = arith.constant 0 : i32
      %dma_wait3A_146 = arith.constant 0 : i32
      %dma_wait3A_147 = tpu.memref_slice %arg2[%dma_wait3A_145, %dma_wait3A_146] : memref<10000x128xf32, #tpu.memory_space<hbm>> -> memref<10000x128xf32, #tpu.memory_space<hbm>>
      tpu.wait_indirect_dma semaphore(%arg22 : memref<!tpu.dma_semaphore, #tpu.memory_space<semaphore_mem>>) src(%dma_wait3A_147 : memref<10000x128xf32, #tpu.memory_space<hbm>>) dst(%arg15 : memref<128x128xf32, #tpu.memory_space<vmem>>)
      %dma_start3A_148 = arith.constant 0 : i32
      %dma_start3A_149 = arith.constant 0 : i32
      %dma_start3A_150 = tpu.memref_slice %arg17[%dma_start3A_148, %dma_start3A_149] : memref<10112x128xf32, #tpu.memory_space<vmem_shared>> -> memref<10112x128xf32, #tpu.memory_space<vmem_shared>>
      tpu.enqueue_indirect_dma source(%arg15 : memref<128x128xf32, #tpu.memory_space<vmem>>) target(%dma_start3A_150 : memref<10112x128xf32, #tpu.memory_space<vmem_shared>>) offsets(%arg13 : memref<128xi32, #tpu.memory_space<vmem>>) semaphore(%arg24 : memref<!tpu.dma_semaphore, #tpu.memory_space<semaphore_mem>>) {add = true}
      "tpu.region"() ({
        %run_scoped3A = tpu.sem_alloc : memref<!tpu.dma_semaphore, #tpu.memory_space<semaphore_mem>>
        %dma_start3A_174 = arith.constant 0 : i32
        %dma_start3A_175 = tpu.memref_slice %arg28[%dma_start3A_174] : memref<10240xf32, #tpu.memory_space<vmem_shared>> -> memref<10240xf32, #tpu.memory_space<vmem_shared>>
        tpu.enqueue_indirect_dma source(%arg26 : memref<128xf32, #tpu.memory_space<vmem>>) target(%dma_start3A_175 : memref<10240xf32, #tpu.memory_space<vmem_shared>>) offsets(%arg13 : memref<128xi32, #tpu.memory_space<vmem>>) semaphore(%run_scoped3A : memref<!tpu.dma_semaphore, #tpu.memory_space<semaphore_mem>>) {add = true}
        %dma_wait3A_176 = arith.constant 0 : i32
        %dma_wait3A_177 = tpu.memref_slice %arg28[%dma_wait3A_176] : memref<10240xf32, #tpu.memory_space<vmem_shared>> -> memref<10240xf32, #tpu.memory_space<vmem_shared>>
        tpu.wait_indirect_dma semaphore(%run_scoped3A : memref<!tpu.dma_semaphore, #tpu.memory_space<semaphore_mem>>) src(%arg26 : memref<128xf32, #tpu.memory_space<vmem>>) dst(%dma_wait3A_177 : memref<10240xf32, #tpu.memory_space<vmem_shared>>)
        tpu.yield
      }) : () -> ()
      %add3A_151 = arith.constant 3 : i32
      %add3A_152 = arith.addi %add3A_85, %add3A_151 : i32
      %mul3A_153 = arith.constant 128 : i32
      %mul3A_154 = arith.muli %add3A_152, %mul3A_153 : i32
      %add3A_155 = arith.addi %mul3A_30, %mul3A_154 : i32
      %ge3A_156 = arith.constant 1 : i32
      %ge3A_157 = arith.cmpi sge, %add3A_152, %ge3A_156 : i32
      %convert_element_type3A_158 = arith.extui %ge3A_157 : i1 to i32
      %cond3A_159 = arith.constant 0 : i32
      %cond3A_160 = arith.cmpi ne, %convert_element_type3A_158, %cond3A_159 : i32
      scf.if %cond3A_160 {
        %dma_wait3A_174 = arith.constant 0 : i32
        %dma_wait3A_175 = arith.constant 0 : i32
        %dma_wait3A_176 = tpu.memref_slice %arg17[%dma_wait3A_174, %dma_wait3A_175] : memref<10112x128xf32, #tpu.memory_space<vmem_shared>> -> memref<10112x128xf32, #tpu.memory_space<vmem_shared>>
        tpu.wait_indirect_dma semaphore(%arg24 : memref<!tpu.dma_semaphore, #tpu.memory_space<semaphore_mem>>) src(%arg15 : memref<128x128xf32, #tpu.memory_space<vmem>>) dst(%dma_wait3A_176 : memref<10112x128xf32, #tpu.memory_space<vmem_shared>>)
        %add3A_177 = arith.constant 3 : i32
        %add3A_178 = arith.addi %add3A_152, %add3A_177 : i32
        %lt3A_179 = arith.constant 80 : i32
        %lt3A_180 = arith.cmpi slt, %add3A_178, %lt3A_179 : i32
        %convert_element_type3A_181 = arith.extui %lt3A_180 : i1 to i32
        %cond3A_182 = arith.constant 0 : i32
        %cond3A_183 = arith.cmpi ne, %convert_element_type3A_181, %cond3A_182 : i32
        scf.if %cond3A_183 {
          %add3A_184 = arith.constant 384 : i32
          %add3A_185 = arith.addi %add3A_155, %add3A_184 : i32
          %dma_start3A_186 = tpu.memref_slice %arg3[%add3A_185] : memref<327680xi32, #tpu.memory_space<hbm>> -> memref<128xi32, #tpu.memory_space<hbm>>
          %dma_start3A_187 = tpu.memref_slice %arg3[%add3A_185] : memref<327680xi32, #tpu.memory_space<hbm>> -> memref<128xi32, #tpu.memory_space<hbm>>
          tpu.enqueue_dma source(%dma_start3A_187 : memref<128xi32, #tpu.memory_space<hbm>>) target(%arg9 : memref<128xi32, #tpu.memory_space<vmem>>) target_semaphore(%arg20 : memref<!tpu.dma_semaphore, #tpu.memory_space<semaphore_mem>>)
          %dma_start3A_188 = tpu.memref_slice %arg4[%add3A_185] : memref<327680xi32, #tpu.memory_space<hbm>> -> memref<128xi32, #tpu.memory_space<hbm>>
          %dma_start3A_189 = tpu.memref_slice %arg4[%add3A_185] : memref<327680xi32, #tpu.memory_space<hbm>> -> memref<128xi32, #tpu.memory_space<hbm>>
          tpu.enqueue_dma source(%dma_start3A_189 : memref<128xi32, #tpu.memory_space<hbm>>) target(%arg13 : memref<128xi32, #tpu.memory_space<vmem>>) target_semaphore(%arg20 : memref<!tpu.dma_semaphore, #tpu.memory_space<semaphore_mem>>)
        } else {
        }
      } else {
      }
      %add3A_161 = arith.constant 1 : i32
      %add3A_162 = arith.addi %add3A_152, %add3A_161 : i32
      %lt3A_163 = arith.constant 80 : i32
      %lt3A_164 = arith.cmpi slt, %add3A_162, %lt3A_163 : i32
      %convert_element_type3A_165 = arith.extui %lt3A_164 : i1 to i32
      %cond3A_166 = arith.constant 0 : i32
      %cond3A_167 = arith.cmpi ne, %convert_element_type3A_165, %cond3A_166 : i32
      scf.if %cond3A_167 {
        %add3A_174 = arith.constant 128 : i32
        %add3A_175 = arith.addi %add3A_155, %add3A_174 : i32
        %dma_wait3A_176 = tpu.memref_slice %arg3[%add3A_175] : memref<327680xi32, #tpu.memory_space<hbm>> -> memref<128xi32, #tpu.memory_space<hbm>>
        %dma_wait3A_177 = tpu.memref_slice %arg3[%add3A_175] : memref<327680xi32, #tpu.memory_space<hbm>> -> memref<128xi32, #tpu.memory_space<hbm>>
        tpu.wait_dma2 semaphore(%arg18 : memref<!tpu.dma_semaphore, #tpu.memory_space<semaphore_mem>>) src(%dma_wait3A_177 : memref<128xi32, #tpu.memory_space<hbm>>) dst(%arg7 : memref<128xi32, #tpu.memory_space<vmem>>)
        %dma_wait3A_178 = tpu.memref_slice %arg4[%add3A_175] : memref<327680xi32, #tpu.memory_space<hbm>> -> memref<128xi32, #tpu.memory_space<hbm>>
        %dma_wait3A_179 = tpu.memref_slice %arg4[%add3A_175] : memref<327680xi32, #tpu.memory_space<hbm>> -> memref<128xi32, #tpu.memory_space<hbm>>
        tpu.wait_dma2 semaphore(%arg18 : memref<!tpu.dma_semaphore, #tpu.memory_space<semaphore_mem>>) src(%dma_wait3A_179 : memref<128xi32, #tpu.memory_space<hbm>>) dst(%arg11 : memref<128xi32, #tpu.memory_space<vmem>>)
        %dma_start3A_180 = arith.constant 0 : i32
        %dma_start3A_181 = arith.constant 0 : i32
        %dma_start3A_182 = tpu.memref_slice %arg2[%dma_start3A_180, %dma_start3A_181] : memref<10000x128xf32, #tpu.memory_space<hbm>> -> memref<10000x128xf32, #tpu.memory_space<hbm>>
        tpu.enqueue_indirect_dma source(%dma_start3A_182 : memref<10000x128xf32, #tpu.memory_space<hbm>>) target(%arg15 : memref<128x128xf32, #tpu.memory_space<vmem>>) offsets(%arg7 : memref<128xi32, #tpu.memory_space<vmem>>) semaphore(%arg22 : memref<!tpu.dma_semaphore, #tpu.memory_space<semaphore_mem>>)
      } else {
      }
      %dma_wait3A_168 = arith.constant 0 : i32
      %dma_wait3A_169 = arith.constant 0 : i32
      %dma_wait3A_170 = tpu.memref_slice %arg2[%dma_wait3A_168, %dma_wait3A_169] : memref<10000x128xf32, #tpu.memory_space<hbm>> -> memref<10000x128xf32, #tpu.memory_space<hbm>>
      tpu.wait_indirect_dma semaphore(%arg23 : memref<!tpu.dma_semaphore, #tpu.memory_space<semaphore_mem>>) src(%dma_wait3A_170 : memref<10000x128xf32, #tpu.memory_space<hbm>>) dst(%arg16 : memref<128x128xf32, #tpu.memory_space<vmem>>)
      %dma_start3A_171 = arith.constant 0 : i32
      %dma_start3A_172 = arith.constant 0 : i32
      %dma_start3A_173 = tpu.memref_slice %arg17[%dma_start3A_171, %dma_start3A_172] : memref<10112x128xf32, #tpu.memory_space<vmem_shared>> -> memref<10112x128xf32, #tpu.memory_space<vmem_shared>>
      tpu.enqueue_indirect_dma source(%arg16 : memref<128x128xf32, #tpu.memory_space<vmem>>) target(%dma_start3A_173 : memref<10112x128xf32, #tpu.memory_space<vmem_shared>>) offsets(%arg14 : memref<128xi32, #tpu.memory_space<vmem>>) semaphore(%arg25 : memref<!tpu.dma_semaphore, #tpu.memory_space<semaphore_mem>>) {add = true}
      "tpu.region"() ({
        %run_scoped3A = tpu.sem_alloc : memref<!tpu.dma_semaphore, #tpu.memory_space<semaphore_mem>>
        %dma_start3A_174 = arith.constant 0 : i32
        %dma_start3A_175 = tpu.memref_slice %arg28[%dma_start3A_174] : memref<10240xf32, #tpu.memory_space<vmem_shared>> -> memref<10240xf32, #tpu.memory_space<vmem_shared>>
        tpu.enqueue_indirect_dma source(%arg26 : memref<128xf32, #tpu.memory_space<vmem>>) target(%dma_start3A_175 : memref<10240xf32, #tpu.memory_space<vmem_shared>>) offsets(%arg14 : memref<128xi32, #tpu.memory_space<vmem>>) semaphore(%run_scoped3A : memref<!tpu.dma_semaphore, #tpu.memory_space<semaphore_mem>>) {add = true}
        %dma_wait3A_176 = arith.constant 0 : i32
        %dma_wait3A_177 = tpu.memref_slice %arg28[%dma_wait3A_176] : memref<10240xf32, #tpu.memory_space<vmem_shared>> -> memref<10240xf32, #tpu.memory_space<vmem_shared>>
        tpu.wait_indirect_dma semaphore(%run_scoped3A : memref<!tpu.dma_semaphore, #tpu.memory_space<semaphore_mem>>) src(%arg26 : memref<128xf32, #tpu.memory_space<vmem>>) dst(%dma_wait3A_177 : memref<10240xf32, #tpu.memory_space<vmem_shared>>)
        tpu.yield
      }) : () -> ()
    }
    %scan3A_64 = arith.constant 20 : i32
    %dma_wait3A_65 = arith.constant 0 : i32
    %dma_wait3A_66 = arith.constant 0 : i32
    %dma_wait3A_67 = tpu.memref_slice %arg17[%dma_wait3A_65, %dma_wait3A_66] : memref<10112x128xf32, #tpu.memory_space<vmem_shared>> -> memref<10112x128xf32, #tpu.memory_space<vmem_shared>>
    tpu.wait_indirect_dma semaphore(%arg25 : memref<!tpu.dma_semaphore, #tpu.memory_space<semaphore_mem>>) src(%arg16 : memref<128x128xf32, #tpu.memory_space<vmem>>) dst(%dma_wait3A_67 : memref<10112x128xf32, #tpu.memory_space<vmem_shared>>)
    %barrier3A_68 = arith.constant 0 : index
    tpu.barrier barrier_id(%barrier3A_68)
    %add3A_69 = arith.constant 0 : i32
    %add3A_70 = arith.addi %mul3A_6, %add3A_69 : i32
    "tpu.region"() ({
      %run_scoped3A = tpu.sem_alloc : memref<!tpu.dma_semaphore, #tpu.memory_space<semaphore_mem>>
      %dma_start3A_81 = arith.constant 0 : i32
      %dma_start3A_82 = arith.constant 0 : i32
      %dma_start3A_83 = tpu.memref_slice %arg5[%arg0, %dma_start3A_81, %dma_start3A_82] : memref<2x10112x128xf32, #tpu.memory_space<hbm>> -> memref<1x10112x128xf32, #tpu.memory_space<hbm>>
      %dma_start3A_84 = tpu.memref_squeeze %dma_start3A_83 : memref<1x10112x128xf32, #tpu.memory_space<hbm>> -> memref<10112x128xf32, #tpu.memory_space<hbm>>
      %dma_start3A_85 = arith.constant 0 : i32
      %dma_start3A_86 = tpu.memref_slice %dma_start3A_84[%add3A_70, %dma_start3A_85] : memref<10112x128xf32, #tpu.memory_space<hbm>> -> memref<128x128xf32, #tpu.memory_space<hbm>>
      %dma_start3A_87 = arith.constant 0 : i32
      %dma_start3A_88 = tpu.memref_slice %arg17[%add3A_70, %dma_start3A_87] : memref<10112x128xf32, #tpu.memory_space<vmem_shared>> -> memref<128x128xf32, #tpu.memory_space<vmem_shared>>
      tpu.enqueue_dma source(%dma_start3A_88 : memref<128x128xf32, #tpu.memory_space<vmem_shared>>) target(%dma_start3A_86 : memref<128x128xf32, #tpu.memory_space<hbm>>) target_semaphore(%run_scoped3A : memref<!tpu.dma_semaphore, #tpu.memory_space<semaphore_mem>>)
      %dma_wait3A_89 = arith.constant 0 : i32
      %dma_wait3A_90 = arith.constant 0 : i32
      %dma_wait3A_91 = tpu.memref_slice %arg5[%arg0, %dma_wait3A_89, %dma_wait3A_90] : memref<2x10112x128xf32, #tpu.memory_space<hbm>> -> memref<1x10112x128xf32, #tpu.memory_space<hbm>>
      %dma_wait3A_92 = tpu.memref_squeeze %dma_wait3A_91 : memref<1x10112x128xf32, #tpu.memory_space<hbm>> -> memref<10112x128xf32, #tpu.memory_space<hbm>>
      %dma_wait3A_93 = arith.constant 0 : i32
      %dma_wait3A_94 = tpu.memref_slice %dma_wait3A_92[%add3A_70, %dma_wait3A_93] : memref<10112x128xf32, #tpu.memory_space<hbm>> -> memref<128x128xf32, #tpu.memory_space<hbm>>
      %dma_wait3A_95 = arith.constant 0 : i32
      %dma_wait3A_96 = tpu.memref_slice %arg17[%add3A_70, %dma_wait3A_95] : memref<10112x128xf32, #tpu.memory_space<vmem_shared>> -> memref<128x128xf32, #tpu.memory_space<vmem_shared>>
      tpu.wait_dma2 semaphore(%run_scoped3A : memref<!tpu.dma_semaphore, #tpu.memory_space<semaphore_mem>>) src(%dma_wait3A_96 : memref<128x128xf32, #tpu.memory_space<vmem_shared>>) dst(%dma_wait3A_94 : memref<128x128xf32, #tpu.memory_space<hbm>>)
      tpu.yield
    }) : () -> ()
    %add3A_71 = arith.constant 128 : i32
    %add3A_72 = arith.addi %mul3A_6, %add3A_71 : i32
    "tpu.region"() ({
      %run_scoped3A = tpu.sem_alloc : memref<!tpu.dma_semaphore, #tpu.memory_space<semaphore_mem>>
      %dma_start3A_81 = arith.constant 0 : i32
      %dma_start3A_82 = arith.constant 0 : i32
      %dma_start3A_83 = tpu.memref_slice %arg5[%arg0, %dma_start3A_81, %dma_start3A_82] : memref<2x10112x128xf32, #tpu.memory_space<hbm>> -> memref<1x10112x128xf32, #tpu.memory_space<hbm>>
      %dma_start3A_84 = tpu.memref_squeeze %dma_start3A_83 : memref<1x10112x128xf32, #tpu.memory_space<hbm>> -> memref<10112x128xf32, #tpu.memory_space<hbm>>
      %dma_start3A_85 = arith.constant 0 : i32
      %dma_start3A_86 = tpu.memref_slice %dma_start3A_84[%add3A_72, %dma_start3A_85] : memref<10112x128xf32, #tpu.memory_space<hbm>> -> memref<128x128xf32, #tpu.memory_space<hbm>>
      %dma_start3A_87 = arith.constant 0 : i32
      %dma_start3A_88 = tpu.memref_slice %arg17[%add3A_72, %dma_start3A_87] : memref<10112x128xf32, #tpu.memory_space<vmem_shared>> -> memref<128x128xf32, #tpu.memory_space<vmem_shared>>
      tpu.enqueue_dma source(%dma_start3A_88 : memref<128x128xf32, #tpu.memory_space<vmem_shared>>) target(%dma_start3A_86 : memref<128x128xf32, #tpu.memory_space<hbm>>) target_semaphore(%run_scoped3A : memref<!tpu.dma_semaphore, #tpu.memory_space<semaphore_mem>>)
      %dma_wait3A_89 = arith.constant 0 : i32
      %dma_wait3A_90 = arith.constant 0 : i32
      %dma_wait3A_91 = tpu.memref_slice %arg5[%arg0, %dma_wait3A_89, %dma_wait3A_90] : memref<2x10112x128xf32, #tpu.memory_space<hbm>> -> memref<1x10112x128xf32, #tpu.memory_space<hbm>>
      %dma_wait3A_92 = tpu.memref_squeeze %dma_wait3A_91 : memref<1x10112x128xf32, #tpu.memory_space<hbm>> -> memref<10112x128xf32, #tpu.memory_space<hbm>>
      %dma_wait3A_93 = arith.constant 0 : i32
      %dma_wait3A_94 = tpu.memref_slice %dma_wait3A_92[%add3A_72, %dma_wait3A_93] : memref<10112x128xf32, #tpu.memory_space<hbm>> -> memref<128x128xf32, #tpu.memory_space<hbm>>
      %dma_wait3A_95 = arith.constant 0 : i32
      %dma_wait3A_96 = tpu.memref_slice %arg17[%add3A_72, %dma_wait3A_95] : memref<10112x128xf32, #tpu.memory_space<vmem_shared>> -> memref<128x128xf32, #tpu.memory_space<vmem_shared>>
      tpu.wait_dma2 semaphore(%run_scoped3A : memref<!tpu.dma_semaphore, #tpu.memory_space<semaphore_mem>>) src(%dma_wait3A_96 : memref<128x128xf32, #tpu.memory_space<vmem_shared>>) dst(%dma_wait3A_94 : memref<128x128xf32, #tpu.memory_space<hbm>>)
      tpu.yield
    }) : () -> ()
    %add3A_73 = arith.constant 256 : i32
    %add3A_74 = arith.addi %mul3A_6, %add3A_73 : i32
    "tpu.region"() ({
      %run_scoped3A = tpu.sem_alloc : memref<!tpu.dma_semaphore, #tpu.memory_space<semaphore_mem>>
      %dma_start3A_81 = arith.constant 0 : i32
      %dma_start3A_82 = arith.constant 0 : i32
      %dma_start3A_83 = tpu.memref_slice %arg5[%arg0, %dma_start3A_81, %dma_start3A_82] : memref<2x10112x128xf32, #tpu.memory_space<hbm>> -> memref<1x10112x128xf32, #tpu.memory_space<hbm>>
      %dma_start3A_84 = tpu.memref_squeeze %dma_start3A_83 : memref<1x10112x128xf32, #tpu.memory_space<hbm>> -> memref<10112x128xf32, #tpu.memory_space<hbm>>
      %dma_start3A_85 = arith.constant 0 : i32
      %dma_start3A_86 = tpu.memref_slice %dma_start3A_84[%add3A_74, %dma_start3A_85] : memref<10112x128xf32, #tpu.memory_space<hbm>> -> memref<128x128xf32, #tpu.memory_space<hbm>>
      %dma_start3A_87 = arith.constant 0 : i32
      %dma_start3A_88 = tpu.memref_slice %arg17[%add3A_74, %dma_start3A_87] : memref<10112x128xf32, #tpu.memory_space<vmem_shared>> -> memref<128x128xf32, #tpu.memory_space<vmem_shared>>
      tpu.enqueue_dma source(%dma_start3A_88 : memref<128x128xf32, #tpu.memory_space<vmem_shared>>) target(%dma_start3A_86 : memref<128x128xf32, #tpu.memory_space<hbm>>) target_semaphore(%run_scoped3A : memref<!tpu.dma_semaphore, #tpu.memory_space<semaphore_mem>>)
      %dma_wait3A_89 = arith.constant 0 : i32
      %dma_wait3A_90 = arith.constant 0 : i32
      %dma_wait3A_91 = tpu.memref_slice %arg5[%arg0, %dma_wait3A_89, %dma_wait3A_90] : memref<2x10112x128xf32, #tpu.memory_space<hbm>> -> memref<1x10112x128xf32, #tpu.memory_space<hbm>>
      %dma_wait3A_92 = tpu.memref_squeeze %dma_wait3A_91 : memref<1x10112x128xf32, #tpu.memory_space<hbm>> -> memref<10112x128xf32, #tpu.memory_space<hbm>>
      %dma_wait3A_93 = arith.constant 0 : i32
      %dma_wait3A_94 = tpu.memref_slice %dma_wait3A_92[%add3A_74, %dma_wait3A_93] : memref<10112x128xf32, #tpu.memory_space<hbm>> -> memref<128x128xf32, #tpu.memory_space<hbm>>
      %dma_wait3A_95 = arith.constant 0 : i32
      %dma_wait3A_96 = tpu.memref_slice %arg17[%add3A_74, %dma_wait3A_95] : memref<10112x128xf32, #tpu.memory_space<vmem_shared>> -> memref<128x128xf32, #tpu.memory_space<vmem_shared>>
      tpu.wait_dma2 semaphore(%run_scoped3A : memref<!tpu.dma_semaphore, #tpu.memory_space<semaphore_mem>>) src(%dma_wait3A_96 : memref<128x128xf32, #tpu.memory_space<vmem_shared>>) dst(%dma_wait3A_94 : memref<128x128xf32, #tpu.memory_space<hbm>>)
      tpu.yield
    }) : () -> ()
    %add3A_75 = arith.constant 384 : i32
    %add3A_76 = arith.addi %mul3A_6, %add3A_75 : i32
    "tpu.region"() ({
      %run_scoped3A = tpu.sem_alloc : memref<!tpu.dma_semaphore, #tpu.memory_space<semaphore_mem>>
      %dma_start3A_81 = arith.constant 0 : i32
      %dma_start3A_82 = arith.constant 0 : i32
      %dma_start3A_83 = tpu.memref_slice %arg5[%arg0, %dma_start3A_81, %dma_start3A_82] : memref<2x10112x128xf32, #tpu.memory_space<hbm>> -> memref<1x10112x128xf32, #tpu.memory_space<hbm>>
      %dma_start3A_84 = tpu.memref_squeeze %dma_start3A_83 : memref<1x10112x128xf32, #tpu.memory_space<hbm>> -> memref<10112x128xf32, #tpu.memory_space<hbm>>
      %dma_start3A_85 = arith.constant 0 : i32
      %dma_start3A_86 = tpu.memref_slice %dma_start3A_84[%add3A_76, %dma_start3A_85] : memref<10112x128xf32, #tpu.memory_space<hbm>> -> memref<128x128xf32, #tpu.memory_space<hbm>>
      %dma_start3A_87 = arith.constant 0 : i32
      %dma_start3A_88 = tpu.memref_slice %arg17[%add3A_76, %dma_start3A_87] : memref<10112x128xf32, #tpu.memory_space<vmem_shared>> -> memref<128x128xf32, #tpu.memory_space<vmem_shared>>
      tpu.enqueue_dma source(%dma_start3A_88 : memref<128x128xf32, #tpu.memory_space<vmem_shared>>) target(%dma_start3A_86 : memref<128x128xf32, #tpu.memory_space<hbm>>) target_semaphore(%run_scoped3A : memref<!tpu.dma_semaphore, #tpu.memory_space<semaphore_mem>>)
      %dma_wait3A_89 = arith.constant 0 : i32
      %dma_wait3A_90 = arith.constant 0 : i32
      %dma_wait3A_91 = tpu.memref_slice %arg5[%arg0, %dma_wait3A_89, %dma_wait3A_90] : memref<2x10112x128xf32, #tpu.memory_space<hbm>> -> memref<1x10112x128xf32, #tpu.memory_space<hbm>>
      %dma_wait3A_92 = tpu.memref_squeeze %dma_wait3A_91 : memref<1x10112x128xf32, #tpu.memory_space<hbm>> -> memref<10112x128xf32, #tpu.memory_space<hbm>>
      %dma_wait3A_93 = arith.constant 0 : i32
      %dma_wait3A_94 = tpu.memref_slice %dma_wait3A_92[%add3A_76, %dma_wait3A_93] : memref<10112x128xf32, #tpu.memory_space<hbm>> -> memref<128x128xf32, #tpu.memory_space<hbm>>
      %dma_wait3A_95 = arith.constant 0 : i32
      %dma_wait3A_96 = tpu.memref_slice %arg17[%add3A_76, %dma_wait3A_95] : memref<10112x128xf32, #tpu.memory_space<vmem_shared>> -> memref<128x128xf32, #tpu.memory_space<vmem_shared>>
      tpu.wait_dma2 semaphore(%run_scoped3A : memref<!tpu.dma_semaphore, #tpu.memory_space<semaphore_mem>>) src(%dma_wait3A_96 : memref<128x128xf32, #tpu.memory_space<vmem_shared>>) dst(%dma_wait3A_94 : memref<128x128xf32, #tpu.memory_space<hbm>>)
      tpu.yield
    }) : () -> ()
    %add3A_77 = arith.constant 512 : i32
    %add3A_78 = arith.addi %mul3A_6, %add3A_77 : i32
    "tpu.region"() ({
      %run_scoped3A = tpu.sem_alloc : memref<!tpu.dma_semaphore, #tpu.memory_space<semaphore_mem>>
      %dma_start3A_81 = arith.constant 0 : i32
      %dma_start3A_82 = arith.constant 0 : i32
      %dma_start3A_83 = tpu.memref_slice %arg5[%arg0, %dma_start3A_81, %dma_start3A_82] : memref<2x10112x128xf32, #tpu.memory_space<hbm>> -> memref<1x10112x128xf32, #tpu.memory_space<hbm>>
      %dma_start3A_84 = tpu.memref_squeeze %dma_start3A_83 : memref<1x10112x128xf32, #tpu.memory_space<hbm>> -> memref<10112x128xf32, #tpu.memory_space<hbm>>
      %dma_start3A_85 = arith.constant 0 : i32
      %dma_start3A_86 = tpu.memref_slice %dma_start3A_84[%add3A_78, %dma_start3A_85] : memref<10112x128xf32, #tpu.memory_space<hbm>> -> memref<120x128xf32, #tpu.memory_space<hbm>>
      %dma_start3A_87 = arith.constant 0 : i32
      %dma_start3A_88 = tpu.memref_slice %arg17[%add3A_78, %dma_start3A_87] : memref<10112x128xf32, #tpu.memory_space<vmem_shared>> -> memref<120x128xf32, #tpu.memory_space<vmem_shared>>
      tpu.enqueue_dma source(%dma_start3A_88 : memref<120x128xf32, #tpu.memory_space<vmem_shared>>) target(%dma_start3A_86 : memref<120x128xf32, #tpu.memory_space<hbm>>) target_semaphore(%run_scoped3A : memref<!tpu.dma_semaphore, #tpu.memory_space<semaphore_mem>>)
      %dma_wait3A_89 = arith.constant 0 : i32
      %dma_wait3A_90 = arith.constant 0 : i32
      %dma_wait3A_91 = tpu.memref_slice %arg5[%arg0, %dma_wait3A_89, %dma_wait3A_90] : memref<2x10112x128xf32, #tpu.memory_space<hbm>> -> memref<1x10112x128xf32, #tpu.memory_space<hbm>>
      %dma_wait3A_92 = tpu.memref_squeeze %dma_wait3A_91 : memref<1x10112x128xf32, #tpu.memory_space<hbm>> -> memref<10112x128xf32, #tpu.memory_space<hbm>>
      %dma_wait3A_93 = arith.constant 0 : i32
      %dma_wait3A_94 = tpu.memref_slice %dma_wait3A_92[%add3A_78, %dma_wait3A_93] : memref<10112x128xf32, #tpu.memory_space<hbm>> -> memref<120x128xf32, #tpu.memory_space<hbm>>
      %dma_wait3A_95 = arith.constant 0 : i32
      %dma_wait3A_96 = tpu.memref_slice %arg17[%add3A_78, %dma_wait3A_95] : memref<10112x128xf32, #tpu.memory_space<vmem_shared>> -> memref<120x128xf32, #tpu.memory_space<vmem_shared>>
      tpu.wait_dma2 semaphore(%run_scoped3A : memref<!tpu.dma_semaphore, #tpu.memory_space<semaphore_mem>>) src(%dma_wait3A_96 : memref<120x128xf32, #tpu.memory_space<vmem_shared>>) dst(%dma_wait3A_94 : memref<120x128xf32, #tpu.memory_space<hbm>>)
      tpu.yield
    }) : () -> ()
    %mul3A_79 = arith.constant 640 : i32
    %mul3A_80 = arith.muli %arg1, %mul3A_79 : i32
    "tpu.region"() ({
      %run_scoped3A = tpu.sem_alloc : memref<!tpu.dma_semaphore, #tpu.memory_space<semaphore_mem>>
      %dma_start3A_81 = arith.constant 0 : i32
      %dma_start3A_82 = tpu.memref_slice %arg6[%arg0, %dma_start3A_81] : memref<2x10240xf32, #tpu.memory_space<hbm>> -> memref<1x10240xf32, #tpu.memory_space<hbm>>
      %dma_start3A_83 = tpu.memref_squeeze %dma_start3A_82 : memref<1x10240xf32, #tpu.memory_space<hbm>> -> memref<10240xf32, #tpu.memory_space<hbm>>
      %dma_start3A_84 = tpu.memref_slice %dma_start3A_83[%mul3A_80] : memref<10240xf32, #tpu.memory_space<hbm>> -> memref<640xf32, #tpu.memory_space<hbm>>
      %dma_start3A_85 = tpu.memref_slice %arg28[%mul3A_80] : memref<10240xf32, #tpu.memory_space<vmem_shared>> -> memref<640xf32, #tpu.memory_space<vmem_shared>>
      tpu.enqueue_dma source(%dma_start3A_85 : memref<640xf32, #tpu.memory_space<vmem_shared>>) target(%dma_start3A_84 : memref<640xf32, #tpu.memory_space<hbm>>) target_semaphore(%run_scoped3A : memref<!tpu.dma_semaphore, #tpu.memory_space<semaphore_mem>>)
      %dma_wait3A_86 = arith.constant 0 : i32
      %dma_wait3A_87 = tpu.memref_slice %arg6[%arg0, %dma_wait3A_86] : memref<2x10240xf32, #tpu.memory_space<hbm>> -> memref<1x10240xf32, #tpu.memory_space<hbm>>
      %dma_wait3A_88 = tpu.memref_squeeze %dma_wait3A_87 : memref<1x10240xf32, #tpu.memory_space<hbm>> -> memref<10240xf32, #tpu.memory_space<hbm>>
      %dma_wait3A_89 = tpu.memref_slice %dma_wait3A_88[%mul3A_80] : memref<10240xf32, #tpu.memory_space<hbm>> -> memref<640xf32, #tpu.memory_space<hbm>>
      %dma_wait3A_90 = tpu.memref_slice %arg28[%mul3A_80] : memref<10240xf32, #tpu.memory_space<vmem_shared>> -> memref<640xf32, #tpu.memory_space<vmem_shared>>
      tpu.wait_dma2 semaphore(%run_scoped3A : memref<!tpu.dma_semaphore, #tpu.memory_space<semaphore_mem>>) src(%dma_wait3A_90 : memref<640xf32, #tpu.memory_space<vmem_shared>>) dst(%dma_wait3A_89 : memref<640xf32, #tpu.memory_space<hbm>>)
      tpu.yield
    }) : () -> ()
    return
  }
}

module attributes {stable_mosaic.version = 14 : i64} {
  func.func @body(%arg0: i32, %arg1: memref<2000x128xf32, #tpu.memory_space<vmem>>, %arg2: memref<2x2000x128xf32, #tpu.memory_space<vmem>>, %arg3: memref<2x2000x1xf32, #tpu.memory_space<vmem>>, %arg4: memref<128x128xf32, #tpu.memory_space<vmem>>, %arg5: memref<1x128xf32, #tpu.memory_space<vmem>>, %arg6: memref<128x128xf32, #tpu.memory_space<vmem>>, %arg7: memref<2000x128xf32, #tpu.memory_space<vmem>>) attributes {dimension_semantics = [#tpu.dimension_semantics<arbitrary>], iteration_bounds = array<i64: 5>, scalar_prefetch = 0 : i64, scratch_operands = 0 : i64, tpu.core_type = #tpu.core_type<tc>, window_params = [{transform_indices = @transform_0, window_bounds = array<i64: 2000, 128>}, {transform_indices = @transform_1, window_bounds = array<i64: 2, 2000, 128>}, {transform_indices = @transform_2, window_bounds = array<i64: 2, 2000, 1>}, {pipeline_mode = #tpu.pipeline_mode<synchronous>, transform_indices = @transform_3, window_bounds = array<i64: 128, 128>}, {pipeline_mode = #tpu.pipeline_mode<synchronous>, transform_indices = @transform_4, window_bounds = array<i64: 1, 128>}, {pipeline_mode = #tpu.pipeline_mode<synchronous>, transform_indices = @transform_5, window_bounds = array<i64: 128, 128>}, {transform_indices = @transform_6, window_bounds = array<i64: 2000, 128>}]} {
    %get3A = arith.constant 0 : index
    %get3A_0 = arith.constant 0 : index
    %get3A_1 = arith.constant 0 : index
    %get3A_2 = vector.load %arg2[%get3A, %get3A_0, %get3A_1] : memref<2x2000x128xf32, #tpu.memory_space<vmem>>, vector<1x2000x128xf32>
    %get3A_3 = vector.shape_cast %get3A_2 : vector<1x2000x128xf32> to vector<2000x128xf32>
    %get3A_4 = arith.constant 1 : index
    %get3A_5 = arith.constant 0 : index
    %get3A_6 = arith.constant 0 : index
    %get3A_7 = vector.load %arg2[%get3A_4, %get3A_5, %get3A_6] : memref<2x2000x128xf32, #tpu.memory_space<vmem>>, vector<1x2000x128xf32>
    %get3A_8 = vector.shape_cast %get3A_7 : vector<1x2000x128xf32> to vector<2000x128xf32>
    %add3A = arith.addf %get3A_3, %get3A_8 : vector<2000x128xf32>
    %get3A_9 = arith.constant 0 : index
    %get3A_10 = arith.constant 0 : index
    %get3A_11 = arith.constant 0 : index
    %get3A_12 = vector.load %arg3[%get3A_9, %get3A_10, %get3A_11] : memref<2x2000x1xf32, #tpu.memory_space<vmem>>, vector<1x2000x1xf32>
    %get3A_13 = vector.shape_cast %get3A_12 : vector<1x2000x1xf32> to vector<2000x1xf32>
    %get3A_14 = arith.constant 1 : index
    %get3A_15 = arith.constant 0 : index
    %get3A_16 = arith.constant 0 : index
    %get3A_17 = vector.load %arg3[%get3A_14, %get3A_15, %get3A_16] : memref<2x2000x1xf32, #tpu.memory_space<vmem>>, vector<1x2000x1xf32>
    %get3A_18 = vector.shape_cast %get3A_17 : vector<1x2000x1xf32> to vector<2000x1xf32>
    %add3A_19 = arith.addf %get3A_13, %get3A_18 : vector<2000x1xf32>
    %max3A = arith.constant 1.000000e+00 : f32
    %max3A_20 = vector.broadcast %max3A : f32 to vector<2000x1xf32>
    %max3A_21 = arith.maximumf %add3A_19, %max3A_20 : vector<2000x1xf32>
    %div3A = vector.broadcast %max3A_21 : vector<2000x1xf32> to vector<2000x128xf32>
    %div3A_22 = arith.divf %add3A, %div3A : vector<2000x128xf32>
    %get3A_23 = arith.constant 0 : index
    %get3A_24 = arith.constant 0 : index
    %get3A_25 = vector.load %arg4[%get3A_23, %get3A_24] : memref<128x128xf32, #tpu.memory_space<vmem>>, vector<128x128xf32>
    %dot_general3A = arith.constant dense<0.000000e+00> : vector<2000x128xf32>
    %dot_general3A_26 = tpu.matmul %div3A_22, %get3A_25, %dot_general3A {dimension_numbers = #tpu.dot_dimension_numbers<[1], [1], [0], [0], [0, 0, 1, 0], [], []>, transpose_lhs_hint = false} : vector<2000x128xf32>, vector<128x128xf32>, vector<2000x128xf32> -> vector<2000x128xf32>
    %get3A_27 = arith.constant 0 : index
    %get3A_28 = arith.constant 0 : index
    %get3A_29 = vector.load %arg5[%get3A_27, %get3A_28] : memref<1x128xf32, #tpu.memory_space<vmem>>, vector<1x128xf32>
    %add3A_30 = vector.broadcast %get3A_29 : vector<1x128xf32> to vector<2000x128xf32>
    %add3A_31 = arith.addf %dot_general3A_26, %add3A_30 : vector<2000x128xf32>
    %get3A_32 = arith.constant 0 : index
    %get3A_33 = arith.constant 0 : index
    %get3A_34 = vector.load %arg1[%get3A_32, %get3A_33] : memref<2000x128xf32, #tpu.memory_space<vmem>>, vector<2000x128xf32>
    %get3A_35 = arith.constant 0 : index
    %get3A_36 = arith.constant 0 : index
    %get3A_37 = vector.load %arg6[%get3A_35, %get3A_36] : memref<128x128xf32, #tpu.memory_space<vmem>>, vector<128x128xf32>
    %dot_general3A_38 = arith.constant dense<0.000000e+00> : vector<2000x128xf32>
    %dot_general3A_39 = tpu.matmul %get3A_34, %get3A_37, %dot_general3A_38 {dimension_numbers = #tpu.dot_dimension_numbers<[1], [1], [0], [0], [0, 0, 1, 0], [], []>, transpose_lhs_hint = false} : vector<2000x128xf32>, vector<128x128xf32>, vector<2000x128xf32> -> vector<2000x128xf32>
    %add3A_40 = arith.addf %add3A_31, %dot_general3A_39 : vector<2000x128xf32>
    %max3A_41 = arith.constant 0.000000e+00 : f32
    %max3A_42 = vector.broadcast %max3A_41 : f32 to vector<2000x128xf32>
    %max3A_43 = arith.maximumf %add3A_40, %max3A_42 : vector<2000x128xf32>
    %swap3A = arith.constant 0 : index
    %swap3A_44 = arith.constant 0 : index
    %swap3A_45 = vector.load %arg7[%swap3A, %swap3A_44] : memref<2000x128xf32, #tpu.memory_space<vmem>>, vector<2000x128xf32>
    tpu.vector_store %arg7[%swap3A, %swap3A_44], %max3A_43 {strides = array<i32>} : memref<2000x128xf32, #tpu.memory_space<vmem>>, vector<2000x128xf32>,
    return
  }
  func.func @transform_0(%arg0: i32) -> (i32, i32) {
    %c0_i32 = arith.constant 0 : i32
    %c0_i32_0 = arith.constant 0 : i32
    return %arg0, %c0_i32 : i32, i32
  }
  func.func @transform_1(%arg0: i32) -> (i32, i32, i32) {
    %c0_i32 = arith.constant 0 : i32
    %c0_i32_0 = arith.constant 0 : i32
    %c0_i32_1 = arith.constant 0 : i32
    return %c0_i32, %arg0, %c0_i32_0 : i32, i32, i32
  }
  func.func @transform_2(%arg0: i32) -> (i32, i32, i32) {
    %c0_i32 = arith.constant 0 : i32
    %c0_i32_0 = arith.constant 0 : i32
    %c0_i32_1 = arith.constant 0 : i32
    return %c0_i32, %arg0, %c0_i32_0 : i32, i32, i32
  }
  func.func @transform_3(%arg0: i32) -> (i32, i32) {
    %c0_i32 = arith.constant 0 : i32
    %c0_i32_0 = arith.constant 0 : i32
    %c0_i32_1 = arith.constant 0 : i32
    return %c0_i32, %c0_i32_0 : i32, i32
  }
  func.func @transform_4(%arg0: i32) -> (i32, i32) {
    %c0_i32 = arith.constant 0 : i32
    %c0_i32_0 = arith.constant 0 : i32
    %c0_i32_1 = arith.constant 0 : i32
    return %c0_i32, %c0_i32_0 : i32, i32
  }
  func.func @transform_5(%arg0: i32) -> (i32, i32) {
    %c0_i32 = arith.constant 0 : i32
    %c0_i32_0 = arith.constant 0 : i32
    %c0_i32_1 = arith.constant 0 : i32
    return %c0_i32, %c0_i32_0 : i32, i32
  }
  func.func @transform_6(%arg0: i32) -> (i32, i32) {
    %c0_i32 = arith.constant 0 : i32
    %c0_i32_0 = arith.constant 0 : i32
    return %arg0, %c0_i32 : i32, i32
  }
}

module attributes {stable_mosaic.version = 14 : i64} {
  func.func @body(%arg0: i32, %arg1: memref<2000x128xf32, #tpu.memory_space<vmem>>, %arg2: memref<2x2000x128xf32, #tpu.memory_space<vmem>>, %arg3: memref<2x2000x1xf32, #tpu.memory_space<vmem>>, %arg4: memref<128x128xf32, #tpu.memory_space<vmem>>, %arg5: memref<1x128xf32, #tpu.memory_space<vmem>>, %arg6: memref<128x128xf32, #tpu.memory_space<vmem>>, %arg7: memref<2000x128xf32, #tpu.memory_space<vmem>>) attributes {dimension_semantics = [#tpu.dimension_semantics<arbitrary>], iteration_bounds = array<i64: 5>, scalar_prefetch = 0 : i64, scratch_operands = 0 : i64, tpu.core_type = #tpu.core_type<tc>, window_params = [{transform_indices = @transform_0, window_bounds = array<i64: 2000, 128>}, {transform_indices = @transform_1, window_bounds = array<i64: 2, 2000, 128>}, {transform_indices = @transform_2, window_bounds = array<i64: 2, 2000, 1>}, {pipeline_mode = #tpu.pipeline_mode<synchronous>, transform_indices = @transform_3, window_bounds = array<i64: 128, 128>}, {pipeline_mode = #tpu.pipeline_mode<synchronous>, transform_indices = @transform_4, window_bounds = array<i64: 1, 128>}, {pipeline_mode = #tpu.pipeline_mode<synchronous>, transform_indices = @transform_5, window_bounds = array<i64: 128, 128>}, {transform_indices = @transform_6, window_bounds = array<i64: 2000, 128>}]} {
    %get3A = arith.constant 0 : index
    %get3A_0 = arith.constant 0 : index
    %get3A_1 = arith.constant 0 : index
    %get3A_2 = vector.load %arg2[%get3A, %get3A_0, %get3A_1] : memref<2x2000x128xf32, #tpu.memory_space<vmem>>, vector<1x2000x128xf32>
    %get3A_3 = vector.shape_cast %get3A_2 : vector<1x2000x128xf32> to vector<2000x128xf32>
    %get3A_4 = arith.constant 1 : index
    %get3A_5 = arith.constant 0 : index
    %get3A_6 = arith.constant 0 : index
    %get3A_7 = vector.load %arg2[%get3A_4, %get3A_5, %get3A_6] : memref<2x2000x128xf32, #tpu.memory_space<vmem>>, vector<1x2000x128xf32>
    %get3A_8 = vector.shape_cast %get3A_7 : vector<1x2000x128xf32> to vector<2000x128xf32>
    %add3A = arith.addf %get3A_3, %get3A_8 : vector<2000x128xf32>
    %get3A_9 = arith.constant 0 : index
    %get3A_10 = arith.constant 0 : index
    %get3A_11 = arith.constant 0 : index
    %get3A_12 = vector.load %arg3[%get3A_9, %get3A_10, %get3A_11] : memref<2x2000x1xf32, #tpu.memory_space<vmem>>, vector<1x2000x1xf32>
    %get3A_13 = vector.shape_cast %get3A_12 : vector<1x2000x1xf32> to vector<2000x1xf32>
    %get3A_14 = arith.constant 1 : index
    %get3A_15 = arith.constant 0 : index
    %get3A_16 = arith.constant 0 : index
    %get3A_17 = vector.load %arg3[%get3A_14, %get3A_15, %get3A_16] : memref<2x2000x1xf32, #tpu.memory_space<vmem>>, vector<1x2000x1xf32>
    %get3A_18 = vector.shape_cast %get3A_17 : vector<1x2000x1xf32> to vector<2000x1xf32>
    %add3A_19 = arith.addf %get3A_13, %get3A_18 : vector<2000x1xf32>
    %max3A = arith.constant 1.000000e+00 : f32
    %max3A_20 = vector.broadcast %max3A : f32 to vector<2000x1xf32>
    %max3A_21 = arith.maximumf %add3A_19, %max3A_20 : vector<2000x1xf32>
    %div3A = vector.broadcast %max3A_21 : vector<2000x1xf32> to vector<2000x128xf32>
    %div3A_22 = arith.divf %add3A, %div3A : vector<2000x128xf32>
    %get3A_23 = arith.constant 0 : index
    %get3A_24 = arith.constant 0 : index
    %get3A_25 = vector.load %arg4[%get3A_23, %get3A_24] : memref<128x128xf32, #tpu.memory_space<vmem>>, vector<128x128xf32>
    %dot_general3A = arith.constant dense<0.000000e+00> : vector<2000x128xf32>
    %dot_general3A_26 = tpu.matmul %div3A_22, %get3A_25, %dot_general3A {dimension_numbers = #tpu.dot_dimension_numbers<[1], [1], [0], [0], [0, 0, 1, 0], [], []>, transpose_lhs_hint = false} : vector<2000x128xf32>, vector<128x128xf32>, vector<2000x128xf32> -> vector<2000x128xf32>
    %get3A_27 = arith.constant 0 : index
    %get3A_28 = arith.constant 0 : index
    %get3A_29 = vector.load %arg5[%get3A_27, %get3A_28] : memref<1x128xf32, #tpu.memory_space<vmem>>, vector<1x128xf32>
    %add3A_30 = vector.broadcast %get3A_29 : vector<1x128xf32> to vector<2000x128xf32>
    %add3A_31 = arith.addf %dot_general3A_26, %add3A_30 : vector<2000x128xf32>
    %get3A_32 = arith.constant 0 : index
    %get3A_33 = arith.constant 0 : index
    %get3A_34 = vector.load %arg1[%get3A_32, %get3A_33] : memref<2000x128xf32, #tpu.memory_space<vmem>>, vector<2000x128xf32>
    %get3A_35 = arith.constant 0 : index
    %get3A_36 = arith.constant 0 : index
    %get3A_37 = vector.load %arg6[%get3A_35, %get3A_36] : memref<128x128xf32, #tpu.memory_space<vmem>>, vector<128x128xf32>
    %dot_general3A_38 = arith.constant dense<0.000000e+00> : vector<2000x128xf32>
    %dot_general3A_39 = tpu.matmul %get3A_34, %get3A_37, %dot_general3A_38 {dimension_numbers = #tpu.dot_dimension_numbers<[1], [1], [0], [0], [0, 0, 1, 0], [], []>, transpose_lhs_hint = false} : vector<2000x128xf32>, vector<128x128xf32>, vector<2000x128xf32> -> vector<2000x128xf32>
    %add3A_40 = arith.addf %add3A_31, %dot_general3A_39 : vector<2000x128xf32>
    %swap3A = arith.constant 0 : index
    %swap3A_41 = arith.constant 0 : index
    %swap3A_42 = vector.load %arg7[%swap3A, %swap3A_41] : memref<2000x128xf32, #tpu.memory_space<vmem>>, vector<2000x128xf32>
    tpu.vector_store %arg7[%swap3A, %swap3A_41], %add3A_40 {strides = array<i32>} : memref<2000x128xf32, #tpu.memory_space<vmem>>, vector<2000x128xf32>,
    return
  }
  func.func @transform_0(%arg0: i32) -> (i32, i32) {
    %c0_i32 = arith.constant 0 : i32
    %c0_i32_0 = arith.constant 0 : i32
    return %arg0, %c0_i32 : i32, i32
  }
  func.func @transform_1(%arg0: i32) -> (i32, i32, i32) {
    %c0_i32 = arith.constant 0 : i32
    %c0_i32_0 = arith.constant 0 : i32
    %c0_i32_1 = arith.constant 0 : i32
    return %c0_i32, %arg0, %c0_i32_0 : i32, i32, i32
  }
  func.func @transform_2(%arg0: i32) -> (i32, i32, i32) {
    %c0_i32 = arith.constant 0 : i32
    %c0_i32_0 = arith.constant 0 : i32
    %c0_i32_1 = arith.constant 0 : i32
    return %c0_i32, %arg0, %c0_i32_0 : i32, i32, i32
  }
  func.func @transform_3(%arg0: i32) -> (i32, i32) {
    %c0_i32 = arith.constant 0 : i32
    %c0_i32_0 = arith.constant 0 : i32
    %c0_i32_1 = arith.constant 0 : i32
    return %c0_i32, %c0_i32_0 : i32, i32
  }
  func.func @transform_4(%arg0: i32) -> (i32, i32) {
    %c0_i32 = arith.constant 0 : i32
    %c0_i32_0 = arith.constant 0 : i32
    %c0_i32_1 = arith.constant 0 : i32
    return %c0_i32, %c0_i32_0 : i32, i32
  }
  func.func @transform_5(%arg0: i32) -> (i32, i32) {
    %c0_i32 = arith.constant 0 : i32
    %c0_i32_0 = arith.constant 0 : i32
    %c0_i32_1 = arith.constant 0 : i32
    return %c0_i32, %c0_i32_0 : i32, i32
  }
  func.func @transform_6(%arg0: i32) -> (i32, i32) {
    %c0_i32 = arith.constant 0 : i32
    %c0_i32_0 = arith.constant 0 : i32
    return %arg0, %c0_i32 : i32, i32
  }
}

</mosaic_0001>

<sc_bundles>
// kernel: kernel.6.cloned.1.call-start
scs
__scs_entry_jumppad:
0x0: {  	(pc) =	sbr.rel $0x88, $3  }
0x1: {  	(tag) =	ssettag $0x0;
	lr =	simm.s32 $0x1  }
0x2: {  	[smem:$0x3F99] =	sst lr;
	_ =	strace $0xD0000000  }
0x3: {  	_ = 	snop  }
0x4: {  	_ = 	snop  }
0x5: {  	_ = 	snop  }
0x6: {  	_ = 	snop  }
0x7: {  	_ = 	snop  }
__scs_overlays_trampoline_lowered:
0x8: {  	[smem:$0x3FA8] =	sst s0  }
0x9: {  	[smem:$0x3FA9] =	sst s1  }
0xa: {  	[smem:$0x3FAA] =	sst s2  }
0xb: {  	[smem:$0x3FAB] =	sst s3  }
0xc: {  	[smem:$0x3FAC] =	sst s4  }
0xd: {  	[smem:$0x3FAD] =	sst s5  }
0xe: {  	[smem:$0x3FAE] =	sst s6  }
0xf: {  	[smem:$0x3FAF] =	sst s7  }
0x10: {  	[smem:$0x3FB0] =	sst s8  }
0x11: {  	[smem:$0x3FB1] =	sst s9;
	s0 =	simm.s32 @!p0 $0x0  }
0x12: {  	s1 =	sld [smem:$0x3F97];
	s0 =	simm.s32 @p0 $0x1  }
0x13: {  	[smem:$0x3FB2] =	sst s0;
	s0 =	simm.s32 @!p1 $0x0  }
0x14: {  	s2 =	sld [smem:$0x3F96];
	s0 =	simm.s32 @p1 $0x1  }
0x15: {  	[smem:$0x3FB3] =	sst s0;
	s0 =	simm.s32 @!p2 $0x0  }
0x16: {  	s3 =	sld [smem:$0x3FDB];
	s0 =	simm.s32 @p2 $0x1  }
0x17: {  	s4 =	simm.s32 $0x1BF5;
	[smem:$0x3FB5] =	sst s0  }
0x18: {  	s0 =	sld [smem:$0x3F98];
	_ =	swait.ge [sflag:s4], $0x0  }
0x19: {  	s7 =	sld [smem:$0x3F99]  }
0x1a: {  	s8 =	sadd.s32 $0xFFFFE003, lr  }
0x1b: {  	s9 =	sadd.s32 $0xFFFFFEF7, lr;
	s5 =	simm.s32 $0xFFFFFFFF;
	p2 =	slt.u32 s8, $0xFFFFF086  }
0x1c: {  	p1 =	slt.u32 s9, $0xF7A;
	s5 =	simm.s32 @!p2 $0x0  }
0x1d: {  	s5 =	simm.s32 @p1 $0x1;
	p0 =	seq.s32 s7, s2  }
0x1e: {  	s7 =	smul.u32 @!p0 $0xF7A, s2;
	p2 =	seq.s32 @!p0 s5, $0x0  }
0x1f: {  	s9 =	smul.u32 $0xF7A, s1;
	s8 =	simm.s32 @!p0 $0x1BF5;
	p2 =	por !p2, p0  }
0x20: {  	[sflag:s8] =	ssyncset.s32 @!p0 $0xFFFFF086;
	s6 =	sadd.s32 @!p0 s3, s7;
	s7 =	simm.s32 @!p0 $0x108  }
0x21: {  	s3 =	sadd.s32 s3, s9;
	s6 =	sadd.s32 @!p0 $0x88, s6;
	s7 =	simm.s32 @p2 $0x1082  }
0x22: {  	[simem:s7], [sflag:s8] =	dma.local @!p0 [hbm:s6], $0xF7A  }
0x23: {  	s9 =	sor.u32 $0xD0000000, s2;
	s6 =	simm.s32 $0x108;
	_ =	swait.ge @!p0 [sflag:s8], $0x0  }
0x24: {  	s3 =	sadd.s32 $0x88, s3;
	s6 =	simm.s32 @!p1 $0x1082;
	[sflag:s4] =	ssyncset.s32 $0xFFFFF086  }
0x25: {  	[simem:s6], [sflag:s4] =	dma.local [hbm:s3], $0xF7A  }
0x26: {  	[smem:$0x3F99] =	sst s1;
	(tag) =	ssettag s2;
	_ =	strace s9  }
0x27: {  	s1 =	sld [smem:$0x3FA9]  }
0x28: {  	s2 =	sld [smem:$0x3FAA]  }
0x29: {  	s4 =	sld [smem:$0x3FAC]  }
0x2a: {  	p0 =	seq.s32 s5, $0x0;
	s5 =	sld [smem:$0x3FAD]  }
0x2b: {  	s6 =	sld [smem:$0x3FAE]  }
0x2c: {  	s7 =	sld [smem:$0x3FAF]  }
0x2d: {  	s3 =	simm.s32 $0x108;
	s8 =	sld [smem:$0x3FB0]  }
0x2e: {  	s3 =	simm.s32 @!p0 $0x1082;
	s9 =	sld [smem:$0x3FB1]  }
0x2f: {  	lr =	sadd.s32 s0, s3;
	s0 =	sld [smem:$0x3FA8]  }
0x30: {  	s3 =	sld [smem:$0x3FAB]  }
0x31: {  	[smem:$0x3FB4] =	sst s10  }
0x32: {  	s10 =	sld [smem:$0x3FB2];
	_ =	sdelay $0x3  }
0x33: {  	p0 =	seq.s32 s10, $0x1;
	s10 =	sld [smem:$0x3FB4];
	_ =	sdelay $0x3  }
0x34: {  	[smem:$0x3FB4] =	sst s10  }
0x35: {  	s10 =	sld [smem:$0x3FB3];
	_ =	sdelay $0x3  }
0x36: {  	p1 =	seq.s32 s10, $0x1;
	s10 =	sld [smem:$0x3FB4];
	_ =	sdelay $0x3  }
0x37: {  	[smem:$0x3FB4] =	sst s10  }
0x38: {  	s10 =	sld [smem:$0x3FB5]  }
0x39: {  	_ = 	snop;
	(pc) =	sbr.ind lr, $3  }
0x3a: {  	_ = 	snop  }
0x3b: {  	_ = 	snop  }
0x3c: {  	p2 =	seq.s32 s10, $0x1;
	s10 =	sld [smem:$0x3FB4]  }
0x3d: {  	_ =	shalt  }
0x3e: {  	_ =	shalt  }
0x3f: {  	_ =	shalt  }
0x40: {  	_ =	shalt  }
0x41: {  	_ =	shalt  }
0x42: {  	_ =	shalt  }
0x43: {  	_ =	shalt  }
0x44: {  	_ =	shalt  }
0x45: {  	_ =	shalt  }
0x46: {  	_ =	shalt  }
0x47: {  	_ =	shalt  }
0x48: {  	_ =	shalt  }
0x49: {  	_ =	shalt  }
0x4a: {  	_ =	shalt  }
0x4b: {  	_ =	shalt  }
0x4c: {  	_ =	shalt  }
0x4d: {  	_ =	shalt  }
0x4e: {  	_ =	shalt  }
0x4f: {  	_ =	shalt  }
0x50: {  	_ =	shalt  }
0x51: {  	_ =	shalt  }
0x52: {  	_ =	shalt  }
0x53: {  	_ =	shalt  }
0x54: {  	_ =	shalt  }
0x55: {  	_ =	shalt  }
0x56: {  	_ =	shalt  }
0x57: {  	_ =	shalt  }
0x58: {  	_ =	shalt  }
0x59: {  	_ =	shalt  }
0x5a: {  	_ =	shalt  }
0x5b: {  	_ =	shalt  }
0x5c: {  	_ =	shalt  }
0x5d: {  	_ =	shalt  }
0x5e: {  	_ =	shalt  }
0x5f: {  	_ =	shalt  }
0x60: {  	_ =	shalt  }
0x61: {  	_ =	shalt  }
0x62: {  	_ =	shalt  }
0x63: {  	_ =	shalt  }
0x64: {  	_ =	shalt  }
0x65: {  	_ =	shalt  }
0x66: {  	_ =	shalt  }
0x67: {  	_ =	shalt  }
0x68: {  	_ =	shalt  }
0x69: {  	_ =	shalt  }
0x6a: {  	_ =	shalt  }
0x6b: {  	_ =	shalt  }
0x6c: {  	_ =	shalt  }
0x6d: {  	_ =	shalt  }
0x6e: {  	_ =	shalt  }
0x6f: {  	_ =	shalt  }
0x70: {  	_ =	shalt  }
0x71: {  	_ =	shalt  }
0x72: {  	_ =	shalt  }
0x73: {  	_ =	shalt  }
0x74: {  	_ =	shalt  }
0x75: {  	_ =	shalt  }
0x76: {  	_ =	shalt  }
0x77: {  	_ =	shalt  }
0x78: {  	_ =	shalt  }
0x79: {  	_ =	shalt  }
0x7a: {  	_ =	shalt  }
0x7b: {  	_ =	shalt  }
0x7c: {  	_ =	shalt  }
0x7d: {  	_ =	shalt  }
0x7e: {  	_ =	shalt  }
0x7f: {  	_ =	shalt  }
0x80: {  	_ =	shalt  }
0x81: {  	_ =	shalt  }
0x82: {  	_ =	shalt  }
0x83: {  	_ =	shalt  }
0x84: {  	_ =	shalt  }
0x85: {  	_ =	shalt  }
0x86: {  	_ =	shalt  }
0x87: {  	_ =	shalt  }
.Lfunc_end0:
.L_simem_size_0:
called_computation_lowered:
.L_overlay_start_0:
0x88: {  	s2 =	sld [smem:$0x3FD9]  }
0x89: {  	s3 =	sld [smem:$0x3FFE];
	_ =	sdelay $0x1  }
0x8a: {  	s1 =	srdreg.scid  }
0x8b: {  	s0 =	sand.u32 $0x1, s1  }
0x8c: {  	s17 =	sshll.u32 s0, $0xA;
	s2 =	sadd.s32 s3, s2  }
0x8d: {  	s2 =	sadd.s32 s2, s17  }
0x8e: {  	[smem:$0x3FC0] =	sst s2  }
0x8f: {  	_ = 	snop  }
0x90: {  	s2 =	sld [smem:$0x3FC9]  }
0x91: {  	s18 =	sld [smem:$0x3FD0];
	(tm) =	ssettm $0x1  }
0x92: {  	s4 =	sld [smem:$0x3FFB];
	_ =	sdelay $0x3  }
0x93: {  	_ =	strace s4  }
0x94: {  	s4 =	sld [smem:$0x3FFC];
	_ =	sdelay $0x3  }
0x95: {  	_ =	strace s4  }
0x96: {  	s4 =	sld [smem:$0x3FFD];
	_ =	sdelay $0x3  }
0x97: {  	_ =	strace s4  }
0x98: {  	_ =	strace $0x8FFFFFFF  }
0x99: {  	s19 =	sld [smem:$0x3FDB];
	_ =	sdelay $0x1  }
0x9a: {  	s5 =	simm.s32 $_scs_section_size  }
0x9b: {  	s6 =	simm.s32 $_size__tile_overlayer_lowered;
	s7 =	simm.s32 $_tile_overlayer_lowered  }
0x9c: {  	s22 =	simm.s32 $0x1BFF;
	s21 =	sshll.u32 s7, $0x1;
	s4 =	sadd.s32 s5, s19  }
0x9d: {  	s8 =	simm.s32 $0x0;
	s20 =	sshll.u32 s6, $0x1;
	s6 =	sadd.s32 s21, s4  }
0x9e: {  	[timem:s8], [sflag:s22] =	dma.local [hbm:s6], s20  }
0x9f: {  	_ =	swait.ge [sflag:s22], s20  }
0xa0: {  	s5 =	ssub.s32 $0x0, s20;
	[sflag:s22] =	ssyncset.done $0x0  }
0xa1: {  	[sflag:s22] =	ssyncadd.s32 s5;
	_ =	sdelay $0x1  }
0xa2: {  	s23 =	simm.s32 $0x1B8B  }
0xa3: {  	_ =	swait.ge [sflag:s23], $0x1  }
0xa4: {  	[sflag:s23] =	ssyncset.done $0x0  }
0xa5: {  	s25 =	simm.s32 $0x1B8E;
	s24 =	sld [smem:$0x3FFE];
	[sflag:s23] =	ssyncadd.s32 $0xFFFFFFFF  }
0xa6: {  	s26 =	simm.s32 $execute0_lowered;
	[smem:$0x3FD2] =	sst s25  }
0xa7: {  	s6 =	sshll.u32 s26, $0x1;
	_ =	strace $0x80000046;
	[dreg:$0x1] =	wrdreg $0xFFFFFFFF  }
0xa8: {  	s28 =	simm.s32 $_size_execute0_lowered;
	s4 =	sadd.s32 s4, s6;
	[dreg:$0x0] =	wrdreg $0x0  }
0xa9: {  	s6 =	sshll.u32 s28, $0x1;
	[dreg:$0x2] =	wrdreg s4  }
0xaa: {  	[dreg:$0x3] =	wrdreg s6  }
0xab: {  	[dreg:$0x4] =	wrdreg $0xC0  }
0xac: {  	_ =	task [dreg:s8], $0x5FFFF  }
0xad: {  	[dreg:$0x1] =	wrdreg $0xFFFFFFFF  }
0xae: {  	[dreg:$0x0] =	wrdreg $0x60  }
0xaf: {  	[dreg:$0x2] =	wrdreg s2  }
0xb0: {  	[dreg:$0x3] =	wrdreg s24  }
0xb1: {  	[dreg:$0x4] =	wrdreg s18  }
0xb2: {  	[dreg:$0x5] =	wrdreg $0x84000  }
0xb3: {  	[dreg:$0x6] =	wrdreg $0x1C3000  }
0xb4: {  	[dreg:$0x7] =	wrdreg $0x9  }
0xb5: {  	_ =	task.clear_ibuf [dreg:s8], $0x8FFFF;
	_ =	strace $0x90000046  }
0xb6: {  	s29 =	simm.s32 $0x9;
	_ =	strace $0x80000048  }
0xb7: {  	_ =	swait.ge [sflag:s29], $0x1  }
0xb8: {  	[sflag:s29] =	ssyncadd.s32 $0xFFFFFFFF  }
0xb9: {  	_ =	strace $0x90000048  }
0xba: {  	_ =	sfence  }
0xbb: {  	s30 =	sld [smem:$0x0];
	_ =	sdelay $0x2  }
0xbc: {  	s31 =	sshll.u32 s1, $0xD;
	s1 =	sshrl.u32 s1, $0x2  }
0xbd: {  	s3 =	sand.u32 $0x4000, s31;
	s1 =	sadd.s32 s1, s30  }
0xbe: {  	s0 =	sor.u32 s3, s0;
	s1 =	sshll.u32 s1, $0x11  }
0xbf: {  	s0 =	sor.u32 s1, s0  }
0xc0: {  	s0 =	sadd.s32 $0x8F2B, s0  }
0xc1: {  	[sflag:s0] =	ssyncadd.remote.s32 $0x1  }
0xc2: {  	_ =	sfence.sel $0xFFFF  }
0xc3: {  	[dreg:$0x0] =	wrdreg $0xFFFFFFFF;
	(pc) =	sbr.abs _section_cstart, $3  }
0xc4: {  	[dreg:$0x1] =	wrdreg $0xFFFFFFFF  }
0xc5: {  	_ =	task.clear_ibuf [dreg:s8], $0x2FFFF;
	_ =	strace $0x9FFFFFFF  }
0xc6: {  	(tm) =	ssettm $0x7FFFFFFF  }
0xc7: {  	_ =	shalt  }
tec
execute0_lowered:
.L_overlay_start_1:
0x0: {  	(tag) =	ssettag $0x1  }
0x1: {  	s1 =	rddreg [dreg:$0x0]  }
0x2: {  	s0 =	rddreg [dreg:$0x1]  }
0x3: {  	s5 =	rddreg [dreg:$0x2]  }
0x4: {  	s2 =	rddreg [dreg:$0x3]  }
0x5: {  	s3 =	rddreg [dreg:$0x4];
	s4 =	simm.s32 $0x0  }
0x6: {  	s6 =	srdreg.scid;
	s21 =	stileid.u32;
	s28 =	simm.s32 $0x400  }
0x7: {  	s29 =	simm.s32 $0x9;
	s31 =	simm.s32 $0x200;
	s30 =	simm.s32 $0x280  }
0x8: {  	[smem:$0x7FF] =	sst s4;
	s6 =	sand.u32 $0x1, s6;
	s10 =	smul.u32 $0x278, s21  }
0x9: {  	s11 =	sadd.s32 $0xBE00, s0;
	s13 =	sadd.s32 $0x1E00, s0;
	s19 =	smul.u32 $0x2800, s21  }
0xa: {  	s7 =	smul.u32 $0x27800, s6;
	s8 =	sshll.u32 s6, $0x4;
	_ =	strace $0x80000047  }
0xb: {  	s12 =	ssub.s32 $0x2, s6;
	s6 =	smul.u32 $0x28000, s6;
	s9 =	sor.u32 s21, s8  }
0xc: {  	s14 =	sshrl.u32 s12, $0x1;
	s15 =	sadd.s32 $0x80, s10;
	s16 =	sadd.s32 $0x100, s10  }
0xd: {  	s17 =	sadd.s32 $0x180, s10;
	s10 =	sadd.s32 $0x200, s10;
	s5 =	sadd.s32 s5, s8  }
0xe: {  	s9 =	smul.u32 $0x2800, s9;
	s7 =	sadd.s32 s7, s0;
	s6 =	sadd.s32 s19, s6  }
0xf: {  	s0 =	ssub.s32 s12, s14;
	s14 =	smul.u32 $0x4F000, s21;
	s22 =	sor.u32 $0x300, s6  }
0x10: {  	s26 =	sor.u32 $0x200, s6;
	s0 =	smax.u32 s0, $0x1;
	s9 =	sshrl.u32 s9, $0x3  }
0x11: {  	s7 =	sadd.s32 $0x15E00, s7;
	[smem:$0x7FC] =	sst s0;
	s20 =	sadd.s32 s11, s9  }
0x12: {  	s12 =	sshrl.u32 s22, $0x3;
	s18 =	sadd.s32 s13, s9;
	[dreg:$0xe] =	wrdreg s20  }
0x13: {  	s0 =	simm.s32 $0x80;
	s23 =	sadd.s32 s12, s13;
	[dreg:$0xf] =	wrdreg s18  }
0x14: {  	s12 =	sadd.s32 s12, s11;
	s18 =	sor.u32 $0x10, s9;
	[dreg:$0x6] =	wrdreg s23  }
0x15: {  	s20 =	sor.u32 $0x280, s6;
	[dreg:$0x7] =	wrdreg s12;
	s23 =	sshrl.u32 s26, $0x3  }
0x16: {  	s6 =	sshrl.u32 s6, $0x3;
	s19 =	sadd.s32 s11, s18;
	s24 =	sshrl.u32 s20, $0x3  }
0x17: {  	s18 =	sadd.s32 s13, s18;
	[dreg:$0x10] =	wrdreg s19;
	s25 =	sadd.s32 s24, s13  }
0x18: {  	s22 =	sadd.s32 s24, s11;
	s24 =	sor.u32 $0x20, s9;
	[dreg:$0x11] =	wrdreg s18  }
0x19: {  	s9 =	sor.u32 $0x30, s9;
	s19 =	sadd.s32 s23, s11;
	[dreg:$0x8] =	wrdreg s25  }
0x1a: {  	[dreg:$0x9] =	wrdreg s22;
	s25 =	sadd.s32 s23, s13;
	s26 =	sadd.s32 s11, s24  }
0x1b: {  	s18 =	sadd.s32 s13, s24;
	[dreg:$0xb] =	wrdreg s19;
	s20 =	sadd.s32 s11, s9  }
0x1c: {  	s9 =	sadd.s32 s13, s9;
	s22 =	sadd.s32 s6, s11;
	[dreg:$0xa] =	wrdreg s25  }
0x1d: {  	s6 =	sadd.s32 s6, s13;
	s23 =	smul.u32 $0x2780, s21;
	[dreg:$0x12] =	wrdreg s26  }
0x1e: {  	s24 =	sshll.u32 s15, $0x4;
	s13 =	sshrl.u32 s14, $0x2;
	[dreg:$0x13] =	wrdreg s18  }
0x1f: {  	s15 =	sshll.u32 s15, $0x7;
	s19 =	smul.u32 $0xA00, s21;
	[dreg:$0x14] =	wrdreg s20  }
0x20: {  	[dreg:$0x15] =	wrdreg s9;
	s9 =	sadd.s32 $0x30, s22;
	s6 =	sadd.s32 $0x30, s6  }
0x21: {  	s25 =	sshll.u32 s16, $0x4;
	s26 =	sshll.u32 s17, $0x4;
	s14 =	sadd.s32 s13, s2  }
0x22: {  	s18 =	sshll.u32 s16, $0x7;
	s20 =	sshll.u32 s17, $0x7;
	s13 =	simm.s32 $0x1C000  }
0x23: {  	s16 =	simm.s32 $0x6;
	s17 =	simm.s32 $0x8;
	[dreg:$0xc] =	wrdreg s9  }
0x24: {  	[dreg:$0xd] =	wrdreg s6;
	s11 =	sadd.s32 s23, s7;
	s9 =	sadd.s32 s24, s7  }
0x25: {  	s8 =	sadd.s32 s25, s7;
	s6 =	sadd.s32 s26, s7;
	[dreg:$0x1c] =	wrdreg s14  }
0x26: {  	s23 =	sadd.s32 s15, s2;
	s24 =	sadd.s32 s18, s2;
	[dreg:$0x16] =	wrdreg s11  }
0x27: {  	s25 =	sadd.s32 s20, s2;
	s22 =	sshrl.u32 s19, $0x2;
	[dreg:$0x17] =	wrdreg s9  }
0x28: {  	s14 =	simm.s32 $0x7;
	s15 =	simm.s32 $0x3;
	[dreg:$0x18] =	wrdreg s8  }
0x29: {  	s18 =	simm.s32 $0x4;
	s9 =	sshll.u32 s10, $0x4;
	[dreg:$0x19] =	wrdreg s6  }
0x2a: {  	s11 =	smul.u32 $0xA0, s21;
	s21 =	sshll.u32 s10, $0x7;
	[dreg:$0x1d] =	wrdreg s23  }
0x2b: {  	s6 =	simm.s32 $0x300;
	s8 =	simm.s32 $0x380;
	[dreg:$0x1e] =	wrdreg s24  }
0x2c: {  	s10 =	simm.s32 $0x2;
	[dreg:$0x1f] =	wrdreg s25;
	s12 =	sadd.s32 s9, s7  }
0x2d: {  	s26 =	sadd.s32 s21, s2;
	s7 =	simm.s32 $0x180;
	[dreg:$0x1a] =	wrdreg s12  }
0x2e: {  	s9 =	simm.s32 $0x1;
	s5 =	sadd.s32 s11, s5;
	[smem:$0x7FD] =	sst s26  }
0x2f: {  	s11 =	simm.s32 $0x4400;
	[dreg:$0x1b] =	wrdreg s5;
	s5 =	sadd.s32 s22, s3  }
0x30: {  	v0 =	vimm.f32 $0.0e+00;
	v1 =	vimm.f32 $1.000000000e+00;
	s12 =	simm.s32 $0x5;
	[smem:$0x7FB] =	sst s5;
	s5 =	simm.s32 $0x100  }
.LBB2_1:
0x31: {  	s19 =	simm.s32 $0x0;
	s20 =	simm.s32 $0x200  }
.LBB2_2:
0x32: {  	p0 =	sne.s32 s20, $0xFE00;
	[tilespmem:s19+$0x470] =	vst v0  }
0x33: {  	[tilespmem:s19+$0x400] =	vst v0  }
0x34: {  	[tilespmem:s19+$0x410] =	vst v0  }
.Ltmp0:
0x35: {  	[tilespmem:s19+$0x420] =	vst v0;
	(pc) =	sbr.rel @p0 .LBB2_2-.Ltmp0, $4  }
0x36: {  	[tilespmem:s19+$0x430] =	vst v0  }
0x37: {  	[tilespmem:s19+$0x440] =	vst v0  }
0x38: {  	[tilespmem:s19+$0x450] =	vst v0  }
0x39: {  	[tilespmem:s19+$0x460] =	vst v0;
	s19 =	sshra.s32 s20, $0x2;
	s20 =	sadd.s32 $0x200, s20  }
0x3a: {  	[tilespmem:s19+$0x470] =	vst v0  }
0x3b: {  	[tilespmem:s19+$0x400] =	vst v0  }
0x3c: {  	[tilespmem:s19+$0x410] =	vst v0  }
0x3d: {  	[tilespmem:s19+$0x420] =	vst v0  }
0x3e: {  	[tilespmem:s19+$0x430] =	vst v0  }
0x3f: {  	[tilespmem:s19+$0x440] =	vst v0  }
0x40: {  	[smem:$0x7FA] =	sst s4;
	[tilespmem:s19+$0x450] =	vst v0  }
0x41: {  	[tilespmem:s19+$0x460] =	vst v0;
	s22 =	rddreg [dreg:$0x1c]  }
0x42: {  	[spmem:s22] =	stream.linear.scatter [tilespmem:s28], [sflag:$0x9], $0x4000, $0x38;
	[tilespmem:$0x1C580] =	vst v63  }
0x43: {  	_ =	swait.ge [sflag:s29], $0x4000  }
0x44: {  	[sflag:s29] =	ssyncset.done $0x0  }
0x45: {  	[sflag:s29] =	ssyncadd.s32 $0xFFFFC000  }
0x46: {  	[spmem:s23] =	stream.linear.scatter [tilespmem:s28], [sflag:$0x9], $0x4000, $0x38;
	[tilespmem:$0x1C580] =	vst v63  }
0x47: {  	_ =	swait.ge [sflag:s29], $0x4000  }
0x48: {  	[sflag:s29] =	ssyncset.done $0x0  }
0x49: {  	[sflag:s29] =	ssyncadd.s32 $0xFFFFC000  }
0x4a: {  	[spmem:s24] =	stream.linear.scatter [tilespmem:s28], [sflag:$0x9], $0x4000, $0x38;
	[tilespmem:$0x1C580] =	vst v63  }
0x4b: {  	_ =	swait.ge [sflag:s29], $0x4000  }
0x4c: {  	[sflag:s29] =	ssyncset.done $0x0  }
0x4d: {  	[sflag:s29] =	ssyncadd.s32 $0xFFFFC000  }
0x4e: {  	[spmem:s25] =	stream.linear.scatter [tilespmem:s28], [sflag:$0x9], $0x4000, $0x38;
	[tilespmem:$0x1C580] =	vst v63  }
0x4f: {  	_ =	swait.ge [sflag:s29], $0x4000  }
0x50: {  	[sflag:s29] =	ssyncset.done $0x0  }
0x51: {  	[sflag:s29] =	ssyncadd.s32 $0xFFFFC000  }
0x52: {  	[spmem:s26] =	stream.linear.scatter [tilespmem:s28], [sflag:$0x9], $0x3C00, $0x38;
	[tilespmem:$0x1C580] =	vst v63  }
0x53: {  	_ =	swait.ge [sflag:s29], $0x3C00  }
0x54: {  	[sflag:s29] =	ssyncset.done $0x0  }
0x55: {  	[sflag:s29] =	ssyncadd.s32 $0xFFFFC400  }
0x56: {  	[tilespmem:$0x1C080] =	vst v0  }
0x57: {  	[tilespmem:$0x1C090] =	vst v0  }
0x58: {  	[tilespmem:$0x1C0A0] =	vst v0  }
0x59: {  	[tilespmem:$0x1C0B0] =	vst v0  }
0x5a: {  	[tilespmem:$0x1C0C0] =	vst v0  }
0x5b: {  	[tilespmem:$0x1C0D0] =	vst v0  }
0x5c: {  	[tilespmem:$0x1C0E0] =	vst v0  }
0x5d: {  	[tilespmem:$0x1C0F0] =	vst v0  }
0x5e: {  	[tilespmem:$0x1C100] =	vst v0  }
0x5f: {  	[tilespmem:$0x1C110] =	vst v0  }
0x60: {  	[tilespmem:$0x1C120] =	vst v0  }
0x61: {  	[tilespmem:$0x1C130] =	vst v0  }
0x62: {  	[tilespmem:$0x1C140] =	vst v0  }
0x63: {  	[tilespmem:$0x1C150] =	vst v0  }
0x64: {  	[tilespmem:$0x1C160] =	vst v0  }
0x65: {  	[tilespmem:$0x1C170] =	vst v0  }
0x66: {  	[tilespmem:$0x1C180] =	vst v0  }
0x67: {  	[tilespmem:$0x1C190] =	vst v0  }
0x68: {  	[tilespmem:$0x1C1A0] =	vst v0  }
0x69: {  	[tilespmem:$0x1C1B0] =	vst v0  }
0x6a: {  	[tilespmem:$0x1C1C0] =	vst v0  }
0x6b: {  	[tilespmem:$0x1C1D0] =	vst v0  }
0x6c: {  	[tilespmem:$0x1C1E0] =	vst v0  }
0x6d: {  	[tilespmem:$0x1C1F0] =	vst v0  }
0x6e: {  	[tilespmem:$0x1C200] =	vst v0  }
0x6f: {  	[tilespmem:$0x1C210] =	vst v0  }
0x70: {  	[tilespmem:$0x1C220] =	vst v0  }
0x71: {  	[tilespmem:$0x1C230] =	vst v0  }
0x72: {  	[tilespmem:$0x1C240] =	vst v0  }
0x73: {  	[tilespmem:$0x1C250] =	vst v0  }
0x74: {  	[tilespmem:$0x1C260] =	vst v0  }
0x75: {  	[tilespmem:$0x1C270] =	vst v0  }
0x76: {  	[tilespmem:$0x1C280] =	vst v0  }
0x77: {  	[tilespmem:$0x1C290] =	vst v0  }
0x78: {  	[tilespmem:$0x1C2A0] =	vst v0  }
0x79: {  	[tilespmem:$0x1C2B0] =	vst v0  }
0x7a: {  	[tilespmem:$0x1C2C0] =	vst v0  }
0x7b: {  	[tilespmem:$0x1C2D0] =	vst v0  }
0x7c: {  	[tilespmem:$0x1C2E0] =	vst v0  }
0x7d: {  	[tilespmem:$0x1C2F0] =	vst v0  }
0x7e: {  	[tilespmem:$0x1C000] =	vst v1  }
0x7f: {  	[tilespmem:$0x1C010] =	vst v1  }
0x80: {  	[tilespmem:$0x1C020] =	vst v1  }
0x81: {  	[tilespmem:$0x1C030] =	vst v1  }
0x82: {  	[tilespmem:$0x1C040] =	vst v1  }
0x83: {  	s25 =	sld [smem:$0x7FB];
	[tilespmem:$0x1C050] =	vst v1  }
0x84: {  	[tilespmem:$0x1C060] =	vst v1  }
0x85: {  	s20 =	simm.s32 $0x1C080;
	[tilespmem:$0x1C070] =	vst v1  }
0x86: {  	[spmem:s25] =	stream.linear.scatter [tilespmem:s20], [sflag:$0x9], $0x280, $0x38;
	[tilespmem:$0x1C580] =	vst v63  }
0x87: {  	_ =	swait.ge [sflag:s29], $0x280  }
0x88: {  	[sflag:s29] =	ssyncset.done $0x0  }
0x89: {  	[sflag:s29] =	ssyncadd.s32 $0xFFFFFD80  }
0x8a: {  	[bflag:$0x0] =	sbarrier.arrive $0xFFFF  }
0x8b: {  	s19 =	simm.s32 $0x0;
	s26 =	rddreg [dreg:$0xe]  }
0x8c: {  	[tilespmem:s19], [sflag:$0x1] =	stream.linear.gather [hbm4b:s26+s19], $0x80, $0x38;
	[tilespmem:$0x1C580] =	vst v63  }
0x8d: {  	s4 =	rddreg [dreg:$0xf]  }
0x8e: {  	[tilespmem:s31], [sflag:$0x1] =	stream.linear.gather [hbm4b:s4+s19], $0x80, $0x38;
	[tilespmem:$0x1C580] =	vst v63  }
0x8f: {  	s21 =	rddreg [dreg:$0x10]  }
0x90: {  	[tilespmem:s0], [sflag:$0x2] =	stream.linear.gather [hbm4b:s21+s19], $0x80, $0x38;
	[tilespmem:$0x1C580] =	vst v63  }
0x91: {  	s22 =	rddreg [dreg:$0x11]  }
0x92: {  	[tilespmem:s30], [sflag:$0x2] =	stream.linear.gather [hbm4b:s22+s19], $0x80, $0x38;
	[tilespmem:$0x1C580] =	vst v63  }
0x93: {  	s23 =	rddreg [dreg:$0x12]  }
0x94: {  	[tilespmem:s5], [sflag:$0x3] =	stream.linear.gather [hbm4b:s23+s19], $0x80, $0x38;
	[tilespmem:$0x1C580] =	vst v63  }
0x95: {  	s24 =	rddreg [dreg:$0x13]  }
0x96: {  	[tilespmem:s6], [sflag:$0x3] =	stream.linear.gather [hbm4b:s24+s19], $0x80, $0x38;
	[tilespmem:$0x1C580] =	vst v63  }
0x97: {  	s25 =	rddreg [dreg:$0x14]  }
0x98: {  	[tilespmem:s7], [sflag:$0x4] =	stream.linear.gather [hbm4b:s25+s19], $0x80, $0x38;
	[tilespmem:$0x1C580] =	vst v63  }
0x99: {  	s26 =	rddreg [dreg:$0x15]  }
0x9a: {  	[tilespmem:s8], [sflag:$0x4] =	stream.linear.gather [hbm4b:s26+s19], $0x80, $0x38;
	[tilespmem:$0x1C580] =	vst v63  }
0x9b: {  	_ =	swait.ge [sflag:s9], $0x80  }
0x9c: {  	[sflag:s9] =	ssyncset.done $0x0  }
0x9d: {  	[sflag:s9] =	ssyncadd.s32 $0xFFFFFF80  }
0x9e: {  	_ =	swait.ge [sflag:s9], $0x80  }
0x9f: {  	[sflag:s9] =	ssyncset.done $0x0  }
0xa0: {  	p0 =	por $0x1, $0x1;
	[sflag:s9] =	ssyncadd.s32 $0xFFFFFF80  }
0xa1: {  	[tilespmem:s28], [sflag:$0x5] =	stream.indirect.gather [hbm4b:s1+s0], $0x80, s19, s0, $0xb8;
	[tilespmem:$0x1C580] =	vst v63  }
0xa2: {  	s19 =	simm.s32 @!p0 $0x8  }
0xa3: {  	s21 =	simm.s32 @!p0 $0x0;
	_ =	swait.ge @!p0 [sflag:s19], $0x4000  }
0xa4: {  	s22 =	simm.s32 @!p0 $0x180;
	s20 =	rddreg [dreg:$0xc];
	[sflag:s19] =	ssyncset.done @!p0 $0x0  }
0xa5: {  	[sflag:s19] =	ssyncadd.s32 @!p0 $0xFFFFC000;
	s19 =	rddreg [dreg:$0xd];
	s20 =	sadd.s32 @!p0 $0x0, s20  }
0xa6: {  	[tilespmem:s22], [sflag:$0x4] =	stream.linear.gather @!p0 [hbm4b:s20+s21], $0x80, $0x38;
	[tilespmem:$0x1C580] =	vst v63  }
0xa7: {  	s19 =	sadd.s32 @!p0 $0x0, s19;
	s20 =	simm.s32 @!p0 $0x380  }
0xa8: {  	[tilespmem:s20], [sflag:$0x4] =	stream.linear.gather @!p0 [hbm4b:s19+s21], $0x80, $0x38;
	[tilespmem:$0x1C580] =	vst v63  }
0xa9: {  	_ =	swait.ge [sflag:s10], $0x80  }
0xaa: {  	[sflag:s10] =	ssyncset.done $0x0  }
0xab: {  	[sflag:s10] =	ssyncadd.s32 $0xFFFFFF80  }
0xac: {  	_ =	swait.ge [sflag:s10], $0x80  }
0xad: {  	[sflag:s10] =	ssyncset.done $0x0  }
0xae: {  	[sflag:s10] =	ssyncadd.s32 $0xFFFFFF80  }
0xaf: {  	[tilespmem:s11], [sflag:$0x6] =	stream.indirect.gather [hbm4b:s1+s0], $0x80, s0, s0, $0xb8;
	[tilespmem:$0x1C580] =	vst v63  }
0xb0: {  	_ =	swait.ge [sflag:s12], $0x4000  }
0xb1: {  	[sflag:s12] =	ssyncset.done $0x0  }
0xb2: {  	[sflag:s12] =	ssyncadd.s32 $0xFFFFC000  }
0xb3: {  	[spmem:s2] =	stream.indirect.scatter.add.f32 [tilespmem:s28], [sflag:$0x7], $0x80, s31, s0, $0xb8;
	[tilespmem:$0x1C580] =	vst v63  }
0xb4: {  	_ = 	snop  }
0xb5: {  	[spmem:s3] =	stream.indirect.scatter.add.f32 [tilespmem:s13], [sflag:$0x9], $0x1, s31, s0, $0xb8;
	[tilespmem:$0x1C580] =	vst v63  }
0xb6: {  	_ =	swait.ge [sflag:s29], $0x80  }
0xb7: {  	[sflag:s29] =	ssyncset.done $0x0  }
0xb8: {  	[sflag:s29] =	ssyncadd.s32 $0xFFFFFF80  }
0xb9: {  	_ =	swait.ge [sflag:s14], $0x4000  }
0xba: {  	s19 =	rddreg [dreg:$0xb]  }
0xbb: {  	p0 =	por $0x0, $0x0;
	[sflag:s14] =	ssyncset.done $0x0;
	s20 =	rddreg [dreg:$0xa]  }
0xbc: {  	[sflag:s14] =	ssyncadd.s32 $0xFFFFC000;
	s21 =	sadd.s32 @!p0 $0x0, s19;
	s19 =	simm.s32 @!p0 $0x0  }
0xbd: {  	[tilespmem:s19], [sflag:$0x1] =	stream.linear.gather @!p0 [hbm4b:s21+s19], $0x80, $0x38;
	[tilespmem:$0x1C580] =	vst v63  }
0xbe: {  	s20 =	sadd.s32 @!p0 $0x0, s20;
	s21 =	simm.s32 @!p0 $0x200  }
0xbf: {  	[tilespmem:s21], [sflag:$0x1] =	stream.linear.gather @!p0 [hbm4b:s20+s19], $0x80, $0x38;
	[tilespmem:$0x1C580] =	vst v63  }
0xc0: {  	_ =	swait.ge [sflag:s15], $0x80  }
0xc1: {  	[sflag:s15] =	ssyncset.done $0x0  }
0xc2: {  	[sflag:s15] =	ssyncadd.s32 $0xFFFFFF80  }
0xc3: {  	_ =	swait.ge [sflag:s15], $0x80  }
0xc4: {  	[sflag:s15] =	ssyncset.done $0x0  }
0xc5: {  	[sflag:s15] =	ssyncadd.s32 $0xFFFFFF80  }
0xc6: {  	[tilespmem:s28], [sflag:$0x5] =	stream.indirect.gather [hbm4b:s1+s0], $0x80, s5, s0, $0xb8;
	[tilespmem:$0x1C580] =	vst v63  }
0xc7: {  	_ =	swait.ge [sflag:s16], $0x4000  }
0xc8: {  	[sflag:s16] =	ssyncset.done $0x0  }
0xc9: {  	[sflag:s16] =	ssyncadd.s32 $0xFFFFC000  }
0xca: {  	[spmem:s2] =	stream.indirect.scatter.add.f32 [tilespmem:s11], [sflag:$0x8], $0x80, s30, s0, $0xb8;
	[tilespmem:$0x1C580] =	vst v63  }
0xcb: {  	_ = 	snop  }
0xcc: {  	[spmem:s3] =	stream.indirect.scatter.add.f32 [tilespmem:s13], [sflag:$0x9], $0x1, s30, s0, $0xb8;
	[tilespmem:$0x1C580] =	vst v63  }
0xcd: {  	_ =	swait.ge [sflag:s29], $0x80  }
0xce: {  	[sflag:s29] =	ssyncset.done $0x0  }
0xcf: {  	[sflag:s29] =	ssyncadd.s32 $0xFFFFFF80  }
0xd0: {  	_ =	swait.ge [sflag:s17], $0x4000  }
0xd1: {  	s22 =	simm.s32 @!p0 $0x80;
	s20 =	rddreg [dreg:$0x9];
	[sflag:s17] =	ssyncset.done $0x0  }
0xd2: {  	s21 =	rddreg [dreg:$0x8];
	[sflag:s17] =	ssyncadd.s32 $0xFFFFC000;
	s20 =	sadd.s32 @!p0 $0x0, s20  }
0xd3: {  	[tilespmem:s22], [sflag:$0x2] =	stream.linear.gather @!p0 [hbm4b:s20+s19], $0x80, $0x38;
	[tilespmem:$0x1C580] =	vst v63  }
0xd4: {  	s20 =	sadd.s32 @!p0 $0x0, s21;
	s21 =	simm.s32 @!p0 $0x280  }
0xd5: {  	[tilespmem:s21], [sflag:$0x2] =	stream.linear.gather @!p0 [hbm4b:s20+s19], $0x80, $0x38;
	[tilespmem:$0x1C580] =	vst v63  }
0xd6: {  	_ =	swait.ge [sflag:s18], $0x80  }
0xd7: {  	[sflag:s18] =	ssyncset.done $0x0  }
0xd8: {  	[sflag:s18] =	ssyncadd.s32 $0xFFFFFF80  }
0xd9: {  	_ =	swait.ge [sflag:s18], $0x80  }
0xda: {  	[sflag:s18] =	ssyncset.done $0x0  }
0xdb: {  	[sflag:s18] =	ssyncadd.s32 $0xFFFFFF80  }
0xdc: {  	[tilespmem:s11], [sflag:$0x6] =	stream.indirect.gather [hbm4b:s1+s0], $0x80, s7, s0, $0xb8;
	[tilespmem:$0x1C580] =	vst v63  }
0xdd: {  	_ =	swait.ge [sflag:s12], $0x4000  }
0xde: {  	[sflag:s12] =	ssyncset.done $0x0  }
0xdf: {  	[sflag:s12] =	ssyncadd.s32 $0xFFFFC000  }
0xe0: {  	[spmem:s2] =	stream.indirect.scatter.add.f32 [tilespmem:s28], [sflag:$0x7], $0x80, s6, s0, $0xb8;
	[tilespmem:$0x1C580] =	vst v63  }
0xe1: {  	_ = 	snop  }
0xe2: {  	[spmem:s3] =	stream.indirect.scatter.add.f32 [tilespmem:s13], [sflag:$0x9], $0x1, s6, s0, $0xb8;
	[tilespmem:$0x1C580] =	vst v63  }
0xe3: {  	_ =	swait.ge [sflag:s29], $0x80  }
0xe4: {  	[sflag:s29] =	ssyncset.done $0x0  }
0xe5: {  	[sflag:s29] =	ssyncadd.s32 $0xFFFFFF80  }
0xe6: {  	_ =	swait.ge [sflag:s14], $0x4000  }
0xe7: {  	s26 =	simm.s32 @!p0 $0x100;
	s20 =	rddreg [dreg:$0x7];
	[sflag:s14] =	ssyncset.done $0x0  }
0xe8: {  	s21 =	rddreg [dreg:$0x6];
	[sflag:s14] =	ssyncadd.s32 $0xFFFFC000;
	s20 =	sadd.s32 @!p0 $0x0, s20  }
0xe9: {  	[tilespmem:s26], [sflag:$0x3] =	stream.linear.gather @!p0 [hbm4b:s20+s19], $0x80, $0x38;
	[tilespmem:$0x1C580] =	vst v63  }
0xea: {  	s20 =	sadd.s32 @!p0 $0x0, s21;
	s21 =	simm.s32 @!p0 $0x300  }
0xeb: {  	[tilespmem:s21], [sflag:$0x3] =	stream.linear.gather @!p0 [hbm4b:s20+s19], $0x80, $0x38;
	[tilespmem:$0x1C580] =	vst v63  }
0xec: {  	s20 =	simm.s32 @!p0 $0x1  }
0xed: {  	_ =	swait.ge @!p0 [sflag:s20], $0x80  }
0xee: {  	[sflag:s20] =	ssyncset.done @!p0 $0x0  }
0xef: {  	[sflag:s20] =	ssyncadd.s32 @!p0 $0xFFFFFF80  }
0xf0: {  	_ =	swait.ge @!p0 [sflag:s20], $0x80  }
0xf1: {  	[sflag:s20] =	ssyncset.done @!p0 $0x0  }
0xf2: {  	[sflag:s20] =	ssyncadd.s32 @!p0 $0xFFFFFF80;
	s20 =	simm.s32 @!p0 $0x400  }
0xf3: {  	[tilespmem:s20], [sflag:$0x5] =	stream.indirect.gather @!p0 [hbm4b:s1+s22], $0x80, s19, s22, $0xb8;
	[tilespmem:$0x1C580] =	vst v63  }
0xf4: {  	_ =	swait.ge [sflag:s16], $0x4000  }
0xf5: {  	[sflag:s16] =	ssyncset.done $0x0  }
0xf6: {  	[sflag:s16] =	ssyncadd.s32 $0xFFFFC000  }
0xf7: {  	[spmem:s2] =	stream.indirect.scatter.add.f32 [tilespmem:s11], [sflag:$0x8], $0x80, s8, s0, $0xb8;
	[tilespmem:$0x1C580] =	vst v63  }
0xf8: {  	_ = 	snop  }
0xf9: {  	[spmem:s3] =	stream.indirect.scatter.add.f32 [tilespmem:s13], [sflag:$0x9], $0x1, s8, s0, $0xb8;
	[tilespmem:$0x1C580] =	vst v63  }
0xfa: {  	_ =	swait.ge [sflag:s29], $0x80  }
0xfb: {  	s26 =	simm.s32 $0x80;
	s19 =	simm.s32 $0x40;
	[sflag:s29] =	ssyncset.done $0x0  }
.LBB2_4:
0xfc: {  	p1 =	seq.s32 s19, $0x0  }
0xfd: {  	[sflag:s29] =	ssyncadd.s32 $0xFFFFFF80;
	s21 =	simm.s32 @!p1 $0x8  }
0xfe: {  	s23 =	simm.s32 @!p1 $0x0;
	_ =	swait.ge @!p1 [sflag:s21], $0x4000  }
0xff: {  	s24 =	simm.s32 @!p1 $0x180;
	[sflag:s21] =	ssyncset.done @!p1 $0x0;
	s22 =	rddreg [dreg:$0xc]  }
0x100: {  	[sflag:s21] =	ssyncadd.s32 @!p1 $0xFFFFC000;
	s21 =	rddreg [dreg:$0xd];
	s22 =	sadd.s32 @!p1 s19, s22  }
0x101: {  	[tilespmem:s24], [sflag:$0x4] =	stream.linear.gather @!p1 [hbm4b:s22+s23], $0x80, $0x38;
	[tilespmem:$0x1C580] =	vst v63  }
0x102: {  	s21 =	sadd.s32 @!p1 s19, s21;
	s22 =	simm.s32 @!p1 $0x380  }
0x103: {  	[tilespmem:s22], [sflag:$0x4] =	stream.linear.gather @!p1 [hbm4b:s21+s23], $0x80, $0x38;
	[tilespmem:$0x1C580] =	vst v63  }
0x104: {  	_ =	swait.ge [sflag:s10], $0x80  }
0x105: {  	[sflag:s10] =	ssyncset.done $0x0  }
0x106: {  	[sflag:s10] =	ssyncadd.s32 $0xFFFFFF80  }
0x107: {  	_ =	swait.ge [sflag:s10], $0x80  }
0x108: {  	[sflag:s10] =	ssyncset.done $0x0  }
0x109: {  	[sflag:s10] =	ssyncadd.s32 $0xFFFFFF80  }
0x10a: {  	[tilespmem:s11], [sflag:$0x6] =	stream.indirect.gather [hbm4b:s1+s0], $0x80, s0, s0, $0xb8;
	[tilespmem:$0x1C580] =	vst v63  }
0x10b: {  	_ =	swait.ge [sflag:s12], $0x4000  }
0x10c: {  	[sflag:s12] =	ssyncset.done $0x0  }
0x10d: {  	[sflag:s12] =	ssyncadd.s32 $0xFFFFC000  }
0x10e: {  	[spmem:s2] =	stream.indirect.scatter.add.f32 [tilespmem:s28], [sflag:$0x7], $0x80, s31, s0, $0xb8;
	[tilespmem:$0x1C580] =	vst v63  }
0x10f: {  	_ = 	snop  }
0x110: {  	[spmem:s3] =	stream.indirect.scatter.add.f32 [tilespmem:s13], [sflag:$0x9], $0x1, s31, s0, $0xb8;
	[tilespmem:$0x1C580] =	vst v63  }
0x111: {  	_ =	swait.ge [sflag:s29], $0x80  }
0x112: {  	[sflag:s29] =	ssyncset.done $0x0  }
0x113: {  	[sflag:s29] =	ssyncadd.s32 $0xFFFFFF80  }
0x114: {  	_ =	swait.ge [sflag:s14], $0x4000  }
0x115: {  	s21 =	rddreg [dreg:$0xb]  }
0x116: {  	p1 =	seq.s32 s19, $0x4C0;
	[sflag:s14] =	ssyncset.done $0x0;
	s22 =	rddreg [dreg:$0xa]  }
0x117: {  	[sflag:s14] =	ssyncadd.s32 $0xFFFFC000;
	s23 =	sadd.s32 @!p1 s19, s21;
	s21 =	simm.s32 @!p1 $0x0  }
0x118: {  	[tilespmem:s21], [sflag:$0x1] =	stream.linear.gather @!p1 [hbm4b:s23+s21], $0x80, $0x38;
	[tilespmem:$0x1C580] =	vst v63  }
0x119: {  	s22 =	sadd.s32 @!p1 s19, s22;
	s23 =	simm.s32 @!p1 $0x200  }
0x11a: {  	[tilespmem:s23], [sflag:$0x1] =	stream.linear.gather @!p1 [hbm4b:s22+s21], $0x80, $0x38;
	[tilespmem:$0x1C580] =	vst v63  }
0x11b: {  	_ =	swait.ge [sflag:s15], $0x80  }
0x11c: {  	[sflag:s15] =	ssyncset.done $0x0  }
0x11d: {  	[sflag:s15] =	ssyncadd.s32 $0xFFFFFF80  }
0x11e: {  	_ =	swait.ge [sflag:s15], $0x80  }
0x11f: {  	[sflag:s15] =	ssyncset.done $0x0  }
0x120: {  	[sflag:s15] =	ssyncadd.s32 $0xFFFFFF80  }
0x121: {  	[tilespmem:s28], [sflag:$0x5] =	stream.indirect.gather [hbm4b:s1+s0], $0x80, s5, s0, $0xb8;
	[tilespmem:$0x1C580] =	vst v63  }
0x122: {  	_ =	swait.ge [sflag:s16], $0x4000  }
0x123: {  	[sflag:s16] =	ssyncset.done $0x0  }
0x124: {  	[sflag:s16] =	ssyncadd.s32 $0xFFFFC000  }
0x125: {  	[spmem:s2] =	stream.indirect.scatter.add.f32 [tilespmem:s11], [sflag:$0x8], $0x80, s30, s0, $0xb8;
	[tilespmem:$0x1C580] =	vst v63  }
0x126: {  	_ = 	snop  }
0x127: {  	[spmem:s3] =	stream.indirect.scatter.add.f32 [tilespmem:s13], [sflag:$0x9], $0x1, s30, s0, $0xb8;
	[tilespmem:$0x1C580] =	vst v63  }
0x128: {  	_ =	swait.ge [sflag:s29], $0x80  }
0x129: {  	[sflag:s29] =	ssyncset.done $0x0  }
0x12a: {  	[sflag:s29] =	ssyncadd.s32 $0xFFFFFF80  }
0x12b: {  	_ =	swait.ge [sflag:s17], $0x4000  }
0x12c: {  	s22 =	rddreg [dreg:$0x9]  }
0x12d: {  	[sflag:s17] =	ssyncset.done $0x0;
	s23 =	rddreg [dreg:$0x8]  }
0x12e: {  	[sflag:s17] =	ssyncadd.s32 $0xFFFFC000;
	s24 =	sadd.s32 @!p1 s19, s22;
	s22 =	simm.s32 @!p1 $0x80  }
0x12f: {  	[tilespmem:s22], [sflag:$0x2] =	stream.linear.gather @!p1 [hbm4b:s24+s21], $0x80, $0x38;
	[tilespmem:$0x1C580] =	vst v63  }
0x130: {  	s23 =	sadd.s32 @!p1 s19, s23;
	s24 =	simm.s32 @!p1 $0x280  }
0x131: {  	[tilespmem:s24], [sflag:$0x2] =	stream.linear.gather @!p1 [hbm4b:s23+s21], $0x80, $0x38;
	[tilespmem:$0x1C580] =	vst v63  }
0x132: {  	_ =	swait.ge [sflag:s18], $0x80  }
0x133: {  	[sflag:s18] =	ssyncset.done $0x0  }
0x134: {  	[sflag:s18] =	ssyncadd.s32 $0xFFFFFF80  }
0x135: {  	_ =	swait.ge [sflag:s18], $0x80  }
0x136: {  	[sflag:s18] =	ssyncset.done $0x0  }
0x137: {  	[sflag:s18] =	ssyncadd.s32 $0xFFFFFF80  }
0x138: {  	[tilespmem:s11], [sflag:$0x6] =	stream.indirect.gather [hbm4b:s1+s0], $0x80, s7, s0, $0xb8;
	[tilespmem:$0x1C580] =	vst v63  }
0x139: {  	_ =	swait.ge [sflag:s12], $0x4000  }
0x13a: {  	[sflag:s12] =	ssyncset.done $0x0  }
0x13b: {  	[sflag:s12] =	ssyncadd.s32 $0xFFFFC000  }
0x13c: {  	[spmem:s2] =	stream.indirect.scatter.add.f32 [tilespmem:s28], [sflag:$0x7], $0x80, s6, s0, $0xb8;
	[tilespmem:$0x1C580] =	vst v63  }
0x13d: {  	_ = 	snop  }
0x13e: {  	[spmem:s3] =	stream.indirect.scatter.add.f32 [tilespmem:s13], [sflag:$0x9], $0x1, s6, s0, $0xb8;
	[tilespmem:$0x1C580] =	vst v63  }
0x13f: {  	_ =	swait.ge [sflag:s29], $0x80  }
0x140: {  	[sflag:s29] =	ssyncset.done $0x0  }
0x141: {  	[sflag:s29] =	ssyncadd.s32 $0xFFFFFF80  }
0x142: {  	_ =	swait.ge [sflag:s14], $0x4000  }
0x143: {  	s25 =	simm.s32 @!p1 $0x100;
	s23 =	rddreg [dreg:$0x7];
	[sflag:s14] =	ssyncset.done $0x0  }
0x144: {  	s24 =	rddreg [dreg:$0x6];
	[sflag:s14] =	ssyncadd.s32 $0xFFFFC000;
	s23 =	sadd.s32 @!p1 s19, s23  }
0x145: {  	[tilespmem:s25], [sflag:$0x3] =	stream.linear.gather @!p1 [hbm4b:s23+s21], $0x80, $0x38;
	[tilespmem:$0x1C580] =	vst v63  }
0x146: {  	s19 =	sadd.s32 @!p1 s19, s24;
	s24 =	simm.s32 @!p1 $0x1;
	s23 =	simm.s32 @!p1 $0x300  }
0x147: {  	[tilespmem:s23], [sflag:$0x3] =	stream.linear.gather @!p1 [hbm4b:s19+s21], $0x80, $0x38;
	[tilespmem:$0x1C580] =	vst v63  }
0x148: {  	_ =	swait.ge @!p1 [sflag:s24], $0x80  }
0x149: {  	[sflag:s24] =	ssyncset.done @!p1 $0x0  }
0x14a: {  	[sflag:s24] =	ssyncadd.s32 @!p1 $0xFFFFFF80  }
0x14b: {  	_ =	swait.ge @!p1 [sflag:s24], $0x80  }
0x14c: {  	s20 =	smov.u32 s26;
	[sflag:s24] =	ssyncset.done @!p1 $0x0  }
0x14d: {  	s19 =	smov.u32 s20;
	s20 =	simm.s32 @!p1 $0x400;
	[sflag:s24] =	ssyncadd.s32 @!p1 $0xFFFFFF80  }
0x14e: {  	[tilespmem:s20], [sflag:$0x5] =	stream.indirect.gather @!p1 [hbm4b:s1+s22], $0x80, s21, s22, $0xb8;
	[tilespmem:$0x1C580] =	vst v63  }
0x14f: {  	_ =	swait.ge [sflag:s16], $0x4000  }
0x150: {  	s26 =	sadd.s32 $0x40, s26;
	[sflag:s16] =	ssyncset.done $0x0  }
0x151: {  	p0 =	sne.s32 s26, $0x500;
	[sflag:s16] =	ssyncadd.s32 $0xFFFFC000  }
0x152: {  	[spmem:s2] =	stream.indirect.scatter.add.f32 [tilespmem:s11], [sflag:$0x8], $0x80, s8, s0, $0xb8;
	[tilespmem:$0x1C580] =	vst v63  }
.Ltmp1:
0x153: {  	_ = 	snop;
	(pc) =	sbr.rel @p0 .LBB2_4-.Ltmp1, $4  }
0x154: {  	_ = 	snop  }
0x155: {  	[spmem:s3] =	stream.indirect.scatter.add.f32 [tilespmem:s13], [sflag:$0x9], $0x1, s8, s0, $0xb8;
	[tilespmem:$0x1C580] =	vst v63  }
0x156: {  	_ =	swait.ge [sflag:s29], $0x80  }
0x157: {  	[sflag:s29] =	ssyncset.done $0x0  }
0x158: {  	p0 =	seq.s32 s19, $0x0  }
0x159: {  	[sflag:s29] =	ssyncadd.s32 $0xFFFFFF80;
	s20 =	simm.s32 @!p0 $0x8  }
0x15a: {  	s22 =	simm.s32 @!p0 $0x0;
	_ =	swait.ge @!p0 [sflag:s20], $0x4000  }
0x15b: {  	s23 =	simm.s32 @!p0 $0x180;
	s21 =	rddreg [dreg:$0xc];
	[sflag:s20] =	ssyncset.done @!p0 $0x0  }
0x15c: {  	[sflag:s20] =	ssyncadd.s32 @!p0 $0xFFFFC000;
	s20 =	rddreg [dreg:$0xd];
	s21 =	sadd.s32 @!p0 s19, s21  }
0x15d: {  	[tilespmem:s23], [sflag:$0x4] =	stream.linear.gather @!p0 [hbm4b:s21+s22], $0x80, $0x38;
	[tilespmem:$0x1C580] =	vst v63  }
0x15e: {  	s20 =	sadd.s32 @!p0 s19, s20;
	s21 =	simm.s32 @!p0 $0x380  }
0x15f: {  	[tilespmem:s21], [sflag:$0x4] =	stream.linear.gather @!p0 [hbm4b:s20+s22], $0x80, $0x38;
	[tilespmem:$0x1C580] =	vst v63  }
0x160: {  	_ =	swait.ge [sflag:s10], $0x80  }
0x161: {  	[sflag:s10] =	ssyncset.done $0x0  }
0x162: {  	[sflag:s10] =	ssyncadd.s32 $0xFFFFFF80  }
0x163: {  	_ =	swait.ge [sflag:s10], $0x80  }
0x164: {  	[sflag:s10] =	ssyncset.done $0x0  }
0x165: {  	[sflag:s10] =	ssyncadd.s32 $0xFFFFFF80  }
0x166: {  	[tilespmem:s11], [sflag:$0x6] =	stream.indirect.gather [hbm4b:s1+s0], $0x80, s0, s0, $0xb8;
	[tilespmem:$0x1C580] =	vst v63  }
0x167: {  	_ =	swait.ge [sflag:s12], $0x4000  }
0x168: {  	[sflag:s12] =	ssyncset.done $0x0  }
0x169: {  	[sflag:s12] =	ssyncadd.s32 $0xFFFFC000  }
0x16a: {  	[spmem:s2] =	stream.indirect.scatter.add.f32 [tilespmem:s28], [sflag:$0x7], $0x80, s31, s0, $0xb8;
	[tilespmem:$0x1C580] =	vst v63  }
0x16b: {  	_ = 	snop  }
0x16c: {  	[spmem:s3] =	stream.indirect.scatter.add.f32 [tilespmem:s13], [sflag:$0x9], $0x1, s31, s0, $0xb8;
	[tilespmem:$0x1C580] =	vst v63  }
0x16d: {  	_ =	swait.ge [sflag:s29], $0x80  }
0x16e: {  	[sflag:s29] =	ssyncset.done $0x0  }
0x16f: {  	[sflag:s29] =	ssyncadd.s32 $0xFFFFFF80  }
0x170: {  	_ =	swait.ge [sflag:s14], $0x4000  }
0x171: {  	s20 =	rddreg [dreg:$0xb]  }
0x172: {  	p0 =	seq.s32 s19, $0x4C0;
	[sflag:s14] =	ssyncset.done $0x0;
	s21 =	rddreg [dreg:$0xa]  }
0x173: {  	[sflag:s14] =	ssyncadd.s32 $0xFFFFC000;
	s22 =	sadd.s32 @!p0 s19, s20;
	s20 =	simm.s32 @!p0 $0x0  }
0x174: {  	[tilespmem:s20], [sflag:$0x1] =	stream.linear.gather @!p0 [hbm4b:s22+s20], $0x80, $0x38;
	[tilespmem:$0x1C580] =	vst v63  }
0x175: {  	s21 =	sadd.s32 @!p0 s19, s21;
	s22 =	simm.s32 @!p0 $0x200  }
0x176: {  	[tilespmem:s22], [sflag:$0x1] =	stream.linear.gather @!p0 [hbm4b:s21+s20], $0x80, $0x38;
	[tilespmem:$0x1C580] =	vst v63  }
0x177: {  	_ =	swait.ge [sflag:s15], $0x80  }
0x178: {  	[sflag:s15] =	ssyncset.done $0x0  }
0x179: {  	[sflag:s15] =	ssyncadd.s32 $0xFFFFFF80  }
0x17a: {  	_ =	swait.ge [sflag:s15], $0x80  }
0x17b: {  	[sflag:s15] =	ssyncset.done $0x0  }
0x17c: {  	[sflag:s15] =	ssyncadd.s32 $0xFFFFFF80  }
0x17d: {  	[tilespmem:s28], [sflag:$0x5] =	stream.indirect.gather [hbm4b:s1+s0], $0x80, s5, s0, $0xb8;
	[tilespmem:$0x1C580] =	vst v63  }
0x17e: {  	_ =	swait.ge [sflag:s16], $0x4000  }
0x17f: {  	[sflag:s16] =	ssyncset.done $0x0  }
0x180: {  	[sflag:s16] =	ssyncadd.s32 $0xFFFFC000  }
0x181: {  	[spmem:s2] =	stream.indirect.scatter.add.f32 [tilespmem:s11], [sflag:$0x8], $0x80, s30, s0, $0xb8;
	[tilespmem:$0x1C580] =	vst v63  }
0x182: {  	_ = 	snop  }
0x183: {  	[spmem:s3] =	stream.indirect.scatter.add.f32 [tilespmem:s13], [sflag:$0x9], $0x1, s30, s0, $0xb8;
	[tilespmem:$0x1C580] =	vst v63  }
0x184: {  	_ =	swait.ge [sflag:s29], $0x80  }
0x185: {  	[sflag:s29] =	ssyncset.done $0x0  }
0x186: {  	[sflag:s29] =	ssyncadd.s32 $0xFFFFFF80  }
0x187: {  	_ =	swait.ge [sflag:s17], $0x4000  }
0x188: {  	s23 =	simm.s32 @!p0 $0x80;
	s21 =	rddreg [dreg:$0x9];
	[sflag:s17] =	ssyncset.done $0x0  }
0x189: {  	s22 =	rddreg [dreg:$0x8];
	[sflag:s17] =	ssyncadd.s32 $0xFFFFC000;
	s21 =	sadd.s32 @!p0 s19, s21  }
0x18a: {  	[tilespmem:s23], [sflag:$0x2] =	stream.linear.gather @!p0 [hbm4b:s21+s20], $0x80, $0x38;
	[tilespmem:$0x1C580] =	vst v63  }
0x18b: {  	s21 =	sadd.s32 @!p0 s19, s22;
	s22 =	simm.s32 @!p0 $0x280  }
0x18c: {  	[tilespmem:s22], [sflag:$0x2] =	stream.linear.gather @!p0 [hbm4b:s21+s20], $0x80, $0x38;
	[tilespmem:$0x1C580] =	vst v63  }
0x18d: {  	_ =	swait.ge [sflag:s18], $0x80  }
0x18e: {  	[sflag:s18] =	ssyncset.done $0x0  }
0x18f: {  	[sflag:s18] =	ssyncadd.s32 $0xFFFFFF80  }
0x190: {  	_ =	swait.ge [sflag:s18], $0x80  }
0x191: {  	[sflag:s18] =	ssyncset.done $0x0  }
0x192: {  	[sflag:s18] =	ssyncadd.s32 $0xFFFFFF80  }
0x193: {  	[tilespmem:s11], [sflag:$0x6] =	stream.indirect.gather [hbm4b:s1+s0], $0x80, s7, s0, $0xb8;
	[tilespmem:$0x1C580] =	vst v63  }
0x194: {  	_ =	swait.ge [sflag:s12], $0x4000  }
0x195: {  	[sflag:s12] =	ssyncset.done $0x0  }
0x196: {  	[sflag:s12] =	ssyncadd.s32 $0xFFFFC000  }
0x197: {  	[spmem:s2] =	stream.indirect.scatter.add.f32 [tilespmem:s28], [sflag:$0x7], $0x80, s6, s0, $0xb8;
	[tilespmem:$0x1C580] =	vst v63  }
0x198: {  	_ = 	snop  }
0x199: {  	[spmem:s3] =	stream.indirect.scatter.add.f32 [tilespmem:s13], [sflag:$0x9], $0x1, s6, s0, $0xb8;
	[tilespmem:$0x1C580] =	vst v63  }
0x19a: {  	_ =	swait.ge [sflag:s29], $0x80  }
0x19b: {  	[sflag:s29] =	ssyncset.done $0x0  }
0x19c: {  	[sflag:s29] =	ssyncadd.s32 $0xFFFFFF80  }
0x19d: {  	_ =	swait.ge [sflag:s14], $0x4000  }
0x19e: {  	s24 =	simm.s32 @!p0 $0x100;
	s21 =	rddreg [dreg:$0x7];
	[sflag:s14] =	ssyncset.done $0x0  }
0x19f: {  	s22 =	rddreg [dreg:$0x6];
	[sflag:s14] =	ssyncadd.s32 $0xFFFFC000;
	s21 =	sadd.s32 @!p0 s19, s21  }
0x1a0: {  	[tilespmem:s24], [sflag:$0x3] =	stream.linear.gather @!p0 [hbm4b:s21+s20], $0x80, $0x38;
	[tilespmem:$0x1C580] =	vst v63  }
0x1a1: {  	s19 =	sadd.s32 @!p0 s19, s22;
	s21 =	simm.s32 @!p0 $0x300  }
0x1a2: {  	[tilespmem:s21], [sflag:$0x3] =	stream.linear.gather @!p0 [hbm4b:s19+s20], $0x80, $0x38;
	[tilespmem:$0x1C580] =	vst v63  }
0x1a3: {  	s19 =	simm.s32 @!p0 $0x1  }
0x1a4: {  	_ =	swait.ge @!p0 [sflag:s19], $0x80  }
0x1a5: {  	[sflag:s19] =	ssyncset.done @!p0 $0x0  }
0x1a6: {  	[sflag:s19] =	ssyncadd.s32 @!p0 $0xFFFFFF80  }
0x1a7: {  	_ =	swait.ge @!p0 [sflag:s19], $0x80  }
0x1a8: {  	[sflag:s19] =	ssyncset.done @!p0 $0x0  }
0x1a9: {  	[sflag:s19] =	ssyncadd.s32 @!p0 $0xFFFFFF80;
	s19 =	simm.s32 @!p0 $0x400  }
0x1aa: {  	[tilespmem:s19], [sflag:$0x5] =	stream.indirect.gather @!p0 [hbm4b:s1+s23], $0x80, s20, s23, $0xb8;
	[tilespmem:$0x1C580] =	vst v63  }
0x1ab: {  	_ =	swait.ge [sflag:s16], $0x4000  }
0x1ac: {  	[sflag:s16] =	ssyncset.done $0x0  }
0x1ad: {  	[sflag:s16] =	ssyncadd.s32 $0xFFFFC000  }
0x1ae: {  	[spmem:s2] =	stream.indirect.scatter.add.f32 [tilespmem:s11], [sflag:$0x8], $0x80, s8, s0, $0xb8;
	[tilespmem:$0x1C580] =	vst v63  }
0x1af: {  	_ = 	snop  }
0x1b0: {  	[spmem:s3] =	stream.indirect.scatter.add.f32 [tilespmem:s13], [sflag:$0x9], $0x1, s8, s0, $0xb8;
	[tilespmem:$0x1C580] =	vst v63  }
0x1b1: {  	_ =	swait.ge [sflag:s29], $0x80  }
0x1b2: {  	[sflag:s29] =	ssyncset.done $0x0  }
0x1b3: {  	[sflag:s29] =	ssyncadd.s32 $0xFFFFFF80  }
0x1b4: {  	_ =	swait.ge [sflag:s17], $0x4000  }
0x1b5: {  	[sflag:s17] =	ssyncset.done $0x0  }
0x1b6: {  	[sflag:s17] =	ssyncadd.s32 $0xFFFFC000  }
0x1b7: {  	s26 =	stileid.u32;
	[bflag:$0x0] =	sbarrier.arrive $0xFFFF  }
0x1b8: {  	s19 =	sshll.u32 s26, $0x6;
	s4 =	rddreg [dreg:$0x1c]  }
0x1b9: {  	s19 =	sor.u32 $0x1C09, s19;
	s9 =	rddreg [dreg:$0x16];
	s4 =	sshrl.u32 s4, $0x3  }
0x1ba: {  	[hbm:s9], [sflag:s19] =	dma.local [spmem:s4], $0x800  }
0x1bb: {  	_ =	swait.ge [sflag:s29], $0x800  }
0x1bc: {  	[sflag:s29] =	ssyncset.done $0x0;
	s23 =	rddreg [dreg:$0x1d]  }
0x1bd: {  	s24 =	rddreg [dreg:$0x17];
	[sflag:s29] =	ssyncadd.s32 $0xFFFFF800;
	s22 =	sshrl.u32 s23, $0x3  }
0x1be: {  	[hbm:s24], [sflag:s19] =	dma.local [spmem:s22], $0x800  }
0x1bf: {  	_ =	swait.ge [sflag:s29], $0x800  }
0x1c0: {  	[sflag:s29] =	ssyncset.done $0x0;
	s24 =	rddreg [dreg:$0x1e]  }
0x1c1: {  	s26 =	rddreg [dreg:$0x18];
	[sflag:s29] =	ssyncadd.s32 $0xFFFFF800;
	s25 =	sshrl.u32 s24, $0x3  }
0x1c2: {  	[hbm:s26], [sflag:s19] =	dma.local [spmem:s25], $0x800  }
0x1c3: {  	_ =	swait.ge [sflag:s29], $0x800  }
0x1c4: {  	[sflag:s29] =	ssyncset.done $0x0;
	s25 =	rddreg [dreg:$0x1f]  }
0x1c5: {  	s9 =	rddreg [dreg:$0x19];
	[sflag:s29] =	ssyncadd.s32 $0xFFFFF800;
	s4 =	sshrl.u32 s25, $0x3  }
0x1c6: {  	[hbm:s9], [sflag:s19] =	dma.local [spmem:s4], $0x800  }
0x1c7: {  	_ =	swait.ge [sflag:s29], $0x800  }
0x1c8: {  	s26 =	sld [smem:$0x7FD];
	_ =	sdelay $0x1  }
0x1c9: {  	[sflag:s29] =	ssyncset.done $0x0  }
0x1ca: {  	s4 =	rddreg [dreg:$0x1a];
	[sflag:s29] =	ssyncadd.s32 $0xFFFFF800;
	s22 =	sshrl.u32 s26, $0x3  }
0x1cb: {  	[hbm:s4], [sflag:s19] =	dma.local [spmem:s22], $0x780  }
0x1cc: {  	_ =	swait.ge [sflag:s29], $0x780  }
0x1cd: {  	s9 =	sld [smem:$0x7FB]  }
0x1ce: {  	s4 =	simm.s32 $0x1  }
0x1cf: {  	s22 =	simm.s32 $0x10;
	[sflag:s29] =	ssyncset.done $0x0;
	s21 =	rddreg [dreg:$0x1b]  }
0x1d0: {  	[sflag:s29] =	ssyncadd.s32 $0xFFFFF880;
	s20 =	sshrl.u32 s9, $0x3;
	s9 =	simm.s32 $0x20  }
0x1d1: {  	[hbm:s21@s9], [sflag:s19] =	dma.strided [spmem:s20@s22], $0x50, s4, $0x10   }
0x1d2: {  	_ =	swait.ge [sflag:s29], $0x50  }
0x1d3: {  	s21 =	sld [smem:$0x7FA]  }
0x1d4: {  	s22 =	sld [smem:$0x7FC];
	_ =	sdelay $0x1  }
0x1d5: {  	s4 =	sadd.s32 $0x1, s21  }
0x1d6: {  	p0 =	sne.s32 s4, s22  }
.Ltmp2:
0x1d7: {  	_ = 	snop;
	(pc) =	sbr.rel @p0 .LBB2_1-.Ltmp2, $3  }
0x1d8: {  	_ =	sdelay $0x1  }
0x1d9: {  	[sflag:s29] =	ssyncset.done $0x0  }
0x1da: {  	s9 =	simm.s32 $0x1;
	[sflag:s29] =	ssyncadd.s32 $0xFFFFFFB0  }
0x1db: {  	_ =	sfence.sel $0x180000  }
0x1dc: {  	[bflag:$0x0] =	sbarrier.arrive $0xFFFF  }
0x1dd: {  	_ =	strace $0x90000047  }
0x1de: {  	s0 =	stileid.u32;
	[bflag:$0x2] =	sbarrier.arrive $0xFFFF  }
0x1df: {  	p0 =	sne.s32 s0, $0x0;
	s0 =	rddreg [dreg:$0x5]  }
0x1e0: {  	s0 =	sadd.s32 @!p0 $0x100000, s0  }
0x1e1: {  	[sflag:s0] =	ssyncadd.tile.s32 @!p0 $0x1;
	_ =	shalt  }
.Lfunc_end2:
_tile_overlayer_lowered:
.L_overlay_start_2:
0x1e2: {  	(tag) =	ssettag $0x2  }
0x1e3: {  	s0 =	rddreg [dreg:$0x0];
	s2 =	stileid.u32  }
0x1e4: {  	s1 =	rddreg [dreg:$0x1];
	p0 =	sne.s32 s2, $0x0  }
0x1e5: {  	s3 =	rddreg [dreg:$0x2];
	[bflag:$0x3] =	sbarrier.arrive $0xFFFF;
	s2 =	simm.s32 @!p0 $0x1C09  }
0x1e6: {  	[timem:s3], [sflag:s2] =	dma.local @!p0 [hbm:s0], s1  }
0x1e7: {  	s0 =	simm.s32 @!p0 $0x9  }
0x1e8: {  	_ =	swait.ge @!p0 [sflag:s0], s1  }
0x1e9: {  	s1 =	ssub.s32 @!p0 $0x0, s1;
	[sflag:s0] =	ssyncset.done @!p0 $0x0  }
0x1ea: {  	[sflag:s0] =	ssyncadd.s32 @!p0 s1  }
0x1eb: {  	[bflag:$0x3] =	sbarrier.arrive $0xFFFF  }
0x1ec: {  	_ =	shalt  }

// kernel: kernel.9.cloned.1.call-start
scs
__scs_entry_jumppad:
0x0: {  	(pc) =	sbr.rel $0x88, $3  }
0x1: {  	(tag) =	ssettag $0x0;
	lr =	simm.s32 $0x1  }
0x2: {  	[smem:$0x3F99] =	sst lr;
	_ =	strace $0xD0000000  }
0x3: {  	_ = 	snop  }
0x4: {  	_ = 	snop  }
0x5: {  	_ = 	snop  }
0x6: {  	_ = 	snop  }
0x7: {  	_ = 	snop  }
__scs_overlays_trampoline_lowered:
0x8: {  	[smem:$0x3FA8] =	sst s0  }
0x9: {  	[smem:$0x3FA9] =	sst s1  }
0xa: {  	[smem:$0x3FAA] =	sst s2  }
0xb: {  	[smem:$0x3FAB] =	sst s3  }
0xc: {  	[smem:$0x3FAC] =	sst s4  }
0xd: {  	[smem:$0x3FAD] =	sst s5  }
0xe: {  	[smem:$0x3FAE] =	sst s6  }
0xf: {  	[smem:$0x3FAF] =	sst s7  }
0x10: {  	[smem:$0x3FB0] =	sst s8  }
0x11: {  	[smem:$0x3FB1] =	sst s9;
	s0 =	simm.s32 @!p0 $0x0  }
0x12: {  	s1 =	sld [smem:$0x3F97];
	s0 =	simm.s32 @p0 $0x1  }
0x13: {  	[smem:$0x3FB2] =	sst s0;
	s0 =	simm.s32 @!p1 $0x0  }
0x14: {  	s2 =	sld [smem:$0x3F96];
	s0 =	simm.s32 @p1 $0x1  }
0x15: {  	[smem:$0x3FB3] =	sst s0;
	s0 =	simm.s32 @!p2 $0x0  }
0x16: {  	s3 =	sld [smem:$0x3FDB];
	s0 =	simm.s32 @p2 $0x1  }
0x17: {  	s4 =	simm.s32 $0x1BF5;
	[smem:$0x3FB5] =	sst s0  }
0x18: {  	s0 =	sld [smem:$0x3F98];
	_ =	swait.ge [sflag:s4], $0x0  }
0x19: {  	s7 =	sld [smem:$0x3F99]  }
0x1a: {  	s8 =	sadd.s32 $0xFFFFE003, lr  }
0x1b: {  	s9 =	sadd.s32 $0xFFFFFEF7, lr;
	s5 =	simm.s32 $0xFFFFFFFF;
	p2 =	slt.u32 s8, $0xFFFFF086  }
0x1c: {  	p1 =	slt.u32 s9, $0xF7A;
	s5 =	simm.s32 @!p2 $0x0  }
0x1d: {  	s5 =	simm.s32 @p1 $0x1;
	p0 =	seq.s32 s7, s2  }
0x1e: {  	s7 =	smul.u32 @!p0 $0xF7A, s2;
	p2 =	seq.s32 @!p0 s5, $0x0  }
0x1f: {  	s9 =	smul.u32 $0xF7A, s1;
	s8 =	simm.s32 @!p0 $0x1BF5;
	p2 =	por !p2, p0  }
0x20: {  	[sflag:s8] =	ssyncset.s32 @!p0 $0xFFFFF086;
	s6 =	sadd.s32 @!p0 s3, s7;
	s7 =	simm.s32 @!p0 $0x108  }
0x21: {  	s3 =	sadd.s32 s3, s9;
	s6 =	sadd.s32 @!p0 $0x88, s6;
	s7 =	simm.s32 @p2 $0x1082  }
0x22: {  	[simem:s7], [sflag:s8] =	dma.local @!p0 [hbm:s6], $0xF7A  }
0x23: {  	s9 =	sor.u32 $0xD0000000, s2;
	s6 =	simm.s32 $0x108;
	_ =	swait.ge @!p0 [sflag:s8], $0x0  }
0x24: {  	s3 =	sadd.s32 $0x88, s3;
	s6 =	simm.s32 @!p1 $0x1082;
	[sflag:s4] =	ssyncset.s32 $0xFFFFF086  }
0x25: {  	[simem:s6], [sflag:s4] =	dma.local [hbm:s3], $0xF7A  }
0x26: {  	[smem:$0x3F99] =	sst s1;
	(tag) =	ssettag s2;
	_ =	strace s9  }
0x27: {  	s1 =	sld [smem:$0x3FA9]  }
0x28: {  	s2 =	sld [smem:$0x3FAA]  }
0x29: {  	s4 =	sld [smem:$0x3FAC]  }
0x2a: {  	p0 =	seq.s32 s5, $0x0;
	s5 =	sld [smem:$0x3FAD]  }
0x2b: {  	s6 =	sld [smem:$0x3FAE]  }
0x2c: {  	s7 =	sld [smem:$0x3FAF]  }
0x2d: {  	s3 =	simm.s32 $0x108;
	s8 =	sld [smem:$0x3FB0]  }
0x2e: {  	s3 =	simm.s32 @!p0 $0x1082;
	s9 =	sld [smem:$0x3FB1]  }
0x2f: {  	lr =	sadd.s32 s0, s3;
	s0 =	sld [smem:$0x3FA8]  }
0x30: {  	s3 =	sld [smem:$0x3FAB]  }
0x31: {  	[smem:$0x3FB4] =	sst s10  }
0x32: {  	s10 =	sld [smem:$0x3FB2];
	_ =	sdelay $0x3  }
0x33: {  	p0 =	seq.s32 s10, $0x1;
	s10 =	sld [smem:$0x3FB4];
	_ =	sdelay $0x3  }
0x34: {  	[smem:$0x3FB4] =	sst s10  }
0x35: {  	s10 =	sld [smem:$0x3FB3];
	_ =	sdelay $0x3  }
0x36: {  	p1 =	seq.s32 s10, $0x1;
	s10 =	sld [smem:$0x3FB4];
	_ =	sdelay $0x3  }
0x37: {  	[smem:$0x3FB4] =	sst s10  }
0x38: {  	s10 =	sld [smem:$0x3FB5]  }
0x39: {  	_ = 	snop;
	(pc) =	sbr.ind lr, $3  }
0x3a: {  	_ = 	snop  }
0x3b: {  	_ = 	snop  }
0x3c: {  	p2 =	seq.s32 s10, $0x1;
	s10 =	sld [smem:$0x3FB4]  }
0x3d: {  	_ =	shalt  }
0x3e: {  	_ =	shalt  }
0x3f: {  	_ =	shalt  }
0x40: {  	_ =	shalt  }
0x41: {  	_ =	shalt  }
0x42: {  	_ =	shalt  }
0x43: {  	_ =	shalt  }
0x44: {  	_ =	shalt  }
0x45: {  	_ =	shalt  }
0x46: {  	_ =	shalt  }
0x47: {  	_ =	shalt  }
0x48: {  	_ =	shalt  }
0x49: {  	_ =	shalt  }
0x4a: {  	_ =	shalt  }
0x4b: {  	_ =	shalt  }
0x4c: {  	_ =	shalt  }
0x4d: {  	_ =	shalt  }
0x4e: {  	_ =	shalt  }
0x4f: {  	_ =	shalt  }
0x50: {  	_ =	shalt  }
0x51: {  	_ =	shalt  }
0x52: {  	_ =	shalt  }
0x53: {  	_ =	shalt  }
0x54: {  	_ =	shalt  }
0x55: {  	_ =	shalt  }
0x56: {  	_ =	shalt  }
0x57: {  	_ =	shalt  }
0x58: {  	_ =	shalt  }
0x59: {  	_ =	shalt  }
0x5a: {  	_ =	shalt  }
0x5b: {  	_ =	shalt  }
0x5c: {  	_ =	shalt  }
0x5d: {  	_ =	shalt  }
0x5e: {  	_ =	shalt  }
0x5f: {  	_ =	shalt  }
0x60: {  	_ =	shalt  }
0x61: {  	_ =	shalt  }
0x62: {  	_ =	shalt  }
0x63: {  	_ =	shalt  }
0x64: {  	_ =	shalt  }
0x65: {  	_ =	shalt  }
0x66: {  	_ =	shalt  }
0x67: {  	_ =	shalt  }
0x68: {  	_ =	shalt  }
0x69: {  	_ =	shalt  }
0x6a: {  	_ =	shalt  }
0x6b: {  	_ =	shalt  }
0x6c: {  	_ =	shalt  }
0x6d: {  	_ =	shalt  }
0x6e: {  	_ =	shalt  }
0x6f: {  	_ =	shalt  }
0x70: {  	_ =	shalt  }
0x71: {  	_ =	shalt  }
0x72: {  	_ =	shalt  }
0x73: {  	_ =	shalt  }
0x74: {  	_ =	shalt  }
0x75: {  	_ =	shalt  }
0x76: {  	_ =	shalt  }
0x77: {  	_ =	shalt  }
0x78: {  	_ =	shalt  }
0x79: {  	_ =	shalt  }
0x7a: {  	_ =	shalt  }
0x7b: {  	_ =	shalt  }
0x7c: {  	_ =	shalt  }
0x7d: {  	_ =	shalt  }
0x7e: {  	_ =	shalt  }
0x7f: {  	_ =	shalt  }
0x80: {  	_ =	shalt  }
0x81: {  	_ =	shalt  }
0x82: {  	_ =	shalt  }
0x83: {  	_ =	shalt  }
0x84: {  	_ =	shalt  }
0x85: {  	_ =	shalt  }
0x86: {  	_ =	shalt  }
0x87: {  	_ =	shalt  }
.Lfunc_end0:
.L_simem_size_0:
called_computation.1_lowered:
.L_overlay_start_0:
0x88: {  	s2 =	sld [smem:$0x3FD9]  }
0x89: {  	s3 =	sld [smem:$0x3FFE];
	_ =	sdelay $0x1  }
0x8a: {  	s1 =	srdreg.scid  }
0x8b: {  	s0 =	sand.u32 $0x1, s1  }
0x8c: {  	s17 =	sshll.u32 s0, $0xA;
	s2 =	sadd.s32 s3, s2  }
0x8d: {  	s2 =	sadd.s32 s2, s17  }
0x8e: {  	[smem:$0x3FC0] =	sst s2  }
0x8f: {  	_ = 	snop  }
0x90: {  	s2 =	sld [smem:$0x3FD0];
	(tm) =	ssettm $0x1  }
0x91: {  	s18 =	sld [smem:$0x3FFB];
	_ =	sdelay $0x3  }
0x92: {  	_ =	strace s18  }
0x93: {  	s3 =	sld [smem:$0x3FFC];
	_ =	sdelay $0x3  }
0x94: {  	_ =	strace s3  }
0x95: {  	s3 =	sld [smem:$0x3FFD];
	_ =	sdelay $0x3  }
0x96: {  	_ =	strace s3  }
0x97: {  	_ =	strace $0x8FFFFFFF  }
0x98: {  	s19 =	sld [smem:$0x3FDB];
	_ =	sdelay $0x1  }
0x99: {  	s4 =	simm.s32 $_scs_section_size  }
0x9a: {  	s5 =	simm.s32 $_size__tile_overlayer_lowered;
	s6 =	simm.s32 $_tile_overlayer_lowered  }
0x9b: {  	s22 =	simm.s32 $0x1BFF;
	s21 =	sshll.u32 s6, $0x1;
	s3 =	sadd.s32 s4, s19  }
0x9c: {  	s7 =	simm.s32 $0x0;
	s20 =	sshll.u32 s5, $0x1;
	s5 =	sadd.s32 s21, s3  }
0x9d: {  	[timem:s7], [sflag:s22] =	dma.local [hbm:s5], s20  }
0x9e: {  	_ =	swait.ge [sflag:s22], s20  }
0x9f: {  	s4 =	ssub.s32 $0x0, s20;
	[sflag:s22] =	ssyncset.done $0x0  }
0xa0: {  	[sflag:s22] =	ssyncadd.s32 s4;
	_ =	sdelay $0x1  }
0xa1: {  	s23 =	simm.s32 $0x1B8B  }
0xa2: {  	_ =	swait.ge [sflag:s23], $0x1  }
0xa3: {  	[sflag:s23] =	ssyncset.done $0x0  }
0xa4: {  	s25 =	simm.s32 $0x1B8E;
	s24 =	sld [smem:$0x3FFE];
	[sflag:s23] =	ssyncadd.s32 $0xFFFFFFFF  }
0xa5: {  	s26 =	simm.s32 $execute0_lowered;
	[smem:$0x3FD2] =	sst s25  }
0xa6: {  	s5 =	sshll.u32 s26, $0x1;
	_ =	strace $0x80000049;
	[dreg:$0x1] =	wrdreg $0xFFFFFFFF  }
0xa7: {  	s28 =	simm.s32 $_size_execute0_lowered;
	s3 =	sadd.s32 s3, s5;
	[dreg:$0x0] =	wrdreg $0x0  }
0xa8: {  	s5 =	sshll.u32 s28, $0x1;
	[dreg:$0x2] =	wrdreg s3  }
0xa9: {  	[dreg:$0x3] =	wrdreg s5  }
0xaa: {  	[dreg:$0x4] =	wrdreg $0xC0  }
0xab: {  	_ =	task [dreg:s7], $0x5FFFF  }
0xac: {  	[dreg:$0x1] =	wrdreg $0xFFFFFFFF  }
0xad: {  	[dreg:$0x0] =	wrdreg $0x60  }
0xae: {  	[dreg:$0x2] =	wrdreg s2  }
0xaf: {  	[dreg:$0x3] =	wrdreg s24  }
0xb0: {  	[dreg:$0x4] =	wrdreg $0x84000  }
0xb1: {  	[dreg:$0x5] =	wrdreg $0x9  }
0xb2: {  	_ =	task.clear_ibuf [dreg:s7], $0x6FFFF;
	_ =	strace $0x90000049  }
0xb3: {  	s29 =	simm.s32 $0x9;
	_ =	strace $0x8000004B  }
0xb4: {  	_ =	swait.ge [sflag:s29], $0x1  }
0xb5: {  	[sflag:s29] =	ssyncadd.s32 $0xFFFFFFFF  }
0xb6: {  	_ =	strace $0x9000004B  }
0xb7: {  	_ =	sfence  }
0xb8: {  	s30 =	sld [smem:$0x0];
	_ =	sdelay $0x2  }
0xb9: {  	s31 =	sshll.u32 s1, $0xD;
	s1 =	sshrl.u32 s1, $0x2  }
0xba: {  	s3 =	sand.u32 $0x4000, s31;
	s1 =	sadd.s32 s1, s30  }
0xbb: {  	s0 =	sor.u32 s3, s0;
	s1 =	sshll.u32 s1, $0x11  }
0xbc: {  	s0 =	sor.u32 s1, s0  }
0xbd: {  	s0 =	sadd.s32 $0x8F2B, s0  }
0xbe: {  	[sflag:s0] =	ssyncadd.remote.s32 $0x1  }
0xbf: {  	_ =	sfence.sel $0xFFFF  }
0xc0: {  	[dreg:$0x0] =	wrdreg $0xFFFFFFFF;
	(pc) =	sbr.abs _section_cstart, $3  }
0xc1: {  	[dreg:$0x1] =	wrdreg $0xFFFFFFFF  }
0xc2: {  	_ =	task.clear_ibuf [dreg:s7], $0x2FFFF;
	_ =	strace $0x9FFFFFFF  }
0xc3: {  	(tm) =	ssettm $0x7FFFFFFF  }
tec
execute0_lowered:
.L_overlay_start_1:
0x0: {  	(tag) =	ssettag $0x1  }
0x1: {  	s1 =	rddreg [dreg:$0x0]  }
0x2: {  	s0 =	rddreg [dreg:$0x1]  }
0x3: {  	s2 =	rddreg [dreg:$0x2];
	s3 =	simm.s32 $0x0;
	s4 =	srdreg.scid  }
0x4: {  	s21 =	stileid.u32;
	s28 =	simm.s32 $0x80;
	s29 =	simm.s32 $0x280  }
0x5: {  	s30 =	simm.s32 $0x100;
	s31 =	simm.s32 $0x300;
	s9 =	smul.u32 $0x278, s21  }
0x6: {  	[smem:$0x7FF] =	sst s3;
	s4 =	sand.u32 $0x1, s4;
	s8 =	smul.u32 $0x4F000, s21  }
0x7: {  	s10 =	sadd.s32 $0xBE00, s0;
	s11 =	sadd.s32 $0x1E00, s0;
	s16 =	smul.u32 $0x2800, s21  }
0x8: {  	s5 =	smul.u32 $0x27800, s4;
	_ =	strace $0x8000004A;
	s6 =	ssub.s32 $0x2, s4  }
0x9: {  	s24 =	sshll.u32 s4, $0x4;
	s4 =	smul.u32 $0x28000, s4;
	s7 =	sshrl.u32 s6, $0x1  }
0xa: {  	s25 =	sshrl.u32 s8, $0x2;
	s13 =	sadd.s32 $0x80, s9;
	s26 =	sor.u32 s21, s24  }
0xb: {  	s14 =	sadd.s32 $0x100, s9;
	s15 =	sadd.s32 $0x180, s9;
	s0 =	sadd.s32 s5, s0  }
0xc: {  	s12 =	ssub.s32 s6, s7;
	s22 =	sadd.s32 s25, s2;
	s5 =	sshll.u32 s13, $0x7  }
0xd: {  	s6 =	sshll.u32 s14, $0x7;
	s17 =	sshll.u32 s15, $0x7;
	s18 =	smul.u32 $0x2800, s26  }
0xe: {  	s4 =	sadd.s32 s16, s4;
	s13 =	sshll.u32 s13, $0x4;
	s14 =	sshll.u32 s14, $0x4  }
0xf: {  	s7 =	sadd.s32 s6, s2;
	s24 =	sadd.s32 s17, s2;
	s17 =	sadd.s32 $0x200, s9  }
0x10: {  	s23 =	sadd.s32 s5, s2;
	s9 =	sshll.u32 s17, $0x7;
	[dreg:$0xc] =	wrdreg s7  }
0x11: {  	s16 =	sshrl.u32 s18, $0x3;
	[dreg:$0xd] =	wrdreg s24;
	s9 =	sadd.s32 s9, s2  }
0x12: {  	s8 =	sor.u32 $0x300, s4;
	s19 =	sadd.s32 s10, s16;
	[dreg:$0xe] =	wrdreg s9  }
0x13: {  	s18 =	sshrl.u32 s8, $0x3;
	s20 =	sadd.s32 s11, s16;
	[dreg:$0xf] =	wrdreg s19  }
0x14: {  	s8 =	sor.u32 $0x200, s4;
	[dreg:$0x10] =	wrdreg s20;
	s19 =	sadd.s32 s18, s11  }
0x15: {  	s25 =	sor.u32 $0x10, s16;
	s18 =	sadd.s32 s18, s10;
	[dreg:$0x4] =	wrdreg s19  }
0x16: {  	s20 =	sor.u32 $0x280, s4;
	s6 =	sadd.s32 s10, s25;
	[dreg:$0x5] =	wrdreg s18  }
0x17: {  	s9 =	sadd.s32 s11, s25;
	s19 =	sshrl.u32 s20, $0x3;
	[dreg:$0x11] =	wrdreg s6  }
0x18: {  	s4 =	sshrl.u32 s4, $0x3;
	[dreg:$0x12] =	wrdreg s9;
	s26 =	sadd.s32 s19, s11  }
0x19: {  	s18 =	sshrl.u32 s8, $0x3;
	s19 =	sadd.s32 s19, s10;
	[dreg:$0x6] =	wrdreg s26  }
0x1a: {  	s25 =	sadd.s32 s4, s10;
	s20 =	sadd.s32 s18, s11;
	[dreg:$0x7] =	wrdreg s19  }
0x1b: {  	s4 =	sadd.s32 s4, s11;
	s18 =	sadd.s32 s18, s10;
	[dreg:$0x8] =	wrdreg s20  }
0x1c: {  	s0 =	sadd.s32 $0x64000, s0;
	s4 =	sadd.s32 $0x30, s4;
	[dreg:$0x9] =	wrdreg s18  }
0x1d: {  	s26 =	sor.u32 $0x20, s16;
	s19 =	sadd.s32 $0x30, s25;
	s16 =	sor.u32 $0x30, s16  }
0x1e: {  	s18 =	sshll.u32 s17, $0x4;
	[dreg:$0xb] =	wrdreg s4;
	s25 =	sadd.s32 s14, s0  }
0x1f: {  	s4 =	simm.s32 $0x380;
	s14 =	simm.s32 $0x7;
	[dreg:$0xa] =	wrdreg s19  }
0x20: {  	s17 =	simm.s32 $0x8;
	s6 =	sadd.s32 s10, s26;
	[dreg:$0x1a] =	wrdreg s25  }
0x21: {  	s8 =	sadd.s32 s11, s26;
	s9 =	sadd.s32 s10, s16;
	[dreg:$0x13] =	wrdreg s6  }
0x22: {  	s10 =	sadd.s32 s11, s16;
	s11 =	smul.u32 $0x2780, s21;
	[dreg:$0x14] =	wrdreg s8  }
0x23: {  	s16 =	sshll.u32 s15, $0x4;
	s19 =	smax.u32 s12, $0x1;
	[dreg:$0x15] =	wrdreg s9  }
0x24: {  	s21 =	sadd.s32 s13, s0;
	s25 =	simm.s32 $0x9;
	[dreg:$0x16] =	wrdreg s10  }
0x25: {  	s12 =	simm.s32 $0x4400;
	s13 =	simm.s32 $0x5;
	[dreg:$0x17] =	wrdreg s19  }
0x26: {  	s15 =	simm.s32 $0x3;
	s19 =	simm.s32 $0x400;
	[dreg:$0x19] =	wrdreg s21  }
0x27: {  	s26 =	sadd.s32 s16, s0;
	s10 =	simm.s32 $0x1;
	s16 =	simm.s32 $0x6  }
0x28: {  	s20 =	sadd.s32 s11, s0;
	[dreg:$0x1b] =	wrdreg s26;
	s0 =	sadd.s32 s18, s0  }
0x29: {  	s26 =	simm.s32 $0x200;
	s11 =	simm.s32 $0x2;
	[dreg:$0x18] =	wrdreg s20  }
0x2a: {  	v0 =	vimm.f32 $0.0e+00;
	s18 =	simm.s32 $0x4;
	[dreg:$0x1c] =	wrdreg s0;
	s0 =	simm.s32 $0x180  }
.LBB2_1:
0x2b: {  	s20 =	simm.s32 $0x0;
	s21 =	simm.s32 $0x200  }
.LBB2_2:
0x2c: {  	p0 =	sne.s32 s21, $0xFE00;
	[tilespmem:s20+$0x470] =	vst v0  }
0x2d: {  	[tilespmem:s20+$0x400] =	vst v0  }
0x2e: {  	[tilespmem:s20+$0x410] =	vst v0  }
.Ltmp0:
0x2f: {  	[tilespmem:s20+$0x420] =	vst v0;
	(pc) =	sbr.rel @p0 .LBB2_2-.Ltmp0, $4  }
0x30: {  	[tilespmem:s20+$0x430] =	vst v0  }
0x31: {  	[tilespmem:s20+$0x440] =	vst v0  }
0x32: {  	[tilespmem:s20+$0x450] =	vst v0  }
0x33: {  	[tilespmem:s20+$0x460] =	vst v0;
	s20 =	sshra.s32 s21, $0x2;
	s21 =	sadd.s32 $0x200, s21  }
0x34: {  	[tilespmem:s20+$0x470] =	vst v0  }
0x35: {  	[tilespmem:s20+$0x400] =	vst v0  }
0x36: {  	[tilespmem:s20+$0x410] =	vst v0  }
0x37: {  	[tilespmem:s20+$0x420] =	vst v0  }
0x38: {  	[tilespmem:s20+$0x430] =	vst v0  }
0x39: {  	[tilespmem:s20+$0x440] =	vst v0  }
0x3a: {  	[tilespmem:s20+$0x450] =	vst v0  }
0x3b: {  	[tilespmem:s20+$0x460] =	vst v0  }
0x3c: {  	[spmem:s22] =	stream.linear.scatter [tilespmem:s19], [sflag:$0x9], $0x4000, $0x38;
	[tilespmem:$0x1C000] =	vst v63  }
0x3d: {  	_ =	swait.ge [sflag:s25], $0x4000  }
0x3e: {  	[sflag:s25] =	ssyncset.done $0x0  }
0x3f: {  	[sflag:s25] =	ssyncadd.s32 $0xFFFFC000  }
0x40: {  	[spmem:s23] =	stream.linear.scatter [tilespmem:s19], [sflag:$0x9], $0x4000, $0x38;
	[tilespmem:$0x1C000] =	vst v63  }
0x41: {  	_ =	swait.ge [sflag:s25], $0x4000  }
0x42: {  	[sflag:s25] =	ssyncset.done $0x0  }
0x43: {  	[sflag:s25] =	ssyncadd.s32 $0xFFFFC000  }
0x44: {  	[spmem:s7] =	stream.linear.scatter [tilespmem:s19], [sflag:$0x9], $0x4000, $0x38;
	[tilespmem:$0x1C000] =	vst v63  }
0x45: {  	_ =	swait.ge [sflag:s25], $0x4000  }
0x46: {  	[sflag:s25] =	ssyncset.done $0x0  }
0x47: {  	[sflag:s25] =	ssyncadd.s32 $0xFFFFC000  }
0x48: {  	[spmem:s24] =	stream.linear.scatter [tilespmem:s19], [sflag:$0x9], $0x4000, $0x38;
	[tilespmem:$0x1C000] =	vst v63  }
0x49: {  	_ =	swait.ge [sflag:s25], $0x4000  }
0x4a: {  	[sflag:s25] =	ssyncset.done $0x0  }
0x4b: {  	s5 =	rddreg [dreg:$0xe];
	[sflag:s25] =	ssyncadd.s32 $0xFFFFC000  }
0x4c: {  	[spmem:s5] =	stream.linear.scatter [tilespmem:s19], [sflag:$0x9], $0x3C00, $0x38;
	[tilespmem:$0x1C000] =	vst v63  }
0x4d: {  	_ =	swait.ge [sflag:s25], $0x3C00  }
0x4e: {  	[sflag:s25] =	ssyncset.done $0x0  }
0x4f: {  	[sflag:s25] =	ssyncadd.s32 $0xFFFFC400  }
0x50: {  	[bflag:$0x0] =	sbarrier.arrive $0xFFFF  }
0x51: {  	s9 =	smov.u32 s23;
	s20 =	simm.s32 $0x0;
	s23 =	rddreg [dreg:$0xf]  }
0x52: {  	[tilespmem:s20], [sflag:$0x1] =	stream.linear.gather [hbm4b:s23+s20], $0x80, $0x38;
	[tilespmem:$0x1C000] =	vst v63  }
0x53: {  	s24 =	rddreg [dreg:$0x10]  }
0x54: {  	[tilespmem:s26], [sflag:$0x1] =	stream.linear.gather [hbm4b:s24+s20], $0x80, $0x38;
	[tilespmem:$0x1C000] =	vst v63  }
0x55: {  	s6 =	rddreg [dreg:$0x11]  }
0x56: {  	[tilespmem:s28], [sflag:$0x2] =	stream.linear.gather [hbm4b:s6+s20], $0x80, $0x38;
	[tilespmem:$0x1C000] =	vst v63  }
0x57: {  	s7 =	rddreg [dreg:$0x12]  }
0x58: {  	[tilespmem:s29], [sflag:$0x2] =	stream.linear.gather [hbm4b:s7+s20], $0x80, $0x38;
	[tilespmem:$0x1C000] =	vst v63  }
0x59: {  	s21 =	rddreg [dreg:$0x13]  }
0x5a: {  	[tilespmem:s30], [sflag:$0x3] =	stream.linear.gather [hbm4b:s21+s20], $0x80, $0x38;
	[tilespmem:$0x1C000] =	vst v63  }
0x5b: {  	s8 =	smov.u32 s22;
	s22 =	rddreg [dreg:$0x14]  }
0x5c: {  	[tilespmem:s31], [sflag:$0x3] =	stream.linear.gather [hbm4b:s22+s20], $0x80, $0x38;
	[tilespmem:$0x1C000] =	vst v63  }
0x5d: {  	s23 =	rddreg [dreg:$0x15]  }
0x5e: {  	[tilespmem:s0], [sflag:$0x4] =	stream.linear.gather [hbm4b:s23+s20], $0x80, $0x38;
	[tilespmem:$0x1C000] =	vst v63  }
0x5f: {  	s24 =	rddreg [dreg:$0x16]  }
0x60: {  	[tilespmem:s4], [sflag:$0x4] =	stream.linear.gather [hbm4b:s24+s20], $0x80, $0x38;
	[tilespmem:$0x1C000] =	vst v63  }
0x61: {  	_ =	swait.ge [sflag:s10], $0x80  }
0x62: {  	[sflag:s10] =	ssyncset.done $0x0  }
0x63: {  	[sflag:s10] =	ssyncadd.s32 $0xFFFFFF80  }
0x64: {  	_ =	swait.ge [sflag:s10], $0x80  }
0x65: {  	[sflag:s10] =	ssyncset.done $0x0  }
0x66: {  	p0 =	por $0x1, $0x1;
	[sflag:s10] =	ssyncadd.s32 $0xFFFFFF80  }
0x67: {  	[tilespmem:s19], [sflag:$0x5] =	stream.indirect.gather [hbm4b:s1+s28], $0x80, s20, s28, $0xb8;
	[tilespmem:$0x1C000] =	vst v63  }
0x68: {  	s20 =	simm.s32 @!p0 $0x8  }
0x69: {  	s22 =	simm.s32 @!p0 $0x0;
	_ =	swait.ge @!p0 [sflag:s20], $0x4000  }
0x6a: {  	s23 =	simm.s32 @!p0 $0x180;
	s21 =	rddreg [dreg:$0xa];
	[sflag:s20] =	ssyncset.done @!p0 $0x0  }
0x6b: {  	[sflag:s20] =	ssyncadd.s32 @!p0 $0xFFFFC000;
	s20 =	rddreg [dreg:$0xb];
	s21 =	sadd.s32 @!p0 $0x0, s21  }
0x6c: {  	[tilespmem:s23], [sflag:$0x4] =	stream.linear.gather @!p0 [hbm4b:s21+s22], $0x80, $0x38;
	[tilespmem:$0x1C000] =	vst v63  }
0x6d: {  	s20 =	sadd.s32 @!p0 $0x0, s20;
	s21 =	simm.s32 @!p0 $0x380  }
0x6e: {  	[tilespmem:s21], [sflag:$0x4] =	stream.linear.gather @!p0 [hbm4b:s20+s22], $0x80, $0x38;
	[tilespmem:$0x1C000] =	vst v63  }
0x6f: {  	_ =	swait.ge [sflag:s11], $0x80  }
0x70: {  	[sflag:s11] =	ssyncset.done $0x0  }
0x71: {  	[sflag:s11] =	ssyncadd.s32 $0xFFFFFF80  }
0x72: {  	_ =	swait.ge [sflag:s11], $0x80  }
0x73: {  	[sflag:s11] =	ssyncset.done $0x0  }
0x74: {  	[sflag:s11] =	ssyncadd.s32 $0xFFFFFF80  }
0x75: {  	[tilespmem:s12], [sflag:$0x6] =	stream.indirect.gather [hbm4b:s1+s28], $0x80, s28, s28, $0xb8;
	[tilespmem:$0x1C000] =	vst v63  }
0x76: {  	_ =	swait.ge [sflag:s13], $0x4000  }
0x77: {  	[sflag:s13] =	ssyncset.done $0x0  }
0x78: {  	[sflag:s13] =	ssyncadd.s32 $0xFFFFC000  }
0x79: {  	[spmem:s2] =	stream.indirect.scatter.add.f32 [tilespmem:s19], [sflag:$0x7], $0x80, s26, s28, $0xb8;
	[tilespmem:$0x1C000] =	vst v63  }
0x7a: {  	p0 =	por $0x0, $0x0;
	_ =	swait.ge [sflag:s14], $0x4000  }
0x7b: {  	s22 =	simm.s32 @!p0 $0x0;
	s20 =	rddreg [dreg:$0x9];
	[sflag:s14] =	ssyncset.done $0x0  }
0x7c: {  	s21 =	rddreg [dreg:$0x8];
	[sflag:s14] =	ssyncadd.s32 $0xFFFFC000;
	s20 =	sadd.s32 @!p0 $0x0, s20  }
0x7d: {  	[tilespmem:s22], [sflag:$0x1] =	stream.linear.gather @!p0 [hbm4b:s20+s22], $0x80, $0x38;
	[tilespmem:$0x1C000] =	vst v63  }
0x7e: {  	s20 =	sadd.s32 @!p0 $0x0, s21;
	s21 =	simm.s32 @!p0 $0x200  }
0x7f: {  	[tilespmem:s21], [sflag:$0x1] =	stream.linear.gather @!p0 [hbm4b:s20+s22], $0x80, $0x38;
	[tilespmem:$0x1C000] =	vst v63  }
0x80: {  	_ =	swait.ge [sflag:s15], $0x80  }
0x81: {  	[sflag:s15] =	ssyncset.done $0x0  }
0x82: {  	[sflag:s15] =	ssyncadd.s32 $0xFFFFFF80  }
0x83: {  	_ =	swait.ge [sflag:s15], $0x80  }
0x84: {  	[sflag:s15] =	ssyncset.done $0x0  }
0x85: {  	[sflag:s15] =	ssyncadd.s32 $0xFFFFFF80  }
0x86: {  	[tilespmem:s19], [sflag:$0x5] =	stream.indirect.gather [hbm4b:s1+s28], $0x80, s30, s28, $0xb8;
	[tilespmem:$0x1C000] =	vst v63  }
0x87: {  	_ =	swait.ge [sflag:s16], $0x4000  }
0x88: {  	[sflag:s16] =	ssyncset.done $0x0  }
0x89: {  	[sflag:s16] =	ssyncadd.s32 $0xFFFFC000  }
0x8a: {  	[spmem:s2] =	stream.indirect.scatter.add.f32 [tilespmem:s12], [sflag:$0x8], $0x80, s29, s28, $0xb8;
	[tilespmem:$0x1C000] =	vst v63  }
0x8b: {  	_ =	swait.ge [sflag:s17], $0x4000  }
0x8c: {  	s23 =	simm.s32 @!p0 $0x80;
	s20 =	rddreg [dreg:$0x7];
	[sflag:s17] =	ssyncset.done $0x0  }
0x8d: {  	s21 =	rddreg [dreg:$0x6];
	[sflag:s17] =	ssyncadd.s32 $0xFFFFC000;
	s20 =	sadd.s32 @!p0 $0x0, s20  }
0x8e: {  	[tilespmem:s23], [sflag:$0x2] =	stream.linear.gather @!p0 [hbm4b:s20+s22], $0x80, $0x38;
	[tilespmem:$0x1C000] =	vst v63  }
0x8f: {  	s20 =	sadd.s32 @!p0 $0x0, s21;
	s21 =	simm.s32 @!p0 $0x280  }
0x90: {  	[tilespmem:s21], [sflag:$0x2] =	stream.linear.gather @!p0 [hbm4b:s20+s22], $0x80, $0x38;
	[tilespmem:$0x1C000] =	vst v63  }
0x91: {  	_ =	swait.ge [sflag:s18], $0x80  }
0x92: {  	[sflag:s18] =	ssyncset.done $0x0  }
0x93: {  	[sflag:s18] =	ssyncadd.s32 $0xFFFFFF80  }
0x94: {  	_ =	swait.ge [sflag:s18], $0x80  }
0x95: {  	[sflag:s18] =	ssyncset.done $0x0  }
0x96: {  	[sflag:s18] =	ssyncadd.s32 $0xFFFFFF80  }
0x97: {  	[tilespmem:s12], [sflag:$0x6] =	stream.indirect.gather [hbm4b:s1+s28], $0x80, s0, s28, $0xb8;
	[tilespmem:$0x1C000] =	vst v63  }
0x98: {  	_ =	swait.ge [sflag:s13], $0x4000  }
0x99: {  	[sflag:s13] =	ssyncset.done $0x0  }
0x9a: {  	[sflag:s13] =	ssyncadd.s32 $0xFFFFC000  }
0x9b: {  	[spmem:s2] =	stream.indirect.scatter.add.f32 [tilespmem:s19], [sflag:$0x7], $0x80, s31, s28, $0xb8;
	[tilespmem:$0x1C000] =	vst v63  }
0x9c: {  	_ =	swait.ge [sflag:s14], $0x4000  }
0x9d: {  	s24 =	simm.s32 @!p0 $0x100;
	s20 =	rddreg [dreg:$0x5];
	[sflag:s14] =	ssyncset.done $0x0  }
0x9e: {  	s21 =	rddreg [dreg:$0x4];
	[sflag:s14] =	ssyncadd.s32 $0xFFFFC000;
	s20 =	sadd.s32 @!p0 $0x0, s20  }
0x9f: {  	[tilespmem:s24], [sflag:$0x3] =	stream.linear.gather @!p0 [hbm4b:s20+s22], $0x80, $0x38;
	[tilespmem:$0x1C000] =	vst v63  }
0xa0: {  	s20 =	sadd.s32 @!p0 $0x0, s21;
	s21 =	simm.s32 @!p0 $0x300  }
0xa1: {  	[tilespmem:s21], [sflag:$0x3] =	stream.linear.gather @!p0 [hbm4b:s20+s22], $0x80, $0x38;
	[tilespmem:$0x1C000] =	vst v63  }
0xa2: {  	s20 =	simm.s32 @!p0 $0x1  }
0xa3: {  	_ =	swait.ge @!p0 [sflag:s20], $0x80  }
0xa4: {  	[sflag:s20] =	ssyncset.done @!p0 $0x0  }
0xa5: {  	[sflag:s20] =	ssyncadd.s32 @!p0 $0xFFFFFF80  }
0xa6: {  	_ =	swait.ge @!p0 [sflag:s20], $0x80  }
0xa7: {  	[sflag:s20] =	ssyncset.done @!p0 $0x0  }
0xa8: {  	[sflag:s20] =	ssyncadd.s32 @!p0 $0xFFFFFF80;
	s20 =	simm.s32 @!p0 $0x400  }
0xa9: {  	[tilespmem:s20], [sflag:$0x5] =	stream.indirect.gather @!p0 [hbm4b:s1+s23], $0x80, s22, s23, $0xb8;
	[tilespmem:$0x1C000] =	vst v63  }
0xaa: {  	p1 =	por $0x0, $0x0;
	_ =	swait.ge [sflag:s16], $0x4000  }
0xab: {  	s21 =	simm.s32 $0x80;
	s20 =	simm.s32 $0x40;
	[sflag:s16] =	ssyncset.done $0x0  }
.LBB2_4:
0xac: {  	s23 =	simm.s32 @!p1 $0x8;
	[sflag:s16] =	ssyncadd.s32 $0xFFFFC000  }
0xad: {  	[spmem:s2] =	stream.indirect.scatter.add.f32 [tilespmem:s12], [sflag:$0x8], $0x80, s4, s28, $0xb8;
	[tilespmem:$0x1C000] =	vst v63  }
0xae: {  	s5 =	simm.s32 @!p1 $0x0;
	_ =	swait.ge @!p1 [sflag:s23], $0x4000  }
0xaf: {  	s6 =	simm.s32 @!p1 $0x180;
	[sflag:s23] =	ssyncset.done @!p1 $0x0;
	s24 =	rddreg [dreg:$0xa]  }
0xb0: {  	[sflag:s23] =	ssyncadd.s32 @!p1 $0xFFFFC000;
	s23 =	rddreg [dreg:$0xb];
	s24 =	sadd.s32 @!p1 s20, s24  }
0xb1: {  	[tilespmem:s6], [sflag:$0x4] =	stream.linear.gather @!p1 [hbm4b:s24+s5], $0x80, $0x38;
	[tilespmem:$0x1C000] =	vst v63  }
0xb2: {  	s6 =	sadd.s32 @!p1 s20, s23;
	s23 =	simm.s32 @!p1 $0x380  }
0xb3: {  	[tilespmem:s23], [sflag:$0x4] =	stream.linear.gather @!p1 [hbm4b:s6+s5], $0x80, $0x38;
	[tilespmem:$0x1C000] =	vst v63  }
0xb4: {  	_ =	swait.ge [sflag:s11], $0x80  }
0xb5: {  	[sflag:s11] =	ssyncset.done $0x0  }
0xb6: {  	[sflag:s11] =	ssyncadd.s32 $0xFFFFFF80  }
0xb7: {  	_ =	swait.ge [sflag:s11], $0x80  }
0xb8: {  	[sflag:s11] =	ssyncset.done $0x0  }
0xb9: {  	[sflag:s11] =	ssyncadd.s32 $0xFFFFFF80  }
0xba: {  	[tilespmem:s12], [sflag:$0x6] =	stream.indirect.gather [hbm4b:s1+s28], $0x80, s28, s28, $0xb8;
	[tilespmem:$0x1C000] =	vst v63  }
0xbb: {  	_ =	swait.ge [sflag:s13], $0x4000  }
0xbc: {  	[sflag:s13] =	ssyncset.done $0x0  }
0xbd: {  	[sflag:s13] =	ssyncadd.s32 $0xFFFFC000  }
0xbe: {  	[spmem:s2] =	stream.indirect.scatter.add.f32 [tilespmem:s19], [sflag:$0x7], $0x80, s26, s28, $0xb8;
	[tilespmem:$0x1C000] =	vst v63  }
0xbf: {  	p1 =	seq.s32 s20, $0x4C0;
	_ =	swait.ge [sflag:s14], $0x4000  }
0xc0: {  	s23 =	simm.s32 @!p1 $0x0;
	s5 =	rddreg [dreg:$0x9];
	[sflag:s14] =	ssyncset.done $0x0  }
0xc1: {  	s6 =	rddreg [dreg:$0x8];
	[sflag:s14] =	ssyncadd.s32 $0xFFFFC000;
	s5 =	sadd.s32 @!p1 s20, s5  }
0xc2: {  	[tilespmem:s23], [sflag:$0x1] =	stream.linear.gather @!p1 [hbm4b:s5+s23], $0x80, $0x38;
	[tilespmem:$0x1C000] =	vst v63  }
0xc3: {  	s5 =	sadd.s32 @!p1 s20, s6;
	s6 =	simm.s32 @!p1 $0x200  }
0xc4: {  	[tilespmem:s6], [sflag:$0x1] =	stream.linear.gather @!p1 [hbm4b:s5+s23], $0x80, $0x38;
	[tilespmem:$0x1C000] =	vst v63  }
0xc5: {  	_ =	swait.ge [sflag:s15], $0x80  }
0xc6: {  	[sflag:s15] =	ssyncset.done $0x0  }
0xc7: {  	[sflag:s15] =	ssyncadd.s32 $0xFFFFFF80  }
0xc8: {  	_ =	swait.ge [sflag:s15], $0x80  }
0xc9: {  	[sflag:s15] =	ssyncset.done $0x0  }
0xca: {  	[sflag:s15] =	ssyncadd.s32 $0xFFFFFF80  }
0xcb: {  	[tilespmem:s19], [sflag:$0x5] =	stream.indirect.gather [hbm4b:s1+s28], $0x80, s30, s28, $0xb8;
	[tilespmem:$0x1C000] =	vst v63  }
0xcc: {  	_ =	swait.ge [sflag:s16], $0x4000  }
0xcd: {  	[sflag:s16] =	ssyncset.done $0x0  }
0xce: {  	[sflag:s16] =	ssyncadd.s32 $0xFFFFC000  }
0xcf: {  	[spmem:s2] =	stream.indirect.scatter.add.f32 [tilespmem:s12], [sflag:$0x8], $0x80, s29, s28, $0xb8;
	[tilespmem:$0x1C000] =	vst v63  }
0xd0: {  	_ =	swait.ge [sflag:s17], $0x4000  }
0xd1: {  	s24 =	simm.s32 @!p1 $0x80;
	s5 =	rddreg [dreg:$0x7];
	[sflag:s17] =	ssyncset.done $0x0  }
0xd2: {  	s6 =	rddreg [dreg:$0x6];
	[sflag:s17] =	ssyncadd.s32 $0xFFFFC000;
	s5 =	sadd.s32 @!p1 s20, s5  }
0xd3: {  	[tilespmem:s24], [sflag:$0x2] =	stream.linear.gather @!p1 [hbm4b:s5+s23], $0x80, $0x38;
	[tilespmem:$0x1C000] =	vst v63  }
0xd4: {  	s5 =	sadd.s32 @!p1 s20, s6;
	s6 =	simm.s32 @!p1 $0x280  }
0xd5: {  	[tilespmem:s6], [sflag:$0x2] =	stream.linear.gather @!p1 [hbm4b:s5+s23], $0x80, $0x38;
	[tilespmem:$0x1C000] =	vst v63  }
0xd6: {  	_ =	swait.ge [sflag:s18], $0x80  }
0xd7: {  	[sflag:s18] =	ssyncset.done $0x0  }
0xd8: {  	[sflag:s18] =	ssyncadd.s32 $0xFFFFFF80  }
0xd9: {  	_ =	swait.ge [sflag:s18], $0x80  }
0xda: {  	[sflag:s18] =	ssyncset.done $0x0  }
0xdb: {  	[sflag:s18] =	ssyncadd.s32 $0xFFFFFF80  }
0xdc: {  	[tilespmem:s12], [sflag:$0x6] =	stream.indirect.gather [hbm4b:s1+s28], $0x80, s0, s28, $0xb8;
	[tilespmem:$0x1C000] =	vst v63  }
0xdd: {  	_ =	swait.ge [sflag:s13], $0x4000  }
0xde: {  	[sflag:s13] =	ssyncset.done $0x0  }
0xdf: {  	[sflag:s13] =	ssyncadd.s32 $0xFFFFC000  }
0xe0: {  	[spmem:s2] =	stream.indirect.scatter.add.f32 [tilespmem:s19], [sflag:$0x7], $0x80, s31, s28, $0xb8;
	[tilespmem:$0x1C000] =	vst v63  }
0xe1: {  	_ =	swait.ge [sflag:s14], $0x4000  }
0xe2: {  	s7 =	simm.s32 @!p1 $0x100;
	s5 =	rddreg [dreg:$0x5];
	[sflag:s14] =	ssyncset.done $0x0  }
0xe3: {  	s6 =	rddreg [dreg:$0x4];
	[sflag:s14] =	ssyncadd.s32 $0xFFFFC000;
	s5 =	sadd.s32 @!p1 s20, s5  }
0xe4: {  	[tilespmem:s7], [sflag:$0x3] =	stream.linear.gather @!p1 [hbm4b:s5+s23], $0x80, $0x38;
	[tilespmem:$0x1C000] =	vst v63  }
0xe5: {  	s5 =	sadd.s32 @!p1 s20, s6;
	s6 =	simm.s32 @!p1 $0x300;
	s7 =	simm.s32 @!p1 $0x1  }
0xe6: {  	[tilespmem:s6], [sflag:$0x3] =	stream.linear.gather @!p1 [hbm4b:s5+s23], $0x80, $0x38;
	[tilespmem:$0x1C000] =	vst v63  }
0xe7: {  	_ =	swait.ge @!p1 [sflag:s7], $0x80  }
0xe8: {  	[sflag:s7] =	ssyncset.done @!p1 $0x0  }
0xe9: {  	s22 =	smov.u32 s21;
	s21 =	sadd.s32 $0x40, s21;
	[sflag:s7] =	ssyncadd.s32 @!p1 $0xFFFFFF80  }
0xea: {  	p0 =	sne.s32 s21, $0x500;
	_ =	swait.ge @!p1 [sflag:s7], $0x80  }
.Ltmp1:
0xeb: {  	[sflag:s7] =	ssyncset.done @!p1 $0x0;
	(pc) =	sbr.rel @p0 .LBB2_4-.Ltmp1, $4  }
0xec: {  	s5 =	simm.s32 @!p1 $0x400;
	[sflag:s7] =	ssyncadd.s32 @!p1 $0xFFFFFF80  }
0xed: {  	[tilespmem:s5], [sflag:$0x5] =	stream.indirect.gather @!p1 [hbm4b:s1+s24], $0x80, s23, s24, $0xb8;
	[tilespmem:$0x1C000] =	vst v63  }
0xee: {  	s20 =	smov.u32 s22;
	_ =	swait.ge [sflag:s16], $0x4000  }
0xef: {  	p1 =	seq.s32 s20, $0x0;
	[sflag:s16] =	ssyncset.done $0x0  }
0xf0: {  	s5 =	simm.s32 @!p1 $0x8;
	[sflag:s16] =	ssyncadd.s32 $0xFFFFC000  }
0xf1: {  	[spmem:s2] =	stream.indirect.scatter.add.f32 [tilespmem:s12], [sflag:$0x8], $0x80, s4, s28, $0xb8;
	[tilespmem:$0x1C000] =	vst v63  }
0xf2: {  	s7 =	simm.s32 @!p1 $0x0;
	_ =	swait.ge @!p1 [sflag:s5], $0x4000  }
0xf3: {  	s21 =	simm.s32 @!p1 $0x180;
	s6 =	rddreg [dreg:$0xa];
	[sflag:s5] =	ssyncset.done @!p1 $0x0  }
0xf4: {  	[sflag:s5] =	ssyncadd.s32 @!p1 $0xFFFFC000;
	s5 =	rddreg [dreg:$0xb];
	s6 =	sadd.s32 @!p1 s20, s6  }
0xf5: {  	[tilespmem:s21], [sflag:$0x4] =	stream.linear.gather @!p1 [hbm4b:s6+s7], $0x80, $0x38;
	[tilespmem:$0x1C000] =	vst v63  }
0xf6: {  	s5 =	sadd.s32 @!p1 s20, s5;
	s6 =	simm.s32 @!p1 $0x380  }
0xf7: {  	[tilespmem:s6], [sflag:$0x4] =	stream.linear.gather @!p1 [hbm4b:s5+s7], $0x80, $0x38;
	[tilespmem:$0x1C000] =	vst v63  }
0xf8: {  	_ =	swait.ge [sflag:s11], $0x80  }
0xf9: {  	[sflag:s11] =	ssyncset.done $0x0  }
0xfa: {  	[sflag:s11] =	ssyncadd.s32 $0xFFFFFF80  }
0xfb: {  	_ =	swait.ge [sflag:s11], $0x80  }
0xfc: {  	[sflag:s11] =	ssyncset.done $0x0  }
0xfd: {  	[sflag:s11] =	ssyncadd.s32 $0xFFFFFF80  }
0xfe: {  	[tilespmem:s12], [sflag:$0x6] =	stream.indirect.gather [hbm4b:s1+s28], $0x80, s28, s28, $0xb8;
	[tilespmem:$0x1C000] =	vst v63  }
0xff: {  	_ =	swait.ge [sflag:s13], $0x4000  }
0x100: {  	[sflag:s13] =	ssyncset.done $0x0  }
0x101: {  	[sflag:s13] =	ssyncadd.s32 $0xFFFFC000  }
0x102: {  	[spmem:s2] =	stream.indirect.scatter.add.f32 [tilespmem:s19], [sflag:$0x7], $0x80, s26, s28, $0xb8;
	[tilespmem:$0x1C000] =	vst v63  }
0x103: {  	p0 =	seq.s32 s20, $0x4C0;
	_ =	swait.ge [sflag:s14], $0x4000  }
0x104: {  	s7 =	simm.s32 @!p0 $0x0;
	s5 =	rddreg [dreg:$0x9];
	[sflag:s14] =	ssyncset.done $0x0  }
0x105: {  	s6 =	rddreg [dreg:$0x8];
	[sflag:s14] =	ssyncadd.s32 $0xFFFFC000;
	s5 =	sadd.s32 @!p0 s20, s5  }
0x106: {  	[tilespmem:s7], [sflag:$0x1] =	stream.linear.gather @!p0 [hbm4b:s5+s7], $0x80, $0x38;
	[tilespmem:$0x1C000] =	vst v63  }
0x107: {  	s5 =	sadd.s32 @!p0 s20, s6;
	s6 =	simm.s32 @!p0 $0x200  }
0x108: {  	[tilespmem:s6], [sflag:$0x1] =	stream.linear.gather @!p0 [hbm4b:s5+s7], $0x80, $0x38;
	[tilespmem:$0x1C000] =	vst v63  }
0x109: {  	_ =	swait.ge [sflag:s15], $0x80  }
0x10a: {  	[sflag:s15] =	ssyncset.done $0x0  }
0x10b: {  	[sflag:s15] =	ssyncadd.s32 $0xFFFFFF80  }
0x10c: {  	_ =	swait.ge [sflag:s15], $0x80  }
0x10d: {  	[sflag:s15] =	ssyncset.done $0x0  }
0x10e: {  	[sflag:s15] =	ssyncadd.s32 $0xFFFFFF80  }
0x10f: {  	[tilespmem:s19], [sflag:$0x5] =	stream.indirect.gather [hbm4b:s1+s28], $0x80, s30, s28, $0xb8;
	[tilespmem:$0x1C000] =	vst v63  }
0x110: {  	_ =	swait.ge [sflag:s16], $0x4000  }
0x111: {  	[sflag:s16] =	ssyncset.done $0x0  }
0x112: {  	[sflag:s16] =	ssyncadd.s32 $0xFFFFC000  }
0x113: {  	[spmem:s2] =	stream.indirect.scatter.add.f32 [tilespmem:s12], [sflag:$0x8], $0x80, s29, s28, $0xb8;
	[tilespmem:$0x1C000] =	vst v63  }
0x114: {  	_ =	swait.ge [sflag:s17], $0x4000  }
0x115: {  	s21 =	simm.s32 @!p0 $0x80;
	s5 =	rddreg [dreg:$0x7];
	[sflag:s17] =	ssyncset.done $0x0  }
0x116: {  	s6 =	rddreg [dreg:$0x6];
	[sflag:s17] =	ssyncadd.s32 $0xFFFFC000;
	s5 =	sadd.s32 @!p0 s20, s5  }
0x117: {  	[tilespmem:s21], [sflag:$0x2] =	stream.linear.gather @!p0 [hbm4b:s5+s7], $0x80, $0x38;
	[tilespmem:$0x1C000] =	vst v63  }
0x118: {  	s5 =	sadd.s32 @!p0 s20, s6;
	s6 =	simm.s32 @!p0 $0x280  }
0x119: {  	[tilespmem:s6], [sflag:$0x2] =	stream.linear.gather @!p0 [hbm4b:s5+s7], $0x80, $0x38;
	[tilespmem:$0x1C000] =	vst v63  }
0x11a: {  	_ =	swait.ge [sflag:s18], $0x80  }
0x11b: {  	[sflag:s18] =	ssyncset.done $0x0  }
0x11c: {  	[sflag:s18] =	ssyncadd.s32 $0xFFFFFF80  }
0x11d: {  	_ =	swait.ge [sflag:s18], $0x80  }
0x11e: {  	[sflag:s18] =	ssyncset.done $0x0  }
0x11f: {  	[sflag:s18] =	ssyncadd.s32 $0xFFFFFF80  }
0x120: {  	[tilespmem:s12], [sflag:$0x6] =	stream.indirect.gather [hbm4b:s1+s28], $0x80, s0, s28, $0xb8;
	[tilespmem:$0x1C000] =	vst v63  }
0x121: {  	_ =	swait.ge [sflag:s13], $0x4000  }
0x122: {  	[sflag:s13] =	ssyncset.done $0x0  }
0x123: {  	[sflag:s13] =	ssyncadd.s32 $0xFFFFC000  }
0x124: {  	[spmem:s2] =	stream.indirect.scatter.add.f32 [tilespmem:s19], [sflag:$0x7], $0x80, s31, s28, $0xb8;
	[tilespmem:$0x1C000] =	vst v63  }
0x125: {  	_ =	swait.ge [sflag:s14], $0x4000  }
0x126: {  	s22 =	simm.s32 @!p0 $0x100;
	s5 =	rddreg [dreg:$0x5];
	[sflag:s14] =	ssyncset.done $0x0  }
0x127: {  	s6 =	rddreg [dreg:$0x4];
	[sflag:s14] =	ssyncadd.s32 $0xFFFFC000;
	s5 =	sadd.s32 @!p0 s20, s5  }
0x128: {  	[tilespmem:s22], [sflag:$0x3] =	stream.linear.gather @!p0 [hbm4b:s5+s7], $0x80, $0x38;
	[tilespmem:$0x1C000] =	vst v63  }
0x129: {  	s5 =	sadd.s32 @!p0 s20, s6;
	s6 =	simm.s32 @!p0 $0x300  }
0x12a: {  	[tilespmem:s6], [sflag:$0x3] =	stream.linear.gather @!p0 [hbm4b:s5+s7], $0x80, $0x38;
	[tilespmem:$0x1C000] =	vst v63  }
0x12b: {  	s5 =	simm.s32 @!p0 $0x1  }
0x12c: {  	_ =	swait.ge @!p0 [sflag:s5], $0x80  }
0x12d: {  	[sflag:s5] =	ssyncset.done @!p0 $0x0  }
0x12e: {  	[sflag:s5] =	ssyncadd.s32 @!p0 $0xFFFFFF80  }
0x12f: {  	_ =	swait.ge @!p0 [sflag:s5], $0x80  }
0x130: {  	[sflag:s5] =	ssyncset.done @!p0 $0x0  }
0x131: {  	[sflag:s5] =	ssyncadd.s32 @!p0 $0xFFFFFF80;
	s5 =	simm.s32 @!p0 $0x400  }
0x132: {  	[tilespmem:s5], [sflag:$0x5] =	stream.indirect.gather @!p0 [hbm4b:s1+s21], $0x80, s7, s21, $0xb8;
	[tilespmem:$0x1C000] =	vst v63  }
0x133: {  	_ =	swait.ge [sflag:s16], $0x4000  }
0x134: {  	[sflag:s16] =	ssyncset.done $0x0  }
0x135: {  	[sflag:s16] =	ssyncadd.s32 $0xFFFFC000  }
0x136: {  	[spmem:s2] =	stream.indirect.scatter.add.f32 [tilespmem:s12], [sflag:$0x8], $0x80, s4, s28, $0xb8;
	[tilespmem:$0x1C000] =	vst v63  }
0x137: {  	_ =	swait.ge [sflag:s17], $0x4000  }
0x138: {  	[sflag:s17] =	ssyncset.done $0x0  }
0x139: {  	s7 =	stileid.u32;
	[sflag:s17] =	ssyncadd.s32 $0xFFFFC000  }
0x13a: {  	s22 =	smov.u32 s8;
	s5 =	sshll.u32 s7, $0x6;
	[bflag:$0x0] =	sbarrier.arrive $0xFFFF  }
0x13b: {  	s8 =	sshrl.u32 s8, $0x3;
	s5 =	sor.u32 $0x1C09, s5;
	s20 =	rddreg [dreg:$0x18]  }
0x13c: {  	[hbm:s20], [sflag:s5] =	dma.local [spmem:s8], $0x800  }
0x13d: {  	_ =	swait.ge [sflag:s25], $0x800  }
0x13e: {  	[sflag:s25] =	ssyncset.done $0x0  }
0x13f: {  	s21 =	sshrl.u32 s9, $0x3;
	s24 =	rddreg [dreg:$0x19];
	[sflag:s25] =	ssyncadd.s32 $0xFFFFF800  }
0x140: {  	[hbm:s24], [sflag:s5] =	dma.local [spmem:s21], $0x800  }
0x141: {  	_ =	swait.ge [sflag:s25], $0x800  }
0x142: {  	s23 =	smov.u32 s9;
	[sflag:s25] =	ssyncset.done $0x0;
	s7 =	rddreg [dreg:$0xc]  }
0x143: {  	s9 =	rddreg [dreg:$0x1a];
	[sflag:s25] =	ssyncadd.s32 $0xFFFFF800;
	s8 =	sshrl.u32 s7, $0x3  }
0x144: {  	[hbm:s9], [sflag:s5] =	dma.local [spmem:s8], $0x800  }
0x145: {  	_ =	swait.ge [sflag:s25], $0x800  }
0x146: {  	[sflag:s25] =	ssyncset.done $0x0;
	s24 =	rddreg [dreg:$0xd]  }
0x147: {  	s21 =	rddreg [dreg:$0x1b];
	[sflag:s25] =	ssyncadd.s32 $0xFFFFF800;
	s20 =	sshrl.u32 s24, $0x3  }
0x148: {  	[hbm:s21], [sflag:s5] =	dma.local [spmem:s20], $0x800  }
0x149: {  	_ =	swait.ge [sflag:s25], $0x800  }
0x14a: {  	[sflag:s25] =	ssyncset.done $0x0;
	s9 =	rddreg [dreg:$0xe]  }
0x14b: {  	s20 =	rddreg [dreg:$0x1c];
	[sflag:s25] =	ssyncadd.s32 $0xFFFFF800;
	s6 =	sshrl.u32 s9, $0x3  }
0x14c: {  	[hbm:s20], [sflag:s5] =	dma.local [spmem:s6], $0x780  }
0x14d: {  	_ =	swait.ge [sflag:s25], $0x780  }
0x14e: {  	s3 =	sadd.s32 $0x1, s3;
	s21 =	rddreg [dreg:$0x17]  }
0x14f: {  	p0 =	sne.s32 s3, s21  }
.Ltmp2:
0x150: {  	_ = 	snop;
	(pc) =	sbr.rel @p0 .LBB2_1-.Ltmp2, $3  }
0x151: {  	_ =	sdelay $0x1  }
0x152: {  	[sflag:s25] =	ssyncset.done $0x0  }
0x153: {  	[sflag:s25] =	ssyncadd.s32 $0xFFFFF880  }
0x154: {  	_ =	sfence.sel $0x180000  }
0x155: {  	[bflag:$0x0] =	sbarrier.arrive $0xFFFF  }
0x156: {  	_ =	strace $0x9000004A  }
0x157: {  	s0 =	stileid.u32;
	[bflag:$0x2] =	sbarrier.arrive $0xFFFF  }
0x158: {  	p0 =	sne.s32 s0, $0x0;
	s0 =	rddreg [dreg:$0x3]  }
0x159: {  	s0 =	sadd.s32 @!p0 $0x100000, s0  }
0x15a: {  	[sflag:s0] =	ssyncadd.tile.s32 @!p0 $0x1;
	_ =	shalt  }
.Lfunc_end2:
_tile_overlayer_lowered:
.L_overlay_start_2:
0x15b: {  	(tag) =	ssettag $0x2  }
0x15c: {  	s0 =	rddreg [dreg:$0x0];
	s2 =	stileid.u32  }
0x15d: {  	s1 =	rddreg [dreg:$0x1];
	p0 =	sne.s32 s2, $0x0  }
0x15e: {  	s3 =	rddreg [dreg:$0x2];
	[bflag:$0x3] =	sbarrier.arrive $0xFFFF;
	s2 =	simm.s32 @!p0 $0x1C09  }
0x15f: {  	[timem:s3], [sflag:s2] =	dma.local @!p0 [hbm:s0], s1  }
0x160: {  	s0 =	simm.s32 @!p0 $0x9  }
0x161: {  	_ =	swait.ge @!p0 [sflag:s0], s1  }
0x162: {  	s1 =	ssub.s32 @!p0 $0x0, s1;
	[sflag:s0] =	ssyncset.done @!p0 $0x0  }
0x163: {  	[sflag:s0] =	ssyncadd.s32 @!p0 s1  }
0x164: {  	[bflag:$0x3] =	sbarrier.arrive $0xFFFF  }
0x165: {  	_ =	shalt  }

</sc_bundles>
